<compile_context>
chip_gen: v7x
topology: tpu7x:2x2x1
jax: 0.10.2.dev20260603
libtpu: 0.0.44.dev20260713+nightly
codegen_flags: <defaults>
</compile_context>

<pallas_src>
import functools

import jax
import jax.numpy as jnp
from jax import lax
from jax.experimental import pallas as pl
from jax.experimental.pallas import tpu as pltpu
from jax.experimental.pallas import tpu_sc as plsc

_NUM_TX = 4
_NUM_ST = 2
_NUM_SYM = 14
_FFT = 4096
_BATCH = 64
_PILOT_SYMS = (2, 11)
_HALF = _FFT // 2
_NDATA = _NUM_SYM * _FFT - len(_PILOT_SYMS) * _HALF
_LANE = 128
_XRPU = _NUM_ST * _NDATA // _LANE
_ORPU = _NUM_ST * _NUM_SYM * _FFT // _LANE
_UNITS = _BATCH * _NUM_TX
_FTPS = _FFT // _LANE
_HROWS = _XRPU // 2


def _row_segments():
    dense, pilots = [], []
    x_row = out_row = 0
    run_x = run_out = 0
    for s in range(_NUM_SYM):
        if s in _PILOT_SYMS:
            if out_row > run_out:
                dense.append((run_x, run_out, out_row - run_out))
            pilots.append((x_row, out_row, s))
            x_row += _NUM_ST * _HALF // _LANE
            out_row += _NUM_ST * _FTPS
            run_x, run_out = x_row, out_row
        else:
            x_row += _NUM_ST * _FFT // _LANE
            out_row += _NUM_ST * _FTPS
    if out_row > run_out:
        dense.append((run_x, run_out, out_row - run_out))
    return tuple(dense), tuple(pilots)


_DENSE_ROWS, _PILOT_ROWS = _row_segments()


def _half_plans():
    plans = []
    for hi in range(2):
        lo, hi_r = hi * _HROWS, (hi + 1) * _HROWS
        outs = []
        for xr, orr, n in _DENSE_ROWS:
            a, b = max(xr, lo), min(xr + n, hi_r)
            if a < b:
                outs.append((a - lo, orr + (a - xr), b - a))
        (pilot,) = [(xr - lo, orr, sym) for xr, orr, sym in _PILOT_ROWS
                    if lo <= xr < hi_r]
        plans.append((tuple(outs), pilot))
    return tuple(plans)


_HALF_PLANS = _half_plans()

_INFO = plsc.get_sparse_core_info()
_NW = _INFO.num_cores * _INFO.num_subcores
_UPW = _UNITS // _NW

_mesh = plsc.VectorSubcoreMesh(core_axis_name="c", subcore_axis_name="s")


@functools.partial(
    pl.kernel,
    mesh=_mesh,
    out_type=jax.ShapeDtypeStruct((_UNITS * _ORPU, _LANE), jnp.float32),
    compiler_params=pltpu.CompilerParams(needs_layout_passes=False),
    scratch_types=(
        [pltpu.VMEM((_HROWS, _LANE), jnp.float32)] * 2
        + [pltpu.VMEM((64, _LANE), jnp.float32)] * 2
        + [pltpu.SemaphoreType.DMA] * 8
    ),
)
def _rg_map(x_hbm, tmpl_hbm, out_hbm,
            xb0, xb1, pr0, pr1,
            sin0, sin1, sdo00, sdo01, sdo10, sdo11, spo0, spo1):
    wid = lax.axis_index("s") * _INFO.num_cores + lax.axis_index("c")
    tx = lax.rem(wid, _NUM_TX)
    bgroup = wid // _NUM_TX
    iota = lax.iota(jnp.int32, 16)

    xb = (xb0, xb1)
    sin = (sin0, sin1)
    sdo = ((sdo00, sdo01), (sdo10, sdo11))
    spo = (spo0, spo1)
    pr = (pr0, pr1)

    for s, (_, _, sym) in enumerate(_PILOT_ROWS):
        for st in range(_NUM_ST):
            tbase = ((tx * _NUM_ST + st) * _NUM_SYM + sym) * _FTPS
            pltpu.sync_copy(tmpl_hbm.at[pl.ds(tbase, _FTPS)],
                            xb0.at[pl.ds(0, _FTPS)])

            def tcopy(k, c, s=s, st=st):
                ft, g = k >> 3, k & 7
                pr[s][ft * 2 + st, pl.ds(16 * g, 16)] = \
                    xb0[ft, pl.ds(16 * g, 16)]
                return c

            lax.fori_loop(0, _FTPS * 8, tcopy, 0)

    def half_in(uu, q):
        u = (bgroup * _UPW + uu) * _NUM_TX + tx
        return pltpu.async_copy(
            x_hbm.at[pl.ds(u * _XRPU + q * _HROWS, _HROWS)], xb[q], sin[q])

    in_h = [None, None]
    out_hs = [[None, None, None], [None, None, None]]
    halves = [(uu, q) for uu in range(_UPW) for q in range(2)]

    in_h[0] = half_in(0, 0)
    for idx, (uu, q) in enumerate(halves):
        if idx + 1 < len(halves):
            nuu, nq = halves[idx + 1]
            for h in out_hs[nq]:
                if h is not None:
                    h.wait()
            out_hs[nq] = [None, None, None]
            in_h[nq] = half_in(nuu, nq)
        in_h[q].wait()
        u = (bgroup * _UPW + uu) * _NUM_TX + tx
        obase = u * _ORPU
        douts, (pxb, porr, _) = _HALF_PLANS[q]
        for j, (xboff, orr, n) in enumerate(douts):
            out_hs[q][j] = pltpu.async_copy(
                xb[q].at[pl.ds(xboff, n)],
                out_hbm.at[pl.ds(obase + orr, n)], sdo[q][j])

        def scat(kk, c, q=q, pxb=pxb):
            r, g = kk >> 3, kk & 7
            ct, st = r >> 1, r & 1
            dst_row = (2 * ct + (g >> 2)) * 2 + st
            xv = xb[q][pxb + r, pl.ds(16 * g, 16)]
            rows = jnp.full((16,), dst_row, jnp.int32)
            cols = 32 * (g & 3) + 2 * iota + 1
            plsc.store_scatter(pr[q], [rows, cols], xv)
            return c

        lax.fori_loop(0, 32 * 8, scat, 0)
        out_hs[q][2] = pltpu.async_copy(
            pr[q], out_hbm.at[pl.ds(obase + porr, 64)], spo[q])
    for hs in out_hs:
        for h in hs:
            if h is not None:
                h.wait()


def kernel(x, template, data_ind):
    del data_ind
    assert x.shape == (_BATCH, _NUM_TX, _NUM_ST, _NDATA), x.shape
    x5 = x.reshape(_BATCH, _NUM_TX, _NUM_ST, _NDATA // _LANE, _LANE)
    x5 = x5.transpose(0, 1, 3, 2, 4).reshape(_UNITS * _XRPU, _LANE)
    t2 = template.reshape(-1, _LANE)
    out2 = _rg_map(x5, t2)
    out = out2.reshape(_BATCH, _NUM_TX, _NUM_SYM, _FTPS, _NUM_ST, _LANE)
    out = out.transpose(0, 1, 4, 2, 3, 5)
    return out.reshape(_BATCH, _NUM_TX, _NUM_ST, _NUM_SYM, _FFT)

# --- scband reference (transcript-rebuilt; emitter-appended) ---
"""Pipeline reference for scband-resource-grid-mapper-20031727468946 (READ-ONLY COPY).

The authoritative reference and input builder live on the scoring server;
editing this copy changes nothing except your own understanding.
"""

import jax, jax.numpy as jnp
import numpy as np

NUM_TX = 4
NUM_ST = 2
NUM_SYM = 14
FFT = 4096
BATCH = 64
PILOT_SYMS = (2, 11)
PILOT_STRIDE = 2
T = NUM_TX * NUM_ST * NUM_SYM * FFT


def _build_grid():
    # rg_type: 1 = pilot, 0 = data (mirrors ResourceGrid.build_type_grid)
    rg_type = np.zeros((NUM_TX, NUM_ST, NUM_SYM, FFT), np.int32)
    for s in PILOT_SYMS:
        rg_type[:, :, s, ::PILOT_STRIDE] = 1
    flat = rg_type.reshape(-1)
    pilot_ind = np.where(flat == 1)[0]
    data_ind = np.where(flat == 0)[0]
    return pilot_ind, data_ind


def setup_inputs(seed: int = 0) -> dict:
    key = jax.random.key(seed)
    k1, k2 = jax.random.split(key)
    pilot_ind, data_ind = _build_grid()
    n_data = data_ind.shape[0] // (NUM_TX * NUM_ST)
    # modulated data symbols (complex simplified to real float32)
    x = jax.random.normal(k1, (BATCH, NUM_TX, NUM_ST, n_data), dtype=jnp.float32)
    # pilot values (the precomputed template from build())
    pilots = jax.random.normal(k2, (pilot_ind.shape[0],), dtype=jnp.float32)
    template = jnp.zeros((T,), jnp.float32).at[jnp.asarray(pilot_ind)].set(pilots)
    return {
        "x": x,
        "template": template,
        "data_ind": jnp.asarray(data_ind, jnp.int32),
    }


def reference(x, template, data_ind):
    # Faithful translation of ResourceGridMapper.call:
    #   template: [T] prefilled with pilots, broadcast over batch -> [T, B]
    #   inputs: flatten_last_dims(x, 3) then transpose -> [N_data, B]
    #   tensor_scatter_nd_update at data_ind (overwrite scatter)
    #   final transpose -> [B, num_tx, num_streams, num_ofdm_symbols, fft_size]
    B = x.shape[0]
    tmpl = jnp.broadcast_to(template[:, None], (template.shape[0], B))
    xt = jnp.transpose(x.reshape(B, -1))  # [N_data, B]
    rg = tmpl.at[data_ind].set(xt)
    rg = rg.reshape(NUM_TX, NUM_ST, NUM_SYM, FFT, B)
    return jnp.transpose(rg, (4, 0, 1, 2, 3))

if __name__ == "__main__":
    import jax
    _d = setup_inputs()
    print(jax.jit(kernel)(*tuple(_d.values())))

</pallas_src>

<mosaic_0001>
#map = affine_map<(d0, d1) -> (0, 0)>
module attributes {stable_mosaic.version = 14 : i64} {
  func.func @_rg_map(%arg0: i32, %arg1: i32, %arg2: memref<212992x128xf32, #tpu.memory_space<hbm>>, %arg3: memref<3584x128xf32, #tpu.memory_space<hbm>>, %arg4: memref<229376x128xf32, #tpu.memory_space<hbm>>, %arg5: memref<416x128xf32, #tpu.memory_space<vmem>>, %arg6: memref<416x128xf32, #tpu.memory_space<vmem>>, %arg7: memref<64x128xf32, #tpu.memory_space<vmem>>, %arg8: memref<64x128xf32, #tpu.memory_space<vmem>>, %arg9: memref<!tpu.dma_semaphore, #tpu.memory_space<semaphore_mem>>, %arg10: memref<!tpu.dma_semaphore, #tpu.memory_space<semaphore_mem>>, %arg11: memref<!tpu.dma_semaphore, #tpu.memory_space<semaphore_mem>>, %arg12: memref<!tpu.dma_semaphore, #tpu.memory_space<semaphore_mem>>, %arg13: memref<!tpu.dma_semaphore, #tpu.memory_space<semaphore_mem>>, %arg14: memref<!tpu.dma_semaphore, #tpu.memory_space<semaphore_mem>>, %arg15: memref<!tpu.dma_semaphore, #tpu.memory_space<semaphore_mem>>, %arg16: memref<!tpu.dma_semaphore, #tpu.memory_space<semaphore_mem>>) attributes {dimension_semantics = [#tpu.dimension_semantics<core_parallel>, #tpu.dimension_semantics<subcore_parallel>], iteration_bounds = array<i64: 2, 16>, scalar_prefetch = 0 : i64, scratch_operands = 12 : i64, tpu.core_type = #tpu.core_type<sc_vector_subcore>, window_params = [{transform_indices = #map}, {transform_indices = #map}, {transform_indices = #map}]} {
    %mul3A = arith.constant 2 : i32
    %mul3A_0 = arith.muli %arg1, %mul3A : i32
    %add3A = arith.addi %mul3A_0, %arg0 : i32
    %rem3A = arith.constant 4 : i32
    %rem3A_1 = arith.remsi %add3A, %rem3A : i32
    %jit3A = arith.constant 4 : i32
    %div3A = arith.divsi %add3A, %jit3A : i32
    %sign3A = arith.constant 0 : i32
    %sign3A_2 = arith.cmpi sgt, %add3A, %sign3A : i32
    %sign3A_3 = arith.extui %sign3A_2 : i1 to i32
    %sign3A_4 = arith.constant 0 : i32
    %sign3A_5 = arith.cmpi slt, %add3A, %sign3A_4 : i32
    %sign3A_6 = arith.extui %sign3A_5 : i1 to i32
    %sign3A_7 = arith.subi %sign3A_3, %sign3A_6 : i32
    %sign3A_8 = arith.constant 0 : i32
    %sign3A_9 = arith.cmpi sgt, %jit3A, %sign3A_8 : i32
    %sign3A_10 = arith.extui %sign3A_9 : i1 to i32
    %sign3A_11 = arith.constant 0 : i32
    %sign3A_12 = arith.cmpi slt, %jit3A, %sign3A_11 : i32
    %sign3A_13 = arith.extui %sign3A_12 : i1 to i32
    %sign3A_14 = arith.subi %sign3A_10, %sign3A_13 : i32
    %ne3A = arith.cmpi ne, %sign3A_7, %sign3A_14 : i32
    %rem3A_15 = arith.remsi %add3A, %jit3A : i32
    %ne3A_16 = arith.constant 0 : i32
    %ne3A_17 = arith.cmpi ne, %rem3A_15, %ne3A_16 : i32
    %and3A = arith.andi %ne3A, %ne3A_17 : i1
    %sub3A = arith.constant 1 : i32
    %sub3A_18 = arith.subi %div3A, %sub3A : i32
    %select_n3A = arith.select %and3A, %sub3A_18, %div3A : i32
    %iota3A = tpu.iota {dimensions = array<i32: 0>} : vector<16xi32>
    %mul3A_19 = arith.constant 2 : i32
    %mul3A_20 = arith.muli %rem3A_1, %mul3A_19 : i32
    %add3A_21 = arith.constant 0 : i32
    %add3A_22 = arith.addi %mul3A_20, %add3A_21 : i32
    %mul3A_23 = arith.constant 14 : i32
    %mul3A_24 = arith.muli %add3A_22, %mul3A_23 : i32
    %add3A_25 = arith.constant 2 : i32
    %add3A_26 = arith.addi %mul3A_24, %add3A_25 : i32
    %mul3A_27 = arith.constant 32 : i32
    %mul3A_28 = arith.muli %add3A_26, %mul3A_27 : i32
    "tpu.region"() ({
      %run_scoped3A = tpu.sem_alloc : memref<!tpu.dma_semaphore, #tpu.memory_space<semaphore_mem>>
      %dma_start3A_1488 = arith.constant 0 : i32
      %dma_start3A_1489 = arith.constant 0 : i32
      %dma_start3A_1490 = tpu.memref_slice %arg5[%dma_start3A_1488, %dma_start3A_1489] : memref<416x128xf32, #tpu.memory_space<vmem>> -> memref<32x128xf32, #tpu.memory_space<vmem>>
      %dma_start3A_1491 = arith.constant 0 : i32
      %dma_start3A_1492 = tpu.memref_slice %arg3[%mul3A_28, %dma_start3A_1491] : memref<3584x128xf32, #tpu.memory_space<hbm>> -> memref<32x128xf32, #tpu.memory_space<hbm>>
      %dma_start3A_1493 = arith.constant 0 : i32
      %dma_start3A_1494 = arith.constant 0 : i32
      %dma_start3A_1495 = tpu.memref_slice %arg5[%dma_start3A_1493, %dma_start3A_1494] : memref<416x128xf32, #tpu.memory_space<vmem>> -> memref<32x128xf32, #tpu.memory_space<vmem>>
      %dma_start3A_1496 = arith.constant 0 : i32
      %dma_start3A_1497 = tpu.memref_slice %arg3[%mul3A_28, %dma_start3A_1496] : memref<3584x128xf32, #tpu.memory_space<hbm>> -> memref<32x128xf32, #tpu.memory_space<hbm>>
      tpu.enqueue_dma source(%dma_start3A_1497 : memref<32x128xf32, #tpu.memory_space<hbm>>) target(%dma_start3A_1495 : memref<32x128xf32, #tpu.memory_space<vmem>>) target_semaphore(%run_scoped3A : memref<!tpu.dma_semaphore, #tpu.memory_space<semaphore_mem>>)
      %dma_wait3A_1498 = arith.constant 0 : i32
      %dma_wait3A_1499 = arith.constant 0 : i32
      %dma_wait3A_1500 = tpu.memref_slice %arg5[%dma_wait3A_1498, %dma_wait3A_1499] : memref<416x128xf32, #tpu.memory_space<vmem>> -> memref<32x128xf32, #tpu.memory_space<vmem>>
      %dma_wait3A_1501 = arith.constant 0 : i32
      %dma_wait3A_1502 = tpu.memref_slice %arg3[%mul3A_28, %dma_wait3A_1501] : memref<3584x128xf32, #tpu.memory_space<hbm>> -> memref<32x128xf32, #tpu.memory_space<hbm>>
      %dma_wait3A_1503 = arith.constant 0 : i32
      %dma_wait3A_1504 = arith.constant 0 : i32
      %dma_wait3A_1505 = tpu.memref_slice %arg5[%dma_wait3A_1503, %dma_wait3A_1504] : memref<416x128xf32, #tpu.memory_space<vmem>> -> memref<32x128xf32, #tpu.memory_space<vmem>>
      %dma_wait3A_1506 = arith.constant 0 : i32
      %dma_wait3A_1507 = tpu.memref_slice %arg3[%mul3A_28, %dma_wait3A_1506] : memref<3584x128xf32, #tpu.memory_space<hbm>> -> memref<32x128xf32, #tpu.memory_space<hbm>>
      tpu.wait_dma2 semaphore(%run_scoped3A : memref<!tpu.dma_semaphore, #tpu.memory_space<semaphore_mem>>) src(%dma_wait3A_1507 : memref<32x128xf32, #tpu.memory_space<hbm>>) dst(%dma_wait3A_1505 : memref<32x128xf32, #tpu.memory_space<vmem>>)
      tpu.yield
    }) : () -> ()
    %scan3A = arith.constant 0 : i32
    %scan3A_29 = arith.constant 0 : i32
    %scan3A_30 = arith.constant 256 : i32
    %scan3A_31 = arith.addi %scan3A_29, %scan3A_30 : i32
    %scan3A_32 = arith.constant 1 : i32
    scf.for %scan3A_1488 = %scan3A_29 to %scan3A_31 step %scan3A_32  : i32 {
      %shift_right_arithmetic3A = arith.constant 3 : i32
      %shift_right_arithmetic3A_1489 = arith.shrsi %scan3A_1488, %shift_right_arithmetic3A : i32
      %and3A_1490 = arith.constant 7 : i32
      %and3A_1491 = arith.andi %scan3A_1488, %and3A_1490 : i32
      %mul3A_1492 = arith.constant 16 : i32
      %mul3A_1493 = arith.muli %mul3A_1492, %and3A_1491 : i32
      %get3A = arith.index_cast %shift_right_arithmetic3A_1489 : i32 to index
      %get3A_1494 = arith.index_cast %mul3A_1493 : i32 to index
      %get3A_1495 = tpu.vector_load %arg5[%get3A, %get3A_1494] {strides = array<i32>} : memref<416x128xf32, #tpu.memory_space<vmem>>, vector<16xf32>,
      %mul3A_1496 = arith.constant 2 : i32
      %mul3A_1497 = arith.muli %shift_right_arithmetic3A_1489, %mul3A_1496 : i32
      %add3A_1498 = arith.constant 0 : i32
      %add3A_1499 = arith.addi %mul3A_1497, %add3A_1498 : i32
      %mul3A_1500 = arith.constant 16 : i32
      %mul3A_1501 = arith.muli %mul3A_1500, %and3A_1491 : i32
      %swap3A = arith.index_cast %add3A_1499 : i32 to index
      %swap3A_1502 = arith.index_cast %mul3A_1501 : i32 to index
      %swap3A_1503 = tpu.vector_load %arg7[%swap3A, %swap3A_1502] {strides = array<i32>} : memref<64x128xf32, #tpu.memory_space<vmem>>, vector<16xf32>,
      tpu.vector_store %arg7[%swap3A, %swap3A_1502], %get3A_1495 {strides = array<i32>} : memref<64x128xf32, #tpu.memory_space<vmem>>, vector<16xf32>,
    }
    %scan3A_33 = arith.constant 256 : i32
    %mul3A_34 = arith.constant 2 : i32
    %mul3A_35 = arith.muli %rem3A_1, %mul3A_34 : i32
    %add3A_36 = arith.constant 1 : i32
    %add3A_37 = arith.addi %mul3A_35, %add3A_36 : i32
    %mul3A_38 = arith.constant 14 : i32
    %mul3A_39 = arith.muli %add3A_37, %mul3A_38 : i32
    %add3A_40 = arith.constant 2 : i32
    %add3A_41 = arith.addi %mul3A_39, %add3A_40 : i32
    %mul3A_42 = arith.constant 32 : i32
    %mul3A_43 = arith.muli %add3A_41, %mul3A_42 : i32
    "tpu.region"() ({
      %run_scoped3A = tpu.sem_alloc : memref<!tpu.dma_semaphore, #tpu.memory_space<semaphore_mem>>
      %dma_start3A_1488 = arith.constant 0 : i32
      %dma_start3A_1489 = arith.constant 0 : i32
      %dma_start3A_1490 = tpu.memref_slice %arg5[%dma_start3A_1488, %dma_start3A_1489] : memref<416x128xf32, #tpu.memory_space<vmem>> -> memref<32x128xf32, #tpu.memory_space<vmem>>
      %dma_start3A_1491 = arith.constant 0 : i32
      %dma_start3A_1492 = tpu.memref_slice %arg3[%mul3A_43, %dma_start3A_1491] : memref<3584x128xf32, #tpu.memory_space<hbm>> -> memref<32x128xf32, #tpu.memory_space<hbm>>
      %dma_start3A_1493 = arith.constant 0 : i32
      %dma_start3A_1494 = arith.constant 0 : i32
      %dma_start3A_1495 = tpu.memref_slice %arg5[%dma_start3A_1493, %dma_start3A_1494] : memref<416x128xf32, #tpu.memory_space<vmem>> -> memref<32x128xf32, #tpu.memory_space<vmem>>
      %dma_start3A_1496 = arith.constant 0 : i32
      %dma_start3A_1497 = tpu.memref_slice %arg3[%mul3A_43, %dma_start3A_1496] : memref<3584x128xf32, #tpu.memory_space<hbm>> -> memref<32x128xf32, #tpu.memory_space<hbm>>
      tpu.enqueue_dma source(%dma_start3A_1497 : memref<32x128xf32, #tpu.memory_space<hbm>>) target(%dma_start3A_1495 : memref<32x128xf32, #tpu.memory_space<vmem>>) target_semaphore(%run_scoped3A : memref<!tpu.dma_semaphore, #tpu.memory_space<semaphore_mem>>)
      %dma_wait3A_1498 = arith.constant 0 : i32
      %dma_wait3A_1499 = arith.constant 0 : i32
      %dma_wait3A_1500 = tpu.memref_slice %arg5[%dma_wait3A_1498, %dma_wait3A_1499] : memref<416x128xf32, #tpu.memory_space<vmem>> -> memref<32x128xf32, #tpu.memory_space<vmem>>
      %dma_wait3A_1501 = arith.constant 0 : i32
      %dma_wait3A_1502 = tpu.memref_slice %arg3[%mul3A_43, %dma_wait3A_1501] : memref<3584x128xf32, #tpu.memory_space<hbm>> -> memref<32x128xf32, #tpu.memory_space<hbm>>
      %dma_wait3A_1503 = arith.constant 0 : i32
      %dma_wait3A_1504 = arith.constant 0 : i32
      %dma_wait3A_1505 = tpu.memref_slice %arg5[%dma_wait3A_1503, %dma_wait3A_1504] : memref<416x128xf32, #tpu.memory_space<vmem>> -> memref<32x128xf32, #tpu.memory_space<vmem>>
      %dma_wait3A_1506 = arith.constant 0 : i32
      %dma_wait3A_1507 = tpu.memref_slice %arg3[%mul3A_43, %dma_wait3A_1506] : memref<3584x128xf32, #tpu.memory_space<hbm>> -> memref<32x128xf32, #tpu.memory_space<hbm>>
      tpu.wait_dma2 semaphore(%run_scoped3A : memref<!tpu.dma_semaphore, #tpu.memory_space<semaphore_mem>>) src(%dma_wait3A_1507 : memref<32x128xf32, #tpu.memory_space<hbm>>) dst(%dma_wait3A_1505 : memref<32x128xf32, #tpu.memory_space<vmem>>)
      tpu.yield
    }) : () -> ()
    %scan3A_44 = arith.constant 0 : i32
    %scan3A_45 = arith.constant 0 : i32
    %scan3A_46 = arith.constant 256 : i32
    %scan3A_47 = arith.addi %scan3A_45, %scan3A_46 : i32
    %scan3A_48 = arith.constant 1 : i32
    scf.for %scan3A_1488 = %scan3A_45 to %scan3A_47 step %scan3A_48  : i32 {
      %shift_right_arithmetic3A = arith.constant 3 : i32
      %shift_right_arithmetic3A_1489 = arith.shrsi %scan3A_1488, %shift_right_arithmetic3A : i32
      %and3A_1490 = arith.constant 7 : i32
      %and3A_1491 = arith.andi %scan3A_1488, %and3A_1490 : i32
      %mul3A_1492 = arith.constant 16 : i32
      %mul3A_1493 = arith.muli %mul3A_1492, %and3A_1491 : i32
      %get3A = arith.index_cast %shift_right_arithmetic3A_1489 : i32 to index
      %get3A_1494 = arith.index_cast %mul3A_1493 : i32 to index
      %get3A_1495 = tpu.vector_load %arg5[%get3A, %get3A_1494] {strides = array<i32>} : memref<416x128xf32, #tpu.memory_space<vmem>>, vector<16xf32>,
      %mul3A_1496 = arith.constant 2 : i32
      %mul3A_1497 = arith.muli %shift_right_arithmetic3A_1489, %mul3A_1496 : i32
      %add3A_1498 = arith.constant 1 : i32
      %add3A_1499 = arith.addi %mul3A_1497, %add3A_1498 : i32
      %mul3A_1500 = arith.constant 16 : i32
      %mul3A_1501 = arith.muli %mul3A_1500, %and3A_1491 : i32
      %swap3A = arith.index_cast %add3A_1499 : i32 to index
      %swap3A_1502 = arith.index_cast %mul3A_1501 : i32 to index
      %swap3A_1503 = tpu.vector_load %arg7[%swap3A, %swap3A_1502] {strides = array<i32>} : memref<64x128xf32, #tpu.memory_space<vmem>>, vector<16xf32>,
      tpu.vector_store %arg7[%swap3A, %swap3A_1502], %get3A_1495 {strides = array<i32>} : memref<64x128xf32, #tpu.memory_space<vmem>>, vector<16xf32>,
    }
    %scan3A_49 = arith.constant 256 : i32
    %mul3A_50 = arith.constant 2 : i32
    %mul3A_51 = arith.muli %rem3A_1, %mul3A_50 : i32
    %add3A_52 = arith.constant 0 : i32
    %add3A_53 = arith.addi %mul3A_51, %add3A_52 : i32
    %mul3A_54 = arith.constant 14 : i32
    %mul3A_55 = arith.muli %add3A_53, %mul3A_54 : i32
    %add3A_56 = arith.constant 11 : i32
    %add3A_57 = arith.addi %mul3A_55, %add3A_56 : i32
    %mul3A_58 = arith.constant 32 : i32
    %mul3A_59 = arith.muli %add3A_57, %mul3A_58 : i32
    "tpu.region"() ({
      %run_scoped3A = tpu.sem_alloc : memref<!tpu.dma_semaphore, #tpu.memory_space<semaphore_mem>>
      %dma_start3A_1488 = arith.constant 0 : i32
      %dma_start3A_1489 = arith.constant 0 : i32
      %dma_start3A_1490 = tpu.memref_slice %arg5[%dma_start3A_1488, %dma_start3A_1489] : memref<416x128xf32, #tpu.memory_space<vmem>> -> memref<32x128xf32, #tpu.memory_space<vmem>>
      %dma_start3A_1491 = arith.constant 0 : i32
      %dma_start3A_1492 = tpu.memref_slice %arg3[%mul3A_59, %dma_start3A_1491] : memref<3584x128xf32, #tpu.memory_space<hbm>> -> memref<32x128xf32, #tpu.memory_space<hbm>>
      %dma_start3A_1493 = arith.constant 0 : i32
      %dma_start3A_1494 = arith.constant 0 : i32
      %dma_start3A_1495 = tpu.memref_slice %arg5[%dma_start3A_1493, %dma_start3A_1494] : memref<416x128xf32, #tpu.memory_space<vmem>> -> memref<32x128xf32, #tpu.memory_space<vmem>>
      %dma_start3A_1496 = arith.constant 0 : i32
      %dma_start3A_1497 = tpu.memref_slice %arg3[%mul3A_59, %dma_start3A_1496] : memref<3584x128xf32, #tpu.memory_space<hbm>> -> memref<32x128xf32, #tpu.memory_space<hbm>>
      tpu.enqueue_dma source(%dma_start3A_1497 : memref<32x128xf32, #tpu.memory_space<hbm>>) target(%dma_start3A_1495 : memref<32x128xf32, #tpu.memory_space<vmem>>) target_semaphore(%run_scoped3A : memref<!tpu.dma_semaphore, #tpu.memory_space<semaphore_mem>>)
      %dma_wait3A_1498 = arith.constant 0 : i32
      %dma_wait3A_1499 = arith.constant 0 : i32
      %dma_wait3A_1500 = tpu.memref_slice %arg5[%dma_wait3A_1498, %dma_wait3A_1499] : memref<416x128xf32, #tpu.memory_space<vmem>> -> memref<32x128xf32, #tpu.memory_space<vmem>>
      %dma_wait3A_1501 = arith.constant 0 : i32
      %dma_wait3A_1502 = tpu.memref_slice %arg3[%mul3A_59, %dma_wait3A_1501] : memref<3584x128xf32, #tpu.memory_space<hbm>> -> memref<32x128xf32, #tpu.memory_space<hbm>>
      %dma_wait3A_1503 = arith.constant 0 : i32
      %dma_wait3A_1504 = arith.constant 0 : i32
      %dma_wait3A_1505 = tpu.memref_slice %arg5[%dma_wait3A_1503, %dma_wait3A_1504] : memref<416x128xf32, #tpu.memory_space<vmem>> -> memref<32x128xf32, #tpu.memory_space<vmem>>
      %dma_wait3A_1506 = arith.constant 0 : i32
      %dma_wait3A_1507 = tpu.memref_slice %arg3[%mul3A_59, %dma_wait3A_1506] : memref<3584x128xf32, #tpu.memory_space<hbm>> -> memref<32x128xf32, #tpu.memory_space<hbm>>
      tpu.wait_dma2 semaphore(%run_scoped3A : memref<!tpu.dma_semaphore, #tpu.memory_space<semaphore_mem>>) src(%dma_wait3A_1507 : memref<32x128xf32, #tpu.memory_space<hbm>>) dst(%dma_wait3A_1505 : memref<32x128xf32, #tpu.memory_space<vmem>>)
      tpu.yield
    }) : () -> ()
    %scan3A_60 = arith.constant 0 : i32
    %scan3A_61 = arith.constant 0 : i32
    %scan3A_62 = arith.constant 256 : i32
    %scan3A_63 = arith.addi %scan3A_61, %scan3A_62 : i32
    %scan3A_64 = arith.constant 1 : i32
    scf.for %scan3A_1488 = %scan3A_61 to %scan3A_63 step %scan3A_64  : i32 {
      %shift_right_arithmetic3A = arith.constant 3 : i32
      %shift_right_arithmetic3A_1489 = arith.shrsi %scan3A_1488, %shift_right_arithmetic3A : i32
      %and3A_1490 = arith.constant 7 : i32
      %and3A_1491 = arith.andi %scan3A_1488, %and3A_1490 : i32
      %mul3A_1492 = arith.constant 16 : i32
      %mul3A_1493 = arith.muli %mul3A_1492, %and3A_1491 : i32
      %get3A = arith.index_cast %shift_right_arithmetic3A_1489 : i32 to index
      %get3A_1494 = arith.index_cast %mul3A_1493 : i32 to index
      %get3A_1495 = tpu.vector_load %arg5[%get3A, %get3A_1494] {strides = array<i32>} : memref<416x128xf32, #tpu.memory_space<vmem>>, vector<16xf32>,
      %mul3A_1496 = arith.constant 2 : i32
      %mul3A_1497 = arith.muli %shift_right_arithmetic3A_1489, %mul3A_1496 : i32
      %add3A_1498 = arith.constant 0 : i32
      %add3A_1499 = arith.addi %mul3A_1497, %add3A_1498 : i32
      %mul3A_1500 = arith.constant 16 : i32
      %mul3A_1501 = arith.muli %mul3A_1500, %and3A_1491 : i32
      %swap3A = arith.index_cast %add3A_1499 : i32 to index
      %swap3A_1502 = arith.index_cast %mul3A_1501 : i32 to index
      %swap3A_1503 = tpu.vector_load %arg8[%swap3A, %swap3A_1502] {strides = array<i32>} : memref<64x128xf32, #tpu.memory_space<vmem>>, vector<16xf32>,
      tpu.vector_store %arg8[%swap3A, %swap3A_1502], %get3A_1495 {strides = array<i32>} : memref<64x128xf32, #tpu.memory_space<vmem>>, vector<16xf32>,
    }
    %scan3A_65 = arith.constant 256 : i32
    %mul3A_66 = arith.constant 2 : i32
    %mul3A_67 = arith.muli %rem3A_1, %mul3A_66 : i32
    %add3A_68 = arith.constant 1 : i32
    %add3A_69 = arith.addi %mul3A_67, %add3A_68 : i32
    %mul3A_70 = arith.constant 14 : i32
    %mul3A_71 = arith.muli %add3A_69, %mul3A_70 : i32
    %add3A_72 = arith.constant 11 : i32
    %add3A_73 = arith.addi %mul3A_71, %add3A_72 : i32
    %mul3A_74 = arith.constant 32 : i32
    %mul3A_75 = arith.muli %add3A_73, %mul3A_74 : i32
    "tpu.region"() ({
      %run_scoped3A = tpu.sem_alloc : memref<!tpu.dma_semaphore, #tpu.memory_space<semaphore_mem>>
      %dma_start3A_1488 = arith.constant 0 : i32
      %dma_start3A_1489 = arith.constant 0 : i32
      %dma_start3A_1490 = tpu.memref_slice %arg5[%dma_start3A_1488, %dma_start3A_1489] : memref<416x128xf32, #tpu.memory_space<vmem>> -> memref<32x128xf32, #tpu.memory_space<vmem>>
      %dma_start3A_1491 = arith.constant 0 : i32
      %dma_start3A_1492 = tpu.memref_slice %arg3[%mul3A_75, %dma_start3A_1491] : memref<3584x128xf32, #tpu.memory_space<hbm>> -> memref<32x128xf32, #tpu.memory_space<hbm>>
      %dma_start3A_1493 = arith.constant 0 : i32
      %dma_start3A_1494 = arith.constant 0 : i32
      %dma_start3A_1495 = tpu.memref_slice %arg5[%dma_start3A_1493, %dma_start3A_1494] : memref<416x128xf32, #tpu.memory_space<vmem>> -> memref<32x128xf32, #tpu.memory_space<vmem>>
      %dma_start3A_1496 = arith.constant 0 : i32
      %dma_start3A_1497 = tpu.memref_slice %arg3[%mul3A_75, %dma_start3A_1496] : memref<3584x128xf32, #tpu.memory_space<hbm>> -> memref<32x128xf32, #tpu.memory_space<hbm>>
      tpu.enqueue_dma source(%dma_start3A_1497 : memref<32x128xf32, #tpu.memory_space<hbm>>) target(%dma_start3A_1495 : memref<32x128xf32, #tpu.memory_space<vmem>>) target_semaphore(%run_scoped3A : memref<!tpu.dma_semaphore, #tpu.memory_space<semaphore_mem>>)
      %dma_wait3A_1498 = arith.constant 0 : i32
      %dma_wait3A_1499 = arith.constant 0 : i32
      %dma_wait3A_1500 = tpu.memref_slice %arg5[%dma_wait3A_1498, %dma_wait3A_1499] : memref<416x128xf32, #tpu.memory_space<vmem>> -> memref<32x128xf32, #tpu.memory_space<vmem>>
      %dma_wait3A_1501 = arith.constant 0 : i32
      %dma_wait3A_1502 = tpu.memref_slice %arg3[%mul3A_75, %dma_wait3A_1501] : memref<3584x128xf32, #tpu.memory_space<hbm>> -> memref<32x128xf32, #tpu.memory_space<hbm>>
      %dma_wait3A_1503 = arith.constant 0 : i32
      %dma_wait3A_1504 = arith.constant 0 : i32
      %dma_wait3A_1505 = tpu.memref_slice %arg5[%dma_wait3A_1503, %dma_wait3A_1504] : memref<416x128xf32, #tpu.memory_space<vmem>> -> memref<32x128xf32, #tpu.memory_space<vmem>>
      %dma_wait3A_1506 = arith.constant 0 : i32
      %dma_wait3A_1507 = tpu.memref_slice %arg3[%mul3A_75, %dma_wait3A_1506] : memref<3584x128xf32, #tpu.memory_space<hbm>> -> memref<32x128xf32, #tpu.memory_space<hbm>>
      tpu.wait_dma2 semaphore(%run_scoped3A : memref<!tpu.dma_semaphore, #tpu.memory_space<semaphore_mem>>) src(%dma_wait3A_1507 : memref<32x128xf32, #tpu.memory_space<hbm>>) dst(%dma_wait3A_1505 : memref<32x128xf32, #tpu.memory_space<vmem>>)
      tpu.yield
    }) : () -> ()
    %scan3A_76 = arith.constant 0 : i32
    %scan3A_77 = arith.constant 0 : i32
    %scan3A_78 = arith.constant 256 : i32
    %scan3A_79 = arith.addi %scan3A_77, %scan3A_78 : i32
    %scan3A_80 = arith.constant 1 : i32
    scf.for %scan3A_1488 = %scan3A_77 to %scan3A_79 step %scan3A_80  : i32 {
      %shift_right_arithmetic3A = arith.constant 3 : i32
      %shift_right_arithmetic3A_1489 = arith.shrsi %scan3A_1488, %shift_right_arithmetic3A : i32
      %and3A_1490 = arith.constant 7 : i32
      %and3A_1491 = arith.andi %scan3A_1488, %and3A_1490 : i32
      %mul3A_1492 = arith.constant 16 : i32
      %mul3A_1493 = arith.muli %mul3A_1492, %and3A_1491 : i32
      %get3A = arith.index_cast %shift_right_arithmetic3A_1489 : i32 to index
      %get3A_1494 = arith.index_cast %mul3A_1493 : i32 to index
      %get3A_1495 = tpu.vector_load %arg5[%get3A, %get3A_1494] {strides = array<i32>} : memref<416x128xf32, #tpu.memory_space<vmem>>, vector<16xf32>,
      %mul3A_1496 = arith.constant 2 : i32
      %mul3A_1497 = arith.muli %shift_right_arithmetic3A_1489, %mul3A_1496 : i32
      %add3A_1498 = arith.constant 1 : i32
      %add3A_1499 = arith.addi %mul3A_1497, %add3A_1498 : i32
      %mul3A_1500 = arith.constant 16 : i32
      %mul3A_1501 = arith.muli %mul3A_1500, %and3A_1491 : i32
      %swap3A = arith.index_cast %add3A_1499 : i32 to index
      %swap3A_1502 = arith.index_cast %mul3A_1501 : i32 to index
      %swap3A_1503 = tpu.vector_load %arg8[%swap3A, %swap3A_1502] {strides = array<i32>} : memref<64x128xf32, #tpu.memory_space<vmem>>, vector<16xf32>,
      tpu.vector_store %arg8[%swap3A, %swap3A_1502], %get3A_1495 {strides = array<i32>} : memref<64x128xf32, #tpu.memory_space<vmem>>, vector<16xf32>,
    }
    %scan3A_81 = arith.constant 256 : i32
    %mul3A_82 = arith.constant 8 : i32
    %mul3A_83 = arith.muli %select_n3A, %mul3A_82 : i32
    %add3A_84 = arith.constant 0 : i32
    %add3A_85 = arith.addi %mul3A_83, %add3A_84 : i32
    %mul3A_86 = arith.constant 4 : i32
    %mul3A_87 = arith.muli %add3A_85, %mul3A_86 : i32
    %add3A_88 = arith.addi %mul3A_87, %rem3A_1 : i32
    %mul3A_89 = arith.constant 832 : i32
    %mul3A_90 = arith.muli %add3A_88, %mul3A_89 : i32
    %add3A_91 = arith.constant 0 : i32
    %add3A_92 = arith.addi %mul3A_90, %add3A_91 : i32
    %dma_start3A = arith.constant 0 : i32
    %dma_start3A_93 = tpu.memref_slice %arg2[%add3A_92, %dma_start3A] : memref<212992x128xf32, #tpu.memory_space<hbm>> -> memref<416x128xf32, #tpu.memory_space<hbm>>
    %dma_start3A_94 = arith.constant 0 : i32
    %dma_start3A_95 = tpu.memref_slice %arg2[%add3A_92, %dma_start3A_94] : memref<212992x128xf32, #tpu.memory_space<hbm>> -> memref<416x128xf32, #tpu.memory_space<hbm>>
    tpu.enqueue_dma source(%dma_start3A_95 : memref<416x128xf32, #tpu.memory_space<hbm>>) target(%arg5 : memref<416x128xf32, #tpu.memory_space<vmem>>) target_semaphore(%arg9 : memref<!tpu.dma_semaphore, #tpu.memory_space<semaphore_mem>>)
    %mul3A_96 = arith.constant 8 : i32
    %mul3A_97 = arith.muli %select_n3A, %mul3A_96 : i32
    %add3A_98 = arith.constant 0 : i32
    %add3A_99 = arith.addi %mul3A_97, %add3A_98 : i32
    %mul3A_100 = arith.constant 4 : i32
    %mul3A_101 = arith.muli %add3A_99, %mul3A_100 : i32
    %add3A_102 = arith.addi %mul3A_101, %rem3A_1 : i32
    %mul3A_103 = arith.constant 832 : i32
    %mul3A_104 = arith.muli %add3A_102, %mul3A_103 : i32
    %add3A_105 = arith.constant 416 : i32
    %add3A_106 = arith.addi %mul3A_104, %add3A_105 : i32
    %dma_start3A_107 = arith.constant 0 : i32
    %dma_start3A_108 = tpu.memref_slice %arg2[%add3A_106, %dma_start3A_107] : memref<212992x128xf32, #tpu.memory_space<hbm>> -> memref<416x128xf32, #tpu.memory_space<hbm>>
    %dma_start3A_109 = arith.constant 0 : i32
    %dma_start3A_110 = tpu.memref_slice %arg2[%add3A_106, %dma_start3A_109] : memref<212992x128xf32, #tpu.memory_space<hbm>> -> memref<416x128xf32, #tpu.memory_space<hbm>>
    tpu.enqueue_dma source(%dma_start3A_110 : memref<416x128xf32, #tpu.memory_space<hbm>>) target(%arg6 : memref<416x128xf32, #tpu.memory_space<vmem>>) target_semaphore(%arg10 : memref<!tpu.dma_semaphore, #tpu.memory_space<semaphore_mem>>)
    %dma_wait3A = arith.constant 0 : i32
    %dma_wait3A_111 = tpu.memref_slice %arg2[%add3A_92, %dma_wait3A] : memref<212992x128xf32, #tpu.memory_space<hbm>> -> memref<416x128xf32, #tpu.memory_space<hbm>>
    %dma_wait3A_112 = arith.constant 0 : i32
    %dma_wait3A_113 = tpu.memref_slice %arg2[%add3A_92, %dma_wait3A_112] : memref<212992x128xf32, #tpu.memory_space<hbm>> -> memref<416x128xf32, #tpu.memory_space<hbm>>
    tpu.wait_dma2 semaphore(%arg9 : memref<!tpu.dma_semaphore, #tpu.memory_space<semaphore_mem>>) src(%dma_wait3A_113 : memref<416x128xf32, #tpu.memory_space<hbm>>) dst(%arg5 : memref<416x128xf32, #tpu.memory_space<vmem>>)
    %mul3A_114 = arith.constant 8 : i32
    %mul3A_115 = arith.muli %select_n3A, %mul3A_114 : i32
    %add3A_116 = arith.constant 0 : i32
    %add3A_117 = arith.addi %mul3A_115, %add3A_116 : i32
    %mul3A_118 = arith.constant 4 : i32
    %mul3A_119 = arith.muli %add3A_117, %mul3A_118 : i32
    %add3A_120 = arith.addi %mul3A_119, %rem3A_1 : i32
    %mul3A_121 = arith.constant 896 : i32
    %mul3A_122 = arith.muli %add3A_120, %mul3A_121 : i32
    %add3A_123 = arith.constant 0 : i32
    %add3A_124 = arith.addi %mul3A_122, %add3A_123 : i32
    %dma_start3A_125 = arith.constant 0 : i32
    %dma_start3A_126 = arith.constant 0 : i32
    %dma_start3A_127 = tpu.memref_slice %arg5[%dma_start3A_125, %dma_start3A_126] : memref<416x128xf32, #tpu.memory_space<vmem>> -> memref<128x128xf32, #tpu.memory_space<vmem>>
    %dma_start3A_128 = arith.constant 0 : i32
    %dma_start3A_129 = tpu.memref_slice %arg4[%add3A_124, %dma_start3A_128] : memref<229376x128xf32, #tpu.memory_space<hbm>> -> memref<128x128xf32, #tpu.memory_space<hbm>>
    %dma_start3A_130 = arith.constant 0 : i32
    %dma_start3A_131 = tpu.memref_slice %arg4[%add3A_124, %dma_start3A_130] : memref<229376x128xf32, #tpu.memory_space<hbm>> -> memref<128x128xf32, #tpu.memory_space<hbm>>
    %dma_start3A_132 = arith.constant 0 : i32
    %dma_start3A_133 = arith.constant 0 : i32
    %dma_start3A_134 = tpu.memref_slice %arg5[%dma_start3A_132, %dma_start3A_133] : memref<416x128xf32, #tpu.memory_space<vmem>> -> memref<128x128xf32, #tpu.memory_space<vmem>>
    tpu.enqueue_dma source(%dma_start3A_134 : memref<128x128xf32, #tpu.memory_space<vmem>>) target(%dma_start3A_131 : memref<128x128xf32, #tpu.memory_space<hbm>>) target_semaphore(%arg11 : memref<!tpu.dma_semaphore, #tpu.memory_space<semaphore_mem>>)
    %add3A_135 = arith.constant 192 : i32
    %add3A_136 = arith.addi %mul3A_122, %add3A_135 : i32
    %dma_start3A_137 = arith.constant 160 : i32
    %dma_start3A_138 = arith.constant 0 : i32
    %dma_start3A_139 = tpu.memref_slice %arg5[%dma_start3A_137, %dma_start3A_138] : memref<416x128xf32, #tpu.memory_space<vmem>> -> memref<256x128xf32, #tpu.memory_space<vmem>>
    %dma_start3A_140 = arith.constant 0 : i32
    %dma_start3A_141 = tpu.memref_slice %arg4[%add3A_136, %dma_start3A_140] : memref<229376x128xf32, #tpu.memory_space<hbm>> -> memref<256x128xf32, #tpu.memory_space<hbm>>
    %dma_start3A_142 = arith.constant 0 : i32
    %dma_start3A_143 = tpu.memref_slice %arg4[%add3A_136, %dma_start3A_142] : memref<229376x128xf32, #tpu.memory_space<hbm>> -> memref<256x128xf32, #tpu.memory_space<hbm>>
    %dma_start3A_144 = arith.constant 160 : i32
    %dma_start3A_145 = arith.constant 0 : i32
    %dma_start3A_146 = tpu.memref_slice %arg5[%dma_start3A_144, %dma_start3A_145] : memref<416x128xf32, #tpu.memory_space<vmem>> -> memref<256x128xf32, #tpu.memory_space<vmem>>
    tpu.enqueue_dma source(%dma_start3A_146 : memref<256x128xf32, #tpu.memory_space<vmem>>) target(%dma_start3A_143 : memref<256x128xf32, #tpu.memory_space<hbm>>) target_semaphore(%arg12 : memref<!tpu.dma_semaphore, #tpu.memory_space<semaphore_mem>>)
    %scan3A_147 = arith.constant 0 : i32
    %scan3A_148 = arith.constant 0 : i32
    %scan3A_149 = arith.constant 256 : i32
    %scan3A_150 = arith.addi %scan3A_148, %scan3A_149 : i32
    %scan3A_151 = arith.constant 1 : i32
    scf.for %scan3A_1488 = %scan3A_148 to %scan3A_150 step %scan3A_151  : i32 {
      %shift_right_arithmetic3A = arith.constant 3 : i32
      %shift_right_arithmetic3A_1489 = arith.shrsi %scan3A_1488, %shift_right_arithmetic3A : i32
      %and3A_1490 = arith.constant 7 : i32
      %and3A_1491 = arith.andi %scan3A_1488, %and3A_1490 : i32
      %shift_right_arithmetic3A_1492 = arith.constant 1 : i32
      %shift_right_arithmetic3A_1493 = arith.shrsi %shift_right_arithmetic3A_1489, %shift_right_arithmetic3A_1492 : i32
      %and3A_1494 = arith.constant 1 : i32
      %and3A_1495 = arith.andi %shift_right_arithmetic3A_1489, %and3A_1494 : i32
      %mul3A_1496 = arith.constant 2 : i32
      %mul3A_1497 = arith.muli %mul3A_1496, %shift_right_arithmetic3A_1493 : i32
      %shift_right_arithmetic3A_1498 = arith.constant 2 : i32
      %shift_right_arithmetic3A_1499 = arith.shrsi %and3A_1491, %shift_right_arithmetic3A_1498 : i32
      %add3A_1500 = arith.addi %mul3A_1497, %shift_right_arithmetic3A_1499 : i32
      %mul3A_1501 = arith.constant 2 : i32
      %mul3A_1502 = arith.muli %add3A_1500, %mul3A_1501 : i32
      %add3A_1503 = arith.addi %mul3A_1502, %and3A_1495 : i32
      %add3A_1504 = arith.constant 128 : i32
      %add3A_1505 = arith.addi %add3A_1504, %shift_right_arithmetic3A_1489 : i32
      %mul3A_1506 = arith.constant 16 : i32
      %mul3A_1507 = arith.muli %mul3A_1506, %and3A_1491 : i32
      %get3A = arith.index_cast %add3A_1505 : i32 to index
      %get3A_1508 = arith.index_cast %mul3A_1507 : i32 to index
      %get3A_1509 = tpu.vector_load %arg5[%get3A, %get3A_1508] {strides = array<i32>} : memref<416x128xf32, #tpu.memory_space<vmem>>, vector<16xf32>,
      %broadcast_in_dim3A = vector.broadcast %add3A_1503 : i32 to vector<16xi32>
      %and3A_1510 = arith.constant 3 : i32
      %and3A_1511 = arith.andi %and3A_1491, %and3A_1510 : i32
      %mul3A_1512 = arith.constant 32 : i32
      %mul3A_1513 = arith.muli %mul3A_1512, %and3A_1511 : i32
      %mul3A_1514 = arith.constant 2 : i32
      %mul3A_1515 = vector.broadcast %mul3A_1514 : i32 to vector<16xi32>
      %mul3A_1516 = arith.muli %mul3A_1515, %iota3A : vector<16xi32>
      %add3A_1517 = vector.broadcast %mul3A_1513 : i32 to vector<16xi32>
      %add3A_1518 = arith.addi %add3A_1517, %mul3A_1516 : vector<16xi32>
      %add3A_1519 = arith.constant 1 : i32
      %add3A_1520 = vector.broadcast %add3A_1519 : i32 to vector<16xi32>
      %add3A_1521 = arith.addi %add3A_1518, %add3A_1520 : vector<16xi32>
      tpu.vector_store_idx %arg7[%broadcast_in_dim3A, %add3A_1521], %get3A_1509 : memref<64x128xf32, #tpu.memory_space<vmem>>[vector<16xi32>, vector<16xi32>], vector<16xf32>,
    }
    %scan3A_152 = arith.constant 256 : i32
    %add3A_153 = arith.constant 128 : i32
    %add3A_154 = arith.addi %mul3A_122, %add3A_153 : i32
    %dma_start3A_155 = arith.constant 0 : i32
    %dma_start3A_156 = tpu.memref_slice %arg4[%add3A_154, %dma_start3A_155] : memref<229376x128xf32, #tpu.memory_space<hbm>> -> memref<64x128xf32, #tpu.memory_space<hbm>>
    %dma_start3A_157 = arith.constant 0 : i32
    %dma_start3A_158 = tpu.memref_slice %arg4[%add3A_154, %dma_start3A_157] : memref<229376x128xf32, #tpu.memory_space<hbm>> -> memref<64x128xf32, #tpu.memory_space<hbm>>
    tpu.enqueue_dma source(%arg7 : memref<64x128xf32, #tpu.memory_space<vmem>>) target(%dma_start3A_158 : memref<64x128xf32, #tpu.memory_space<hbm>>) target_semaphore(%arg15 : memref<!tpu.dma_semaphore, #tpu.memory_space<semaphore_mem>>)
    %dma_wait3A_159 = arith.constant 0 : i32
    %dma_wait3A_160 = arith.constant 0 : i32
    %dma_wait3A_161 = tpu.memref_slice %arg5[%dma_wait3A_159, %dma_wait3A_160] : memref<416x128xf32, #tpu.memory_space<vmem>> -> memref<128x128xf32, #tpu.memory_space<vmem>>
    %dma_wait3A_162 = arith.constant 0 : i32
    %dma_wait3A_163 = tpu.memref_slice %arg4[%add3A_124, %dma_wait3A_162] : memref<229376x128xf32, #tpu.memory_space<hbm>> -> memref<128x128xf32, #tpu.memory_space<hbm>>
    %dma_wait3A_164 = arith.constant 0 : i32
    %dma_wait3A_165 = tpu.memref_slice %arg4[%add3A_124, %dma_wait3A_164] : memref<229376x128xf32, #tpu.memory_space<hbm>> -> memref<128x128xf32, #tpu.memory_space<hbm>>
    %dma_wait3A_166 = arith.constant 0 : i32
    %dma_wait3A_167 = arith.constant 0 : i32
    %dma_wait3A_168 = tpu.memref_slice %arg5[%dma_wait3A_166, %dma_wait3A_167] : memref<416x128xf32, #tpu.memory_space<vmem>> -> memref<128x128xf32, #tpu.memory_space<vmem>>
    tpu.wait_dma2 semaphore(%arg11 : memref<!tpu.dma_semaphore, #tpu.memory_space<semaphore_mem>>) src(%dma_wait3A_168 : memref<128x128xf32, #tpu.memory_space<vmem>>) dst(%dma_wait3A_165 : memref<128x128xf32, #tpu.memory_space<hbm>>)
    %dma_wait3A_169 = arith.constant 160 : i32
    %dma_wait3A_170 = arith.constant 0 : i32
    %dma_wait3A_171 = tpu.memref_slice %arg5[%dma_wait3A_169, %dma_wait3A_170] : memref<416x128xf32, #tpu.memory_space<vmem>> -> memref<256x128xf32, #tpu.memory_space<vmem>>
    %dma_wait3A_172 = arith.constant 0 : i32
    %dma_wait3A_173 = tpu.memref_slice %arg4[%add3A_136, %dma_wait3A_172] : memref<229376x128xf32, #tpu.memory_space<hbm>> -> memref<256x128xf32, #tpu.memory_space<hbm>>
    %dma_wait3A_174 = arith.constant 0 : i32
    %dma_wait3A_175 = tpu.memref_slice %arg4[%add3A_136, %dma_wait3A_174] : memref<229376x128xf32, #tpu.memory_space<hbm>> -> memref<256x128xf32, #tpu.memory_space<hbm>>
    %dma_wait3A_176 = arith.constant 160 : i32
    %dma_wait3A_177 = arith.constant 0 : i32
    %dma_wait3A_178 = tpu.memref_slice %arg5[%dma_wait3A_176, %dma_wait3A_177] : memref<416x128xf32, #tpu.memory_space<vmem>> -> memref<256x128xf32, #tpu.memory_space<vmem>>
    tpu.wait_dma2 semaphore(%arg12 : memref<!tpu.dma_semaphore, #tpu.memory_space<semaphore_mem>>) src(%dma_wait3A_178 : memref<256x128xf32, #tpu.memory_space<vmem>>) dst(%dma_wait3A_175 : memref<256x128xf32, #tpu.memory_space<hbm>>)
    %dma_wait3A_179 = arith.constant 0 : i32
    %dma_wait3A_180 = tpu.memref_slice %arg4[%add3A_154, %dma_wait3A_179] : memref<229376x128xf32, #tpu.memory_space<hbm>> -> memref<64x128xf32, #tpu.memory_space<hbm>>
    %dma_wait3A_181 = arith.constant 0 : i32
    %dma_wait3A_182 = tpu.memref_slice %arg4[%add3A_154, %dma_wait3A_181] : memref<229376x128xf32, #tpu.memory_space<hbm>> -> memref<64x128xf32, #tpu.memory_space<hbm>>
    tpu.wait_dma2 semaphore(%arg15 : memref<!tpu.dma_semaphore, #tpu.memory_space<semaphore_mem>>) src(%arg7 : memref<64x128xf32, #tpu.memory_space<vmem>>) dst(%dma_wait3A_182 : memref<64x128xf32, #tpu.memory_space<hbm>>)
    %mul3A_183 = arith.constant 8 : i32
    %mul3A_184 = arith.muli %select_n3A, %mul3A_183 : i32
    %add3A_185 = arith.constant 1 : i32
    %add3A_186 = arith.addi %mul3A_184, %add3A_185 : i32
    %mul3A_187 = arith.constant 4 : i32
    %mul3A_188 = arith.muli %add3A_186, %mul3A_187 : i32
    %add3A_189 = arith.addi %mul3A_188, %rem3A_1 : i32
    %mul3A_190 = arith.constant 832 : i32
    %mul3A_191 = arith.muli %add3A_189, %mul3A_190 : i32
    %add3A_192 = arith.constant 0 : i32
    %add3A_193 = arith.addi %mul3A_191, %add3A_192 : i32
    %dma_start3A_194 = arith.constant 0 : i32
    %dma_start3A_195 = tpu.memref_slice %arg2[%add3A_193, %dma_start3A_194] : memref<212992x128xf32, #tpu.memory_space<hbm>> -> memref<416x128xf32, #tpu.memory_space<hbm>>
    %dma_start3A_196 = arith.constant 0 : i32
    %dma_start3A_197 = tpu.memref_slice %arg2[%add3A_193, %dma_start3A_196] : memref<212992x128xf32, #tpu.memory_space<hbm>> -> memref<416x128xf32, #tpu.memory_space<hbm>>
    tpu.enqueue_dma source(%dma_start3A_197 : memref<416x128xf32, #tpu.memory_space<hbm>>) target(%arg5 : memref<416x128xf32, #tpu.memory_space<vmem>>) target_semaphore(%arg9 : memref<!tpu.dma_semaphore, #tpu.memory_space<semaphore_mem>>)
    %dma_wait3A_198 = arith.constant 0 : i32
    %dma_wait3A_199 = tpu.memref_slice %arg2[%add3A_106, %dma_wait3A_198] : memref<212992x128xf32, #tpu.memory_space<hbm>> -> memref<416x128xf32, #tpu.memory_space<hbm>>
    %dma_wait3A_200 = arith.constant 0 : i32
    %dma_wait3A_201 = tpu.memref_slice %arg2[%add3A_106, %dma_wait3A_200] : memref<212992x128xf32, #tpu.memory_space<hbm>> -> memref<416x128xf32, #tpu.memory_space<hbm>>
    tpu.wait_dma2 semaphore(%arg10 : memref<!tpu.dma_semaphore, #tpu.memory_space<semaphore_mem>>) src(%dma_wait3A_201 : memref<416x128xf32, #tpu.memory_space<hbm>>) dst(%arg6 : memref<416x128xf32, #tpu.memory_space<vmem>>)
    %mul3A_202 = arith.constant 8 : i32
    %mul3A_203 = arith.muli %select_n3A, %mul3A_202 : i32
    %add3A_204 = arith.constant 0 : i32
    %add3A_205 = arith.addi %mul3A_203, %add3A_204 : i32
    %mul3A_206 = arith.constant 4 : i32
    %mul3A_207 = arith.muli %add3A_205, %mul3A_206 : i32
    %add3A_208 = arith.addi %mul3A_207, %rem3A_1 : i32
    %mul3A_209 = arith.constant 896 : i32
    %mul3A_210 = arith.muli %add3A_208, %mul3A_209 : i32
    %add3A_211 = arith.constant 448 : i32
    %add3A_212 = arith.addi %mul3A_210, %add3A_211 : i32
    %dma_start3A_213 = arith.constant 0 : i32
    %dma_start3A_214 = arith.constant 0 : i32
    %dma_start3A_215 = tpu.memref_slice %arg6[%dma_start3A_213, %dma_start3A_214] : memref<416x128xf32, #tpu.memory_space<vmem>> -> memref<256x128xf32, #tpu.memory_space<vmem>>
    %dma_start3A_216 = arith.constant 0 : i32
    %dma_start3A_217 = tpu.memref_slice %arg4[%add3A_212, %dma_start3A_216] : memref<229376x128xf32, #tpu.memory_space<hbm>> -> memref<256x128xf32, #tpu.memory_space<hbm>>
    %dma_start3A_218 = arith.constant 0 : i32
    %dma_start3A_219 = tpu.memref_slice %arg4[%add3A_212, %dma_start3A_218] : memref<229376x128xf32, #tpu.memory_space<hbm>> -> memref<256x128xf32, #tpu.memory_space<hbm>>
    %dma_start3A_220 = arith.constant 0 : i32
    %dma_start3A_221 = arith.constant 0 : i32
    %dma_start3A_222 = tpu.memref_slice %arg6[%dma_start3A_220, %dma_start3A_221] : memref<416x128xf32, #tpu.memory_space<vmem>> -> memref<256x128xf32, #tpu.memory_space<vmem>>
    tpu.enqueue_dma source(%dma_start3A_222 : memref<256x128xf32, #tpu.memory_space<vmem>>) target(%dma_start3A_219 : memref<256x128xf32, #tpu.memory_space<hbm>>) target_semaphore(%arg13 : memref<!tpu.dma_semaphore, #tpu.memory_space<semaphore_mem>>)
    %add3A_223 = arith.constant 768 : i32
    %add3A_224 = arith.addi %mul3A_210, %add3A_223 : i32
    %dma_start3A_225 = arith.constant 288 : i32
    %dma_start3A_226 = arith.constant 0 : i32
    %dma_start3A_227 = tpu.memref_slice %arg6[%dma_start3A_225, %dma_start3A_226] : memref<416x128xf32, #tpu.memory_space<vmem>> -> memref<128x128xf32, #tpu.memory_space<vmem>>
    %dma_start3A_228 = arith.constant 0 : i32
    %dma_start3A_229 = tpu.memref_slice %arg4[%add3A_224, %dma_start3A_228] : memref<229376x128xf32, #tpu.memory_space<hbm>> -> memref<128x128xf32, #tpu.memory_space<hbm>>
    %dma_start3A_230 = arith.constant 0 : i32
    %dma_start3A_231 = tpu.memref_slice %arg4[%add3A_224, %dma_start3A_230] : memref<229376x128xf32, #tpu.memory_space<hbm>> -> memref<128x128xf32, #tpu.memory_space<hbm>>
    %dma_start3A_232 = arith.constant 288 : i32
    %dma_start3A_233 = arith.constant 0 : i32
    %dma_start3A_234 = tpu.memref_slice %arg6[%dma_start3A_232, %dma_start3A_233] : memref<416x128xf32, #tpu.memory_space<vmem>> -> memref<128x128xf32, #tpu.memory_space<vmem>>
    tpu.enqueue_dma source(%dma_start3A_234 : memref<128x128xf32, #tpu.memory_space<vmem>>) target(%dma_start3A_231 : memref<128x128xf32, #tpu.memory_space<hbm>>) target_semaphore(%arg14 : memref<!tpu.dma_semaphore, #tpu.memory_space<semaphore_mem>>)
    %scan3A_235 = arith.constant 0 : i32
    %scan3A_236 = arith.constant 0 : i32
    %scan3A_237 = arith.constant 256 : i32
    %scan3A_238 = arith.addi %scan3A_236, %scan3A_237 : i32
    %scan3A_239 = arith.constant 1 : i32
    scf.for %scan3A_1488 = %scan3A_236 to %scan3A_238 step %scan3A_239  : i32 {
      %shift_right_arithmetic3A = arith.constant 3 : i32
      %shift_right_arithmetic3A_1489 = arith.shrsi %scan3A_1488, %shift_right_arithmetic3A : i32
      %and3A_1490 = arith.constant 7 : i32
      %and3A_1491 = arith.andi %scan3A_1488, %and3A_1490 : i32
      %shift_right_arithmetic3A_1492 = arith.constant 1 : i32
      %shift_right_arithmetic3A_1493 = arith.shrsi %shift_right_arithmetic3A_1489, %shift_right_arithmetic3A_1492 : i32
      %and3A_1494 = arith.constant 1 : i32
      %and3A_1495 = arith.andi %shift_right_arithmetic3A_1489, %and3A_1494 : i32
      %mul3A_1496 = arith.constant 2 : i32
      %mul3A_1497 = arith.muli %mul3A_1496, %shift_right_arithmetic3A_1493 : i32
      %shift_right_arithmetic3A_1498 = arith.constant 2 : i32
      %shift_right_arithmetic3A_1499 = arith.shrsi %and3A_1491, %shift_right_arithmetic3A_1498 : i32
      %add3A_1500 = arith.addi %mul3A_1497, %shift_right_arithmetic3A_1499 : i32
      %mul3A_1501 = arith.constant 2 : i32
      %mul3A_1502 = arith.muli %add3A_1500, %mul3A_1501 : i32
      %add3A_1503 = arith.addi %mul3A_1502, %and3A_1495 : i32
      %add3A_1504 = arith.constant 256 : i32
      %add3A_1505 = arith.addi %add3A_1504, %shift_right_arithmetic3A_1489 : i32
      %mul3A_1506 = arith.constant 16 : i32
      %mul3A_1507 = arith.muli %mul3A_1506, %and3A_1491 : i32
      %get3A = arith.index_cast %add3A_1505 : i32 to index
      %get3A_1508 = arith.index_cast %mul3A_1507 : i32 to index
      %get3A_1509 = tpu.vector_load %arg6[%get3A, %get3A_1508] {strides = array<i32>} : memref<416x128xf32, #tpu.memory_space<vmem>>, vector<16xf32>,
      %broadcast_in_dim3A = vector.broadcast %add3A_1503 : i32 to vector<16xi32>
      %and3A_1510 = arith.constant 3 : i32
      %and3A_1511 = arith.andi %and3A_1491, %and3A_1510 : i32
      %mul3A_1512 = arith.constant 32 : i32
      %mul3A_1513 = arith.muli %mul3A_1512, %and3A_1511 : i32
      %mul3A_1514 = arith.constant 2 : i32
      %mul3A_1515 = vector.broadcast %mul3A_1514 : i32 to vector<16xi32>
      %mul3A_1516 = arith.muli %mul3A_1515, %iota3A : vector<16xi32>
      %add3A_1517 = vector.broadcast %mul3A_1513 : i32 to vector<16xi32>
      %add3A_1518 = arith.addi %add3A_1517, %mul3A_1516 : vector<16xi32>
      %add3A_1519 = arith.constant 1 : i32
      %add3A_1520 = vector.broadcast %add3A_1519 : i32 to vector<16xi32>
      %add3A_1521 = arith.addi %add3A_1518, %add3A_1520 : vector<16xi32>
      tpu.vector_store_idx %arg8[%broadcast_in_dim3A, %add3A_1521], %get3A_1509 : memref<64x128xf32, #tpu.memory_space<vmem>>[vector<16xi32>, vector<16xi32>], vector<16xf32>,
    }
    %scan3A_240 = arith.constant 256 : i32
    %add3A_241 = arith.constant 704 : i32
    %add3A_242 = arith.addi %mul3A_210, %add3A_241 : i32
    %dma_start3A_243 = arith.constant 0 : i32
    %dma_start3A_244 = tpu.memref_slice %arg4[%add3A_242, %dma_start3A_243] : memref<229376x128xf32, #tpu.memory_space<hbm>> -> memref<64x128xf32, #tpu.memory_space<hbm>>
    %dma_start3A_245 = arith.constant 0 : i32
    %dma_start3A_246 = tpu.memref_slice %arg4[%add3A_242, %dma_start3A_245] : memref<229376x128xf32, #tpu.memory_space<hbm>> -> memref<64x128xf32, #tpu.memory_space<hbm>>
    tpu.enqueue_dma source(%arg8 : memref<64x128xf32, #tpu.memory_space<vmem>>) target(%dma_start3A_246 : memref<64x128xf32, #tpu.memory_space<hbm>>) target_semaphore(%arg16 : memref<!tpu.dma_semaphore, #tpu.memory_space<semaphore_mem>>)
    %dma_wait3A_247 = arith.constant 0 : i32
    %dma_wait3A_248 = arith.constant 0 : i32
    %dma_wait3A_249 = tpu.memref_slice %arg6[%dma_wait3A_247, %dma_wait3A_248] : memref<416x128xf32, #tpu.memory_space<vmem>> -> memref<256x128xf32, #tpu.memory_space<vmem>>
    %dma_wait3A_250 = arith.constant 0 : i32
    %dma_wait3A_251 = tpu.memref_slice %arg4[%add3A_212, %dma_wait3A_250] : memref<229376x128xf32, #tpu.memory_space<hbm>> -> memref<256x128xf32, #tpu.memory_space<hbm>>
    %dma_wait3A_252 = arith.constant 0 : i32
    %dma_wait3A_253 = tpu.memref_slice %arg4[%add3A_212, %dma_wait3A_252] : memref<229376x128xf32, #tpu.memory_space<hbm>> -> memref<256x128xf32, #tpu.memory_space<hbm>>
    %dma_wait3A_254 = arith.constant 0 : i32
    %dma_wait3A_255 = arith.constant 0 : i32
    %dma_wait3A_256 = tpu.memref_slice %arg6[%dma_wait3A_254, %dma_wait3A_255] : memref<416x128xf32, #tpu.memory_space<vmem>> -> memref<256x128xf32, #tpu.memory_space<vmem>>
    tpu.wait_dma2 semaphore(%arg13 : memref<!tpu.dma_semaphore, #tpu.memory_space<semaphore_mem>>) src(%dma_wait3A_256 : memref<256x128xf32, #tpu.memory_space<vmem>>) dst(%dma_wait3A_253 : memref<256x128xf32, #tpu.memory_space<hbm>>)
    %dma_wait3A_257 = arith.constant 288 : i32
    %dma_wait3A_258 = arith.constant 0 : i32
    %dma_wait3A_259 = tpu.memref_slice %arg6[%dma_wait3A_257, %dma_wait3A_258] : memref<416x128xf32, #tpu.memory_space<vmem>> -> memref<128x128xf32, #tpu.memory_space<vmem>>
    %dma_wait3A_260 = arith.constant 0 : i32
    %dma_wait3A_261 = tpu.memref_slice %arg4[%add3A_224, %dma_wait3A_260] : memref<229376x128xf32, #tpu.memory_space<hbm>> -> memref<128x128xf32, #tpu.memory_space<hbm>>
    %dma_wait3A_262 = arith.constant 0 : i32
    %dma_wait3A_263 = tpu.memref_slice %arg4[%add3A_224, %dma_wait3A_262] : memref<229376x128xf32, #tpu.memory_space<hbm>> -> memref<128x128xf32, #tpu.memory_space<hbm>>
    %dma_wait3A_264 = arith.constant 288 : i32
    %dma_wait3A_265 = arith.constant 0 : i32
    %dma_wait3A_266 = tpu.memref_slice %arg6[%dma_wait3A_264, %dma_wait3A_265] : memref<416x128xf32, #tpu.memory_space<vmem>> -> memref<128x128xf32, #tpu.memory_space<vmem>>
    tpu.wait_dma2 semaphore(%arg14 : memref<!tpu.dma_semaphore, #tpu.memory_space<semaphore_mem>>) src(%dma_wait3A_266 : memref<128x128xf32, #tpu.memory_space<vmem>>) dst(%dma_wait3A_263 : memref<128x128xf32, #tpu.memory_space<hbm>>)
    %dma_wait3A_267 = arith.constant 0 : i32
    %dma_wait3A_268 = tpu.memref_slice %arg4[%add3A_242, %dma_wait3A_267] : memref<229376x128xf32, #tpu.memory_space<hbm>> -> memref<64x128xf32, #tpu.memory_space<hbm>>
    %dma_wait3A_269 = arith.constant 0 : i32
    %dma_wait3A_270 = tpu.memref_slice %arg4[%add3A_242, %dma_wait3A_269] : memref<229376x128xf32, #tpu.memory_space<hbm>> -> memref<64x128xf32, #tpu.memory_space<hbm>>
    tpu.wait_dma2 semaphore(%arg16 : memref<!tpu.dma_semaphore, #tpu.memory_space<semaphore_mem>>) src(%arg8 : memref<64x128xf32, #tpu.memory_space<vmem>>) dst(%dma_wait3A_270 : memref<64x128xf32, #tpu.memory_space<hbm>>)
    %mul3A_271 = arith.constant 8 : i32
    %mul3A_272 = arith.muli %select_n3A, %mul3A_271 : i32
    %add3A_273 = arith.constant 1 : i32
    %add3A_274 = arith.addi %mul3A_272, %add3A_273 : i32
    %mul3A_275 = arith.constant 4 : i32
    %mul3A_276 = arith.muli %add3A_274, %mul3A_275 : i32
    %add3A_277 = arith.addi %mul3A_276, %rem3A_1 : i32
    %mul3A_278 = arith.constant 832 : i32
    %mul3A_279 = arith.muli %add3A_277, %mul3A_278 : i32
    %add3A_280 = arith.constant 416 : i32
    %add3A_281 = arith.addi %mul3A_279, %add3A_280 : i32
    %dma_start3A_282 = arith.constant 0 : i32
    %dma_start3A_283 = tpu.memref_slice %arg2[%add3A_281, %dma_start3A_282] : memref<212992x128xf32, #tpu.memory_space<hbm>> -> memref<416x128xf32, #tpu.memory_space<hbm>>
    %dma_start3A_284 = arith.constant 0 : i32
    %dma_start3A_285 = tpu.memref_slice %arg2[%add3A_281, %dma_start3A_284] : memref<212992x128xf32, #tpu.memory_space<hbm>> -> memref<416x128xf32, #tpu.memory_space<hbm>>
    tpu.enqueue_dma source(%dma_start3A_285 : memref<416x128xf32, #tpu.memory_space<hbm>>) target(%arg6 : memref<416x128xf32, #tpu.memory_space<vmem>>) target_semaphore(%arg10 : memref<!tpu.dma_semaphore, #tpu.memory_space<semaphore_mem>>)
    %dma_wait3A_286 = arith.constant 0 : i32
    %dma_wait3A_287 = tpu.memref_slice %arg2[%add3A_193, %dma_wait3A_286] : memref<212992x128xf32, #tpu.memory_space<hbm>> -> memref<416x128xf32, #tpu.memory_space<hbm>>
    %dma_wait3A_288 = arith.constant 0 : i32
    %dma_wait3A_289 = tpu.memref_slice %arg2[%add3A_193, %dma_wait3A_288] : memref<212992x128xf32, #tpu.memory_space<hbm>> -> memref<416x128xf32, #tpu.memory_space<hbm>>
    tpu.wait_dma2 semaphore(%arg9 : memref<!tpu.dma_semaphore, #tpu.memory_space<semaphore_mem>>) src(%dma_wait3A_289 : memref<416x128xf32, #tpu.memory_space<hbm>>) dst(%arg5 : memref<416x128xf32, #tpu.memory_space<vmem>>)
    %mul3A_290 = arith.constant 8 : i32
    %mul3A_291 = arith.muli %select_n3A, %mul3A_290 : i32
    %add3A_292 = arith.constant 1 : i32
    %add3A_293 = arith.addi %mul3A_291, %add3A_292 : i32
    %mul3A_294 = arith.constant 4 : i32
    %mul3A_295 = arith.muli %add3A_293, %mul3A_294 : i32
    %add3A_296 = arith.addi %mul3A_295, %rem3A_1 : i32
    %mul3A_297 = arith.constant 896 : i32
    %mul3A_298 = arith.muli %add3A_296, %mul3A_297 : i32
    %add3A_299 = arith.constant 0 : i32
    %add3A_300 = arith.addi %mul3A_298, %add3A_299 : i32
    %dma_start3A_301 = arith.constant 0 : i32
    %dma_start3A_302 = arith.constant 0 : i32
    %dma_start3A_303 = tpu.memref_slice %arg5[%dma_start3A_301, %dma_start3A_302] : memref<416x128xf32, #tpu.memory_space<vmem>> -> memref<128x128xf32, #tpu.memory_space<vmem>>
    %dma_start3A_304 = arith.constant 0 : i32
    %dma_start3A_305 = tpu.memref_slice %arg4[%add3A_300, %dma_start3A_304] : memref<229376x128xf32, #tpu.memory_space<hbm>> -> memref<128x128xf32, #tpu.memory_space<hbm>>
    %dma_start3A_306 = arith.constant 0 : i32
    %dma_start3A_307 = tpu.memref_slice %arg4[%add3A_300, %dma_start3A_306] : memref<229376x128xf32, #tpu.memory_space<hbm>> -> memref<128x128xf32, #tpu.memory_space<hbm>>
    %dma_start3A_308 = arith.constant 0 : i32
    %dma_start3A_309 = arith.constant 0 : i32
    %dma_start3A_310 = tpu.memref_slice %arg5[%dma_start3A_308, %dma_start3A_309] : memref<416x128xf32, #tpu.memory_space<vmem>> -> memref<128x128xf32, #tpu.memory_space<vmem>>
    tpu.enqueue_dma source(%dma_start3A_310 : memref<128x128xf32, #tpu.memory_space<vmem>>) target(%dma_start3A_307 : memref<128x128xf32, #tpu.memory_space<hbm>>) target_semaphore(%arg11 : memref<!tpu.dma_semaphore, #tpu.memory_space<semaphore_mem>>)
    %add3A_311 = arith.constant 192 : i32
    %add3A_312 = arith.addi %mul3A_298, %add3A_311 : i32
    %dma_start3A_313 = arith.constant 160 : i32
    %dma_start3A_314 = arith.constant 0 : i32
    %dma_start3A_315 = tpu.memref_slice %arg5[%dma_start3A_313, %dma_start3A_314] : memref<416x128xf32, #tpu.memory_space<vmem>> -> memref<256x128xf32, #tpu.memory_space<vmem>>
    %dma_start3A_316 = arith.constant 0 : i32
    %dma_start3A_317 = tpu.memref_slice %arg4[%add3A_312, %dma_start3A_316] : memref<229376x128xf32, #tpu.memory_space<hbm>> -> memref<256x128xf32, #tpu.memory_space<hbm>>
    %dma_start3A_318 = arith.constant 0 : i32
    %dma_start3A_319 = tpu.memref_slice %arg4[%add3A_312, %dma_start3A_318] : memref<229376x128xf32, #tpu.memory_space<hbm>> -> memref<256x128xf32, #tpu.memory_space<hbm>>
    %dma_start3A_320 = arith.constant 160 : i32
    %dma_start3A_321 = arith.constant 0 : i32
    %dma_start3A_322 = tpu.memref_slice %arg5[%dma_start3A_320, %dma_start3A_321] : memref<416x128xf32, #tpu.memory_space<vmem>> -> memref<256x128xf32, #tpu.memory_space<vmem>>
    tpu.enqueue_dma source(%dma_start3A_322 : memref<256x128xf32, #tpu.memory_space<vmem>>) target(%dma_start3A_319 : memref<256x128xf32, #tpu.memory_space<hbm>>) target_semaphore(%arg12 : memref<!tpu.dma_semaphore, #tpu.memory_space<semaphore_mem>>)
    %scan3A_323 = arith.constant 0 : i32
    %scan3A_324 = arith.constant 0 : i32
    %scan3A_325 = arith.constant 256 : i32
    %scan3A_326 = arith.addi %scan3A_324, %scan3A_325 : i32
    %scan3A_327 = arith.constant 1 : i32
    scf.for %scan3A_1488 = %scan3A_324 to %scan3A_326 step %scan3A_327  : i32 {
      %shift_right_arithmetic3A = arith.constant 3 : i32
      %shift_right_arithmetic3A_1489 = arith.shrsi %scan3A_1488, %shift_right_arithmetic3A : i32
      %and3A_1490 = arith.constant 7 : i32
      %and3A_1491 = arith.andi %scan3A_1488, %and3A_1490 : i32
      %shift_right_arithmetic3A_1492 = arith.constant 1 : i32
      %shift_right_arithmetic3A_1493 = arith.shrsi %shift_right_arithmetic3A_1489, %shift_right_arithmetic3A_1492 : i32
      %and3A_1494 = arith.constant 1 : i32
      %and3A_1495 = arith.andi %shift_right_arithmetic3A_1489, %and3A_1494 : i32
      %mul3A_1496 = arith.constant 2 : i32
      %mul3A_1497 = arith.muli %mul3A_1496, %shift_right_arithmetic3A_1493 : i32
      %shift_right_arithmetic3A_1498 = arith.constant 2 : i32
      %shift_right_arithmetic3A_1499 = arith.shrsi %and3A_1491, %shift_right_arithmetic3A_1498 : i32
      %add3A_1500 = arith.addi %mul3A_1497, %shift_right_arithmetic3A_1499 : i32
      %mul3A_1501 = arith.constant 2 : i32
      %mul3A_1502 = arith.muli %add3A_1500, %mul3A_1501 : i32
      %add3A_1503 = arith.addi %mul3A_1502, %and3A_1495 : i32
      %add3A_1504 = arith.constant 128 : i32
      %add3A_1505 = arith.addi %add3A_1504, %shift_right_arithmetic3A_1489 : i32
      %mul3A_1506 = arith.constant 16 : i32
      %mul3A_1507 = arith.muli %mul3A_1506, %and3A_1491 : i32
      %get3A = arith.index_cast %add3A_1505 : i32 to index
      %get3A_1508 = arith.index_cast %mul3A_1507 : i32 to index
      %get3A_1509 = tpu.vector_load %arg5[%get3A, %get3A_1508] {strides = array<i32>} : memref<416x128xf32, #tpu.memory_space<vmem>>, vector<16xf32>,
      %broadcast_in_dim3A = vector.broadcast %add3A_1503 : i32 to vector<16xi32>
      %and3A_1510 = arith.constant 3 : i32
      %and3A_1511 = arith.andi %and3A_1491, %and3A_1510 : i32
      %mul3A_1512 = arith.constant 32 : i32
      %mul3A_1513 = arith.muli %mul3A_1512, %and3A_1511 : i32
      %mul3A_1514 = arith.constant 2 : i32
      %mul3A_1515 = vector.broadcast %mul3A_1514 : i32 to vector<16xi32>
      %mul3A_1516 = arith.muli %mul3A_1515, %iota3A : vector<16xi32>
      %add3A_1517 = vector.broadcast %mul3A_1513 : i32 to vector<16xi32>
      %add3A_1518 = arith.addi %add3A_1517, %mul3A_1516 : vector<16xi32>
      %add3A_1519 = arith.constant 1 : i32
      %add3A_1520 = vector.broadcast %add3A_1519 : i32 to vector<16xi32>
      %add3A_1521 = arith.addi %add3A_1518, %add3A_1520 : vector<16xi32>
      tpu.vector_store_idx %arg7[%broadcast_in_dim3A, %add3A_1521], %get3A_1509 : memref<64x128xf32, #tpu.memory_space<vmem>>[vector<16xi32>, vector<16xi32>], vector<16xf32>,
    }
    %scan3A_328 = arith.constant 256 : i32
    %add3A_329 = arith.constant 128 : i32
    %add3A_330 = arith.addi %mul3A_298, %add3A_329 : i32
    %dma_start3A_331 = arith.constant 0 : i32
    %dma_start3A_332 = tpu.memref_slice %arg4[%add3A_330, %dma_start3A_331] : memref<229376x128xf32, #tpu.memory_space<hbm>> -> memref<64x128xf32, #tpu.memory_space<hbm>>
    %dma_start3A_333 = arith.constant 0 : i32
    %dma_start3A_334 = tpu.memref_slice %arg4[%add3A_330, %dma_start3A_333] : memref<229376x128xf32, #tpu.memory_space<hbm>> -> memref<64x128xf32, #tpu.memory_space<hbm>>
    tpu.enqueue_dma source(%arg7 : memref<64x128xf32, #tpu.memory_space<vmem>>) target(%dma_start3A_334 : memref<64x128xf32, #tpu.memory_space<hbm>>) target_semaphore(%arg15 : memref<!tpu.dma_semaphore, #tpu.memory_space<semaphore_mem>>)
    %dma_wait3A_335 = arith.constant 0 : i32
    %dma_wait3A_336 = arith.constant 0 : i32
    %dma_wait3A_337 = tpu.memref_slice %arg5[%dma_wait3A_335, %dma_wait3A_336] : memref<416x128xf32, #tpu.memory_space<vmem>> -> memref<128x128xf32, #tpu.memory_space<vmem>>
    %dma_wait3A_338 = arith.constant 0 : i32
    %dma_wait3A_339 = tpu.memref_slice %arg4[%add3A_300, %dma_wait3A_338] : memref<229376x128xf32, #tpu.memory_space<hbm>> -> memref<128x128xf32, #tpu.memory_space<hbm>>
    %dma_wait3A_340 = arith.constant 0 : i32
    %dma_wait3A_341 = tpu.memref_slice %arg4[%add3A_300, %dma_wait3A_340] : memref<229376x128xf32, #tpu.memory_space<hbm>> -> memref<128x128xf32, #tpu.memory_space<hbm>>
    %dma_wait3A_342 = arith.constant 0 : i32
    %dma_wait3A_343 = arith.constant 0 : i32
    %dma_wait3A_344 = tpu.memref_slice %arg5[%dma_wait3A_342, %dma_wait3A_343] : memref<416x128xf32, #tpu.memory_space<vmem>> -> memref<128x128xf32, #tpu.memory_space<vmem>>
    tpu.wait_dma2 semaphore(%arg11 : memref<!tpu.dma_semaphore, #tpu.memory_space<semaphore_mem>>) src(%dma_wait3A_344 : memref<128x128xf32, #tpu.memory_space<vmem>>) dst(%dma_wait3A_341 : memref<128x128xf32, #tpu.memory_space<hbm>>)
    %dma_wait3A_345 = arith.constant 160 : i32
    %dma_wait3A_346 = arith.constant 0 : i32
    %dma_wait3A_347 = tpu.memref_slice %arg5[%dma_wait3A_345, %dma_wait3A_346] : memref<416x128xf32, #tpu.memory_space<vmem>> -> memref<256x128xf32, #tpu.memory_space<vmem>>
    %dma_wait3A_348 = arith.constant 0 : i32
    %dma_wait3A_349 = tpu.memref_slice %arg4[%add3A_312, %dma_wait3A_348] : memref<229376x128xf32, #tpu.memory_space<hbm>> -> memref<256x128xf32, #tpu.memory_space<hbm>>
    %dma_wait3A_350 = arith.constant 0 : i32
    %dma_wait3A_351 = tpu.memref_slice %arg4[%add3A_312, %dma_wait3A_350] : memref<229376x128xf32, #tpu.memory_space<hbm>> -> memref<256x128xf32, #tpu.memory_space<hbm>>
    %dma_wait3A_352 = arith.constant 160 : i32
    %dma_wait3A_353 = arith.constant 0 : i32
    %dma_wait3A_354 = tpu.memref_slice %arg5[%dma_wait3A_352, %dma_wait3A_353] : memref<416x128xf32, #tpu.memory_space<vmem>> -> memref<256x128xf32, #tpu.memory_space<vmem>>
    tpu.wait_dma2 semaphore(%arg12 : memref<!tpu.dma_semaphore, #tpu.memory_space<semaphore_mem>>) src(%dma_wait3A_354 : memref<256x128xf32, #tpu.memory_space<vmem>>) dst(%dma_wait3A_351 : memref<256x128xf32, #tpu.memory_space<hbm>>)
    %dma_wait3A_355 = arith.constant 0 : i32
    %dma_wait3A_356 = tpu.memref_slice %arg4[%add3A_330, %dma_wait3A_355] : memref<229376x128xf32, #tpu.memory_space<hbm>> -> memref<64x128xf32, #tpu.memory_space<hbm>>
    %dma_wait3A_357 = arith.constant 0 : i32
    %dma_wait3A_358 = tpu.memref_slice %arg4[%add3A_330, %dma_wait3A_357] : memref<229376x128xf32, #tpu.memory_space<hbm>> -> memref<64x128xf32, #tpu.memory_space<hbm>>
    tpu.wait_dma2 semaphore(%arg15 : memref<!tpu.dma_semaphore, #tpu.memory_space<semaphore_mem>>) src(%arg7 : memref<64x128xf32, #tpu.memory_space<vmem>>) dst(%dma_wait3A_358 : memref<64x128xf32, #tpu.memory_space<hbm>>)
    %mul3A_359 = arith.constant 8 : i32
    %mul3A_360 = arith.muli %select_n3A, %mul3A_359 : i32
    %add3A_361 = arith.constant 2 : i32
    %add3A_362 = arith.addi %mul3A_360, %add3A_361 : i32
    %mul3A_363 = arith.constant 4 : i32
    %mul3A_364 = arith.muli %add3A_362, %mul3A_363 : i32
    %add3A_365 = arith.addi %mul3A_364, %rem3A_1 : i32
    %mul3A_366 = arith.constant 832 : i32
    %mul3A_367 = arith.muli %add3A_365, %mul3A_366 : i32
    %add3A_368 = arith.constant 0 : i32
    %add3A_369 = arith.addi %mul3A_367, %add3A_368 : i32
    %dma_start3A_370 = arith.constant 0 : i32
    %dma_start3A_371 = tpu.memref_slice %arg2[%add3A_369, %dma_start3A_370] : memref<212992x128xf32, #tpu.memory_space<hbm>> -> memref<416x128xf32, #tpu.memory_space<hbm>>
    %dma_start3A_372 = arith.constant 0 : i32
    %dma_start3A_373 = tpu.memref_slice %arg2[%add3A_369, %dma_start3A_372] : memref<212992x128xf32, #tpu.memory_space<hbm>> -> memref<416x128xf32, #tpu.memory_space<hbm>>
    tpu.enqueue_dma source(%dma_start3A_373 : memref<416x128xf32, #tpu.memory_space<hbm>>) target(%arg5 : memref<416x128xf32, #tpu.memory_space<vmem>>) target_semaphore(%arg9 : memref<!tpu.dma_semaphore, #tpu.memory_space<semaphore_mem>>)
    %dma_wait3A_374 = arith.constant 0 : i32
    %dma_wait3A_375 = tpu.memref_slice %arg2[%add3A_281, %dma_wait3A_374] : memref<212992x128xf32, #tpu.memory_space<hbm>> -> memref<416x128xf32, #tpu.memory_space<hbm>>
    %dma_wait3A_376 = arith.constant 0 : i32
    %dma_wait3A_377 = tpu.memref_slice %arg2[%add3A_281, %dma_wait3A_376] : memref<212992x128xf32, #tpu.memory_space<hbm>> -> memref<416x128xf32, #tpu.memory_space<hbm>>
    tpu.wait_dma2 semaphore(%arg10 : memref<!tpu.dma_semaphore, #tpu.memory_space<semaphore_mem>>) src(%dma_wait3A_377 : memref<416x128xf32, #tpu.memory_space<hbm>>) dst(%arg6 : memref<416x128xf32, #tpu.memory_space<vmem>>)
    %mul3A_378 = arith.constant 8 : i32
    %mul3A_379 = arith.muli %select_n3A, %mul3A_378 : i32
    %add3A_380 = arith.constant 1 : i32
    %add3A_381 = arith.addi %mul3A_379, %add3A_380 : i32
    %mul3A_382 = arith.constant 4 : i32
    %mul3A_383 = arith.muli %add3A_381, %mul3A_382 : i32
    %add3A_384 = arith.addi %mul3A_383, %rem3A_1 : i32
    %mul3A_385 = arith.constant 896 : i32
    %mul3A_386 = arith.muli %add3A_384, %mul3A_385 : i32
    %add3A_387 = arith.constant 448 : i32
    %add3A_388 = arith.addi %mul3A_386, %add3A_387 : i32
    %dma_start3A_389 = arith.constant 0 : i32
    %dma_start3A_390 = arith.constant 0 : i32
    %dma_start3A_391 = tpu.memref_slice %arg6[%dma_start3A_389, %dma_start3A_390] : memref<416x128xf32, #tpu.memory_space<vmem>> -> memref<256x128xf32, #tpu.memory_space<vmem>>
    %dma_start3A_392 = arith.constant 0 : i32
    %dma_start3A_393 = tpu.memref_slice %arg4[%add3A_388, %dma_start3A_392] : memref<229376x128xf32, #tpu.memory_space<hbm>> -> memref<256x128xf32, #tpu.memory_space<hbm>>
    %dma_start3A_394 = arith.constant 0 : i32
    %dma_start3A_395 = tpu.memref_slice %arg4[%add3A_388, %dma_start3A_394] : memref<229376x128xf32, #tpu.memory_space<hbm>> -> memref<256x128xf32, #tpu.memory_space<hbm>>
    %dma_start3A_396 = arith.constant 0 : i32
    %dma_start3A_397 = arith.constant 0 : i32
    %dma_start3A_398 = tpu.memref_slice %arg6[%dma_start3A_396, %dma_start3A_397] : memref<416x128xf32, #tpu.memory_space<vmem>> -> memref<256x128xf32, #tpu.memory_space<vmem>>
    tpu.enqueue_dma source(%dma_start3A_398 : memref<256x128xf32, #tpu.memory_space<vmem>>) target(%dma_start3A_395 : memref<256x128xf32, #tpu.memory_space<hbm>>) target_semaphore(%arg13 : memref<!tpu.dma_semaphore, #tpu.memory_space<semaphore_mem>>)
    %add3A_399 = arith.constant 768 : i32
    %add3A_400 = arith.addi %mul3A_386, %add3A_399 : i32
    %dma_start3A_401 = arith.constant 288 : i32
    %dma_start3A_402 = arith.constant 0 : i32
    %dma_start3A_403 = tpu.memref_slice %arg6[%dma_start3A_401, %dma_start3A_402] : memref<416x128xf32, #tpu.memory_space<vmem>> -> memref<128x128xf32, #tpu.memory_space<vmem>>
    %dma_start3A_404 = arith.constant 0 : i32
    %dma_start3A_405 = tpu.memref_slice %arg4[%add3A_400, %dma_start3A_404] : memref<229376x128xf32, #tpu.memory_space<hbm>> -> memref<128x128xf32, #tpu.memory_space<hbm>>
    %dma_start3A_406 = arith.constant 0 : i32
    %dma_start3A_407 = tpu.memref_slice %arg4[%add3A_400, %dma_start3A_406] : memref<229376x128xf32, #tpu.memory_space<hbm>> -> memref<128x128xf32, #tpu.memory_space<hbm>>
    %dma_start3A_408 = arith.constant 288 : i32
    %dma_start3A_409 = arith.constant 0 : i32
    %dma_start3A_410 = tpu.memref_slice %arg6[%dma_start3A_408, %dma_start3A_409] : memref<416x128xf32, #tpu.memory_space<vmem>> -> memref<128x128xf32, #tpu.memory_space<vmem>>
    tpu.enqueue_dma source(%dma_start3A_410 : memref<128x128xf32, #tpu.memory_space<vmem>>) target(%dma_start3A_407 : memref<128x128xf32, #tpu.memory_space<hbm>>) target_semaphore(%arg14 : memref<!tpu.dma_semaphore, #tpu.memory_space<semaphore_mem>>)
    %scan3A_411 = arith.constant 0 : i32
    %scan3A_412 = arith.constant 0 : i32
    %scan3A_413 = arith.constant 256 : i32
    %scan3A_414 = arith.addi %scan3A_412, %scan3A_413 : i32
    %scan3A_415 = arith.constant 1 : i32
    scf.for %scan3A_1488 = %scan3A_412 to %scan3A_414 step %scan3A_415  : i32 {
      %shift_right_arithmetic3A = arith.constant 3 : i32
      %shift_right_arithmetic3A_1489 = arith.shrsi %scan3A_1488, %shift_right_arithmetic3A : i32
      %and3A_1490 = arith.constant 7 : i32
      %and3A_1491 = arith.andi %scan3A_1488, %and3A_1490 : i32
      %shift_right_arithmetic3A_1492 = arith.constant 1 : i32
      %shift_right_arithmetic3A_1493 = arith.shrsi %shift_right_arithmetic3A_1489, %shift_right_arithmetic3A_1492 : i32
      %and3A_1494 = arith.constant 1 : i32
      %and3A_1495 = arith.andi %shift_right_arithmetic3A_1489, %and3A_1494 : i32
      %mul3A_1496 = arith.constant 2 : i32
      %mul3A_1497 = arith.muli %mul3A_1496, %shift_right_arithmetic3A_1493 : i32
      %shift_right_arithmetic3A_1498 = arith.constant 2 : i32
      %shift_right_arithmetic3A_1499 = arith.shrsi %and3A_1491, %shift_right_arithmetic3A_1498 : i32
      %add3A_1500 = arith.addi %mul3A_1497, %shift_right_arithmetic3A_1499 : i32
      %mul3A_1501 = arith.constant 2 : i32
      %mul3A_1502 = arith.muli %add3A_1500, %mul3A_1501 : i32
      %add3A_1503 = arith.addi %mul3A_1502, %and3A_1495 : i32
      %add3A_1504 = arith.constant 256 : i32
      %add3A_1505 = arith.addi %add3A_1504, %shift_right_arithmetic3A_1489 : i32
      %mul3A_1506 = arith.constant 16 : i32
      %mul3A_1507 = arith.muli %mul3A_1506, %and3A_1491 : i32
      %get3A = arith.index_cast %add3A_1505 : i32 to index
      %get3A_1508 = arith.index_cast %mul3A_1507 : i32 to index
      %get3A_1509 = tpu.vector_load %arg6[%get3A, %get3A_1508] {strides = array<i32>} : memref<416x128xf32, #tpu.memory_space<vmem>>, vector<16xf32>,
      %broadcast_in_dim3A = vector.broadcast %add3A_1503 : i32 to vector<16xi32>
      %and3A_1510 = arith.constant 3 : i32
      %and3A_1511 = arith.andi %and3A_1491, %and3A_1510 : i32
      %mul3A_1512 = arith.constant 32 : i32
      %mul3A_1513 = arith.muli %mul3A_1512, %and3A_1511 : i32
      %mul3A_1514 = arith.constant 2 : i32
      %mul3A_1515 = vector.broadcast %mul3A_1514 : i32 to vector<16xi32>
      %mul3A_1516 = arith.muli %mul3A_1515, %iota3A : vector<16xi32>
      %add3A_1517 = vector.broadcast %mul3A_1513 : i32 to vector<16xi32>
      %add3A_1518 = arith.addi %add3A_1517, %mul3A_1516 : vector<16xi32>
      %add3A_1519 = arith.constant 1 : i32
      %add3A_1520 = vector.broadcast %add3A_1519 : i32 to vector<16xi32>
      %add3A_1521 = arith.addi %add3A_1518, %add3A_1520 : vector<16xi32>
      tpu.vector_store_idx %arg8[%broadcast_in_dim3A, %add3A_1521], %get3A_1509 : memref<64x128xf32, #tpu.memory_space<vmem>>[vector<16xi32>, vector<16xi32>], vector<16xf32>,
    }
    %scan3A_416 = arith.constant 256 : i32
    %add3A_417 = arith.constant 704 : i32
    %add3A_418 = arith.addi %mul3A_386, %add3A_417 : i32
    %dma_start3A_419 = arith.constant 0 : i32
    %dma_start3A_420 = tpu.memref_slice %arg4[%add3A_418, %dma_start3A_419] : memref<229376x128xf32, #tpu.memory_space<hbm>> -> memref<64x128xf32, #tpu.memory_space<hbm>>
    %dma_start3A_421 = arith.constant 0 : i32
    %dma_start3A_422 = tpu.memref_slice %arg4[%add3A_418, %dma_start3A_421] : memref<229376x128xf32, #tpu.memory_space<hbm>> -> memref<64x128xf32, #tpu.memory_space<hbm>>
    tpu.enqueue_dma source(%arg8 : memref<64x128xf32, #tpu.memory_space<vmem>>) target(%dma_start3A_422 : memref<64x128xf32, #tpu.memory_space<hbm>>) target_semaphore(%arg16 : memref<!tpu.dma_semaphore, #tpu.memory_space<semaphore_mem>>)
    %dma_wait3A_423 = arith.constant 0 : i32
    %dma_wait3A_424 = arith.constant 0 : i32
    %dma_wait3A_425 = tpu.memref_slice %arg6[%dma_wait3A_423, %dma_wait3A_424] : memref<416x128xf32, #tpu.memory_space<vmem>> -> memref<256x128xf32, #tpu.memory_space<vmem>>
    %dma_wait3A_426 = arith.constant 0 : i32
    %dma_wait3A_427 = tpu.memref_slice %arg4[%add3A_388, %dma_wait3A_426] : memref<229376x128xf32, #tpu.memory_space<hbm>> -> memref<256x128xf32, #tpu.memory_space<hbm>>
    %dma_wait3A_428 = arith.constant 0 : i32
    %dma_wait3A_429 = tpu.memref_slice %arg4[%add3A_388, %dma_wait3A_428] : memref<229376x128xf32, #tpu.memory_space<hbm>> -> memref<256x128xf32, #tpu.memory_space<hbm>>
    %dma_wait3A_430 = arith.constant 0 : i32
    %dma_wait3A_431 = arith.constant 0 : i32
    %dma_wait3A_432 = tpu.memref_slice %arg6[%dma_wait3A_430, %dma_wait3A_431] : memref<416x128xf32, #tpu.memory_space<vmem>> -> memref<256x128xf32, #tpu.memory_space<vmem>>
    tpu.wait_dma2 semaphore(%arg13 : memref<!tpu.dma_semaphore, #tpu.memory_space<semaphore_mem>>) src(%dma_wait3A_432 : memref<256x128xf32, #tpu.memory_space<vmem>>) dst(%dma_wait3A_429 : memref<256x128xf32, #tpu.memory_space<hbm>>)
    %dma_wait3A_433 = arith.constant 288 : i32
    %dma_wait3A_434 = arith.constant 0 : i32
    %dma_wait3A_435 = tpu.memref_slice %arg6[%dma_wait3A_433, %dma_wait3A_434] : memref<416x128xf32, #tpu.memory_space<vmem>> -> memref<128x128xf32, #tpu.memory_space<vmem>>
    %dma_wait3A_436 = arith.constant 0 : i32
    %dma_wait3A_437 = tpu.memref_slice %arg4[%add3A_400, %dma_wait3A_436] : memref<229376x128xf32, #tpu.memory_space<hbm>> -> memref<128x128xf32, #tpu.memory_space<hbm>>
    %dma_wait3A_438 = arith.constant 0 : i32
    %dma_wait3A_439 = tpu.memref_slice %arg4[%add3A_400, %dma_wait3A_438] : memref<229376x128xf32, #tpu.memory_space<hbm>> -> memref<128x128xf32, #tpu.memory_space<hbm>>
    %dma_wait3A_440 = arith.constant 288 : i32
    %dma_wait3A_441 = arith.constant 0 : i32
    %dma_wait3A_442 = tpu.memref_slice %arg6[%dma_wait3A_440, %dma_wait3A_441] : memref<416x128xf32, #tpu.memory_space<vmem>> -> memref<128x128xf32, #tpu.memory_space<vmem>>
    tpu.wait_dma2 semaphore(%arg14 : memref<!tpu.dma_semaphore, #tpu.memory_space<semaphore_mem>>) src(%dma_wait3A_442 : memref<128x128xf32, #tpu.memory_space<vmem>>) dst(%dma_wait3A_439 : memref<128x128xf32, #tpu.memory_space<hbm>>)
    %dma_wait3A_443 = arith.constant 0 : i32
    %dma_wait3A_444 = tpu.memref_slice %arg4[%add3A_418, %dma_wait3A_443] : memref<229376x128xf32, #tpu.memory_space<hbm>> -> memref<64x128xf32, #tpu.memory_space<hbm>>
    %dma_wait3A_445 = arith.constant 0 : i32
    %dma_wait3A_446 = tpu.memref_slice %arg4[%add3A_418, %dma_wait3A_445] : memref<229376x128xf32, #tpu.memory_space<hbm>> -> memref<64x128xf32, #tpu.memory_space<hbm>>
    tpu.wait_dma2 semaphore(%arg16 : memref<!tpu.dma_semaphore, #tpu.memory_space<semaphore_mem>>) src(%arg8 : memref<64x128xf32, #tpu.memory_space<vmem>>) dst(%dma_wait3A_446 : memref<64x128xf32, #tpu.memory_space<hbm>>)
    %mul3A_447 = arith.constant 8 : i32
    %mul3A_448 = arith.muli %select_n3A, %mul3A_447 : i32
    %add3A_449 = arith.constant 2 : i32
    %add3A_450 = arith.addi %mul3A_448, %add3A_449 : i32
    %mul3A_451 = arith.constant 4 : i32
    %mul3A_452 = arith.muli %add3A_450, %mul3A_451 : i32
    %add3A_453 = arith.addi %mul3A_452, %rem3A_1 : i32
    %mul3A_454 = arith.constant 832 : i32
    %mul3A_455 = arith.muli %add3A_453, %mul3A_454 : i32
    %add3A_456 = arith.constant 416 : i32
    %add3A_457 = arith.addi %mul3A_455, %add3A_456 : i32
    %dma_start3A_458 = arith.constant 0 : i32
    %dma_start3A_459 = tpu.memref_slice %arg2[%add3A_457, %dma_start3A_458] : memref<212992x128xf32, #tpu.memory_space<hbm>> -> memref<416x128xf32, #tpu.memory_space<hbm>>
    %dma_start3A_460 = arith.constant 0 : i32
    %dma_start3A_461 = tpu.memref_slice %arg2[%add3A_457, %dma_start3A_460] : memref<212992x128xf32, #tpu.memory_space<hbm>> -> memref<416x128xf32, #tpu.memory_space<hbm>>
    tpu.enqueue_dma source(%dma_start3A_461 : memref<416x128xf32, #tpu.memory_space<hbm>>) target(%arg6 : memref<416x128xf32, #tpu.memory_space<vmem>>) target_semaphore(%arg10 : memref<!tpu.dma_semaphore, #tpu.memory_space<semaphore_mem>>)
    %dma_wait3A_462 = arith.constant 0 : i32
    %dma_wait3A_463 = tpu.memref_slice %arg2[%add3A_369, %dma_wait3A_462] : memref<212992x128xf32, #tpu.memory_space<hbm>> -> memref<416x128xf32, #tpu.memory_space<hbm>>
    %dma_wait3A_464 = arith.constant 0 : i32
    %dma_wait3A_465 = tpu.memref_slice %arg2[%add3A_369, %dma_wait3A_464] : memref<212992x128xf32, #tpu.memory_space<hbm>> -> memref<416x128xf32, #tpu.memory_space<hbm>>
    tpu.wait_dma2 semaphore(%arg9 : memref<!tpu.dma_semaphore, #tpu.memory_space<semaphore_mem>>) src(%dma_wait3A_465 : memref<416x128xf32, #tpu.memory_space<hbm>>) dst(%arg5 : memref<416x128xf32, #tpu.memory_space<vmem>>)
    %mul3A_466 = arith.constant 8 : i32
    %mul3A_467 = arith.muli %select_n3A, %mul3A_466 : i32
    %add3A_468 = arith.constant 2 : i32
    %add3A_469 = arith.addi %mul3A_467, %add3A_468 : i32
    %mul3A_470 = arith.constant 4 : i32
    %mul3A_471 = arith.muli %add3A_469, %mul3A_470 : i32
    %add3A_472 = arith.addi %mul3A_471, %rem3A_1 : i32
    %mul3A_473 = arith.constant 896 : i32
    %mul3A_474 = arith.muli %add3A_472, %mul3A_473 : i32
    %add3A_475 = arith.constant 0 : i32
    %add3A_476 = arith.addi %mul3A_474, %add3A_475 : i32
    %dma_start3A_477 = arith.constant 0 : i32
    %dma_start3A_478 = arith.constant 0 : i32
    %dma_start3A_479 = tpu.memref_slice %arg5[%dma_start3A_477, %dma_start3A_478] : memref<416x128xf32, #tpu.memory_space<vmem>> -> memref<128x128xf32, #tpu.memory_space<vmem>>
    %dma_start3A_480 = arith.constant 0 : i32
    %dma_start3A_481 = tpu.memref_slice %arg4[%add3A_476, %dma_start3A_480] : memref<229376x128xf32, #tpu.memory_space<hbm>> -> memref<128x128xf32, #tpu.memory_space<hbm>>
    %dma_start3A_482 = arith.constant 0 : i32
    %dma_start3A_483 = tpu.memref_slice %arg4[%add3A_476, %dma_start3A_482] : memref<229376x128xf32, #tpu.memory_space<hbm>> -> memref<128x128xf32, #tpu.memory_space<hbm>>
    %dma_start3A_484 = arith.constant 0 : i32
    %dma_start3A_485 = arith.constant 0 : i32
    %dma_start3A_486 = tpu.memref_slice %arg5[%dma_start3A_484, %dma_start3A_485] : memref<416x128xf32, #tpu.memory_space<vmem>> -> memref<128x128xf32, #tpu.memory_space<vmem>>
    tpu.enqueue_dma source(%dma_start3A_486 : memref<128x128xf32, #tpu.memory_space<vmem>>) target(%dma_start3A_483 : memref<128x128xf32, #tpu.memory_space<hbm>>) target_semaphore(%arg11 : memref<!tpu.dma_semaphore, #tpu.memory_space<semaphore_mem>>)
    %add3A_487 = arith.constant 192 : i32
    %add3A_488 = arith.addi %mul3A_474, %add3A_487 : i32
    %dma_start3A_489 = arith.constant 160 : i32
    %dma_start3A_490 = arith.constant 0 : i32
    %dma_start3A_491 = tpu.memref_slice %arg5[%dma_start3A_489, %dma_start3A_490] : memref<416x128xf32, #tpu.memory_space<vmem>> -> memref<256x128xf32, #tpu.memory_space<vmem>>
    %dma_start3A_492 = arith.constant 0 : i32
    %dma_start3A_493 = tpu.memref_slice %arg4[%add3A_488, %dma_start3A_492] : memref<229376x128xf32, #tpu.memory_space<hbm>> -> memref<256x128xf32, #tpu.memory_space<hbm>>
    %dma_start3A_494 = arith.constant 0 : i32
    %dma_start3A_495 = tpu.memref_slice %arg4[%add3A_488, %dma_start3A_494] : memref<229376x128xf32, #tpu.memory_space<hbm>> -> memref<256x128xf32, #tpu.memory_space<hbm>>
    %dma_start3A_496 = arith.constant 160 : i32
    %dma_start3A_497 = arith.constant 0 : i32
    %dma_start3A_498 = tpu.memref_slice %arg5[%dma_start3A_496, %dma_start3A_497] : memref<416x128xf32, #tpu.memory_space<vmem>> -> memref<256x128xf32, #tpu.memory_space<vmem>>
    tpu.enqueue_dma source(%dma_start3A_498 : memref<256x128xf32, #tpu.memory_space<vmem>>) target(%dma_start3A_495 : memref<256x128xf32, #tpu.memory_space<hbm>>) target_semaphore(%arg12 : memref<!tpu.dma_semaphore, #tpu.memory_space<semaphore_mem>>)
    %scan3A_499 = arith.constant 0 : i32
    %scan3A_500 = arith.constant 0 : i32
    %scan3A_501 = arith.constant 256 : i32
    %scan3A_502 = arith.addi %scan3A_500, %scan3A_501 : i32
    %scan3A_503 = arith.constant 1 : i32
    scf.for %scan3A_1488 = %scan3A_500 to %scan3A_502 step %scan3A_503  : i32 {
      %shift_right_arithmetic3A = arith.constant 3 : i32
      %shift_right_arithmetic3A_1489 = arith.shrsi %scan3A_1488, %shift_right_arithmetic3A : i32
      %and3A_1490 = arith.constant 7 : i32
      %and3A_1491 = arith.andi %scan3A_1488, %and3A_1490 : i32
      %shift_right_arithmetic3A_1492 = arith.constant 1 : i32
      %shift_right_arithmetic3A_1493 = arith.shrsi %shift_right_arithmetic3A_1489, %shift_right_arithmetic3A_1492 : i32
      %and3A_1494 = arith.constant 1 : i32
      %and3A_1495 = arith.andi %shift_right_arithmetic3A_1489, %and3A_1494 : i32
      %mul3A_1496 = arith.constant 2 : i32
      %mul3A_1497 = arith.muli %mul3A_1496, %shift_right_arithmetic3A_1493 : i32
      %shift_right_arithmetic3A_1498 = arith.constant 2 : i32
      %shift_right_arithmetic3A_1499 = arith.shrsi %and3A_1491, %shift_right_arithmetic3A_1498 : i32
      %add3A_1500 = arith.addi %mul3A_1497, %shift_right_arithmetic3A_1499 : i32
      %mul3A_1501 = arith.constant 2 : i32
      %mul3A_1502 = arith.muli %add3A_1500, %mul3A_1501 : i32
      %add3A_1503 = arith.addi %mul3A_1502, %and3A_1495 : i32
      %add3A_1504 = arith.constant 128 : i32
      %add3A_1505 = arith.addi %add3A_1504, %shift_right_arithmetic3A_1489 : i32
      %mul3A_1506 = arith.constant 16 : i32
      %mul3A_1507 = arith.muli %mul3A_1506, %and3A_1491 : i32
      %get3A = arith.index_cast %add3A_1505 : i32 to index
      %get3A_1508 = arith.index_cast %mul3A_1507 : i32 to index
      %get3A_1509 = tpu.vector_load %arg5[%get3A, %get3A_1508] {strides = array<i32>} : memref<416x128xf32, #tpu.memory_space<vmem>>, vector<16xf32>,
      %broadcast_in_dim3A = vector.broadcast %add3A_1503 : i32 to vector<16xi32>
      %and3A_1510 = arith.constant 3 : i32
      %and3A_1511 = arith.andi %and3A_1491, %and3A_1510 : i32
      %mul3A_1512 = arith.constant 32 : i32
      %mul3A_1513 = arith.muli %mul3A_1512, %and3A_1511 : i32
      %mul3A_1514 = arith.constant 2 : i32
      %mul3A_1515 = vector.broadcast %mul3A_1514 : i32 to vector<16xi32>
      %mul3A_1516 = arith.muli %mul3A_1515, %iota3A : vector<16xi32>
      %add3A_1517 = vector.broadcast %mul3A_1513 : i32 to vector<16xi32>
      %add3A_1518 = arith.addi %add3A_1517, %mul3A_1516 : vector<16xi32>
      %add3A_1519 = arith.constant 1 : i32
      %add3A_1520 = vector.broadcast %add3A_1519 : i32 to vector<16xi32>
      %add3A_1521 = arith.addi %add3A_1518, %add3A_1520 : vector<16xi32>
      tpu.vector_store_idx %arg7[%broadcast_in_dim3A, %add3A_1521], %get3A_1509 : memref<64x128xf32, #tpu.memory_space<vmem>>[vector<16xi32>, vector<16xi32>], vector<16xf32>,
    }
    %scan3A_504 = arith.constant 256 : i32
    %add3A_505 = arith.constant 128 : i32
    %add3A_506 = arith.addi %mul3A_474, %add3A_505 : i32
    %dma_start3A_507 = arith.constant 0 : i32
    %dma_start3A_508 = tpu.memref_slice %arg4[%add3A_506, %dma_start3A_507] : memref<229376x128xf32, #tpu.memory_space<hbm>> -> memref<64x128xf32, #tpu.memory_space<hbm>>
    %dma_start3A_509 = arith.constant 0 : i32
    %dma_start3A_510 = tpu.memref_slice %arg4[%add3A_506, %dma_start3A_509] : memref<229376x128xf32, #tpu.memory_space<hbm>> -> memref<64x128xf32, #tpu.memory_space<hbm>>
    tpu.enqueue_dma source(%arg7 : memref<64x128xf32, #tpu.memory_space<vmem>>) target(%dma_start3A_510 : memref<64x128xf32, #tpu.memory_space<hbm>>) target_semaphore(%arg15 : memref<!tpu.dma_semaphore, #tpu.memory_space<semaphore_mem>>)
    %dma_wait3A_511 = arith.constant 0 : i32
    %dma_wait3A_512 = arith.constant 0 : i32
    %dma_wait3A_513 = tpu.memref_slice %arg5[%dma_wait3A_511, %dma_wait3A_512] : memref<416x128xf32, #tpu.memory_space<vmem>> -> memref<128x128xf32, #tpu.memory_space<vmem>>
    %dma_wait3A_514 = arith.constant 0 : i32
    %dma_wait3A_515 = tpu.memref_slice %arg4[%add3A_476, %dma_wait3A_514] : memref<229376x128xf32, #tpu.memory_space<hbm>> -> memref<128x128xf32, #tpu.memory_space<hbm>>
    %dma_wait3A_516 = arith.constant 0 : i32
    %dma_wait3A_517 = tpu.memref_slice %arg4[%add3A_476, %dma_wait3A_516] : memref<229376x128xf32, #tpu.memory_space<hbm>> -> memref<128x128xf32, #tpu.memory_space<hbm>>
    %dma_wait3A_518 = arith.constant 0 : i32
    %dma_wait3A_519 = arith.constant 0 : i32
    %dma_wait3A_520 = tpu.memref_slice %arg5[%dma_wait3A_518, %dma_wait3A_519] : memref<416x128xf32, #tpu.memory_space<vmem>> -> memref<128x128xf32, #tpu.memory_space<vmem>>
    tpu.wait_dma2 semaphore(%arg11 : memref<!tpu.dma_semaphore, #tpu.memory_space<semaphore_mem>>) src(%dma_wait3A_520 : memref<128x128xf32, #tpu.memory_space<vmem>>) dst(%dma_wait3A_517 : memref<128x128xf32, #tpu.memory_space<hbm>>)
    %dma_wait3A_521 = arith.constant 160 : i32
    %dma_wait3A_522 = arith.constant 0 : i32
    %dma_wait3A_523 = tpu.memref_slice %arg5[%dma_wait3A_521, %dma_wait3A_522] : memref<416x128xf32, #tpu.memory_space<vmem>> -> memref<256x128xf32, #tpu.memory_space<vmem>>
    %dma_wait3A_524 = arith.constant 0 : i32
    %dma_wait3A_525 = tpu.memref_slice %arg4[%add3A_488, %dma_wait3A_524] : memref<229376x128xf32, #tpu.memory_space<hbm>> -> memref<256x128xf32, #tpu.memory_space<hbm>>
    %dma_wait3A_526 = arith.constant 0 : i32
    %dma_wait3A_527 = tpu.memref_slice %arg4[%add3A_488, %dma_wait3A_526] : memref<229376x128xf32, #tpu.memory_space<hbm>> -> memref<256x128xf32, #tpu.memory_space<hbm>>
    %dma_wait3A_528 = arith.constant 160 : i32
    %dma_wait3A_529 = arith.constant 0 : i32
    %dma_wait3A_530 = tpu.memref_slice %arg5[%dma_wait3A_528, %dma_wait3A_529] : memref<416x128xf32, #tpu.memory_space<vmem>> -> memref<256x128xf32, #tpu.memory_space<vmem>>
    tpu.wait_dma2 semaphore(%arg12 : memref<!tpu.dma_semaphore, #tpu.memory_space<semaphore_mem>>) src(%dma_wait3A_530 : memref<256x128xf32, #tpu.memory_space<vmem>>) dst(%dma_wait3A_527 : memref<256x128xf32, #tpu.memory_space<hbm>>)
    %dma_wait3A_531 = arith.constant 0 : i32
    %dma_wait3A_532 = tpu.memref_slice %arg4[%add3A_506, %dma_wait3A_531] : memref<229376x128xf32, #tpu.memory_space<hbm>> -> memref<64x128xf32, #tpu.memory_space<hbm>>
    %dma_wait3A_533 = arith.constant 0 : i32
    %dma_wait3A_534 = tpu.memref_slice %arg4[%add3A_506, %dma_wait3A_533] : memref<229376x128xf32, #tpu.memory_space<hbm>> -> memref<64x128xf32, #tpu.memory_space<hbm>>
    tpu.wait_dma2 semaphore(%arg15 : memref<!tpu.dma_semaphore, #tpu.memory_space<semaphore_mem>>) src(%arg7 : memref<64x128xf32, #tpu.memory_space<vmem>>) dst(%dma_wait3A_534 : memref<64x128xf32, #tpu.memory_space<hbm>>)
    %mul3A_535 = arith.constant 8 : i32
    %mul3A_536 = arith.muli %select_n3A, %mul3A_535 : i32
    %add3A_537 = arith.constant 3 : i32
    %add3A_538 = arith.addi %mul3A_536, %add3A_537 : i32
    %mul3A_539 = arith.constant 4 : i32
    %mul3A_540 = arith.muli %add3A_538, %mul3A_539 : i32
    %add3A_541 = arith.addi %mul3A_540, %rem3A_1 : i32
    %mul3A_542 = arith.constant 832 : i32
    %mul3A_543 = arith.muli %add3A_541, %mul3A_542 : i32
    %add3A_544 = arith.constant 0 : i32
    %add3A_545 = arith.addi %mul3A_543, %add3A_544 : i32
    %dma_start3A_546 = arith.constant 0 : i32
    %dma_start3A_547 = tpu.memref_slice %arg2[%add3A_545, %dma_start3A_546] : memref<212992x128xf32, #tpu.memory_space<hbm>> -> memref<416x128xf32, #tpu.memory_space<hbm>>
    %dma_start3A_548 = arith.constant 0 : i32
    %dma_start3A_549 = tpu.memref_slice %arg2[%add3A_545, %dma_start3A_548] : memref<212992x128xf32, #tpu.memory_space<hbm>> -> memref<416x128xf32, #tpu.memory_space<hbm>>
    tpu.enqueue_dma source(%dma_start3A_549 : memref<416x128xf32, #tpu.memory_space<hbm>>) target(%arg5 : memref<416x128xf32, #tpu.memory_space<vmem>>) target_semaphore(%arg9 : memref<!tpu.dma_semaphore, #tpu.memory_space<semaphore_mem>>)
    %dma_wait3A_550 = arith.constant 0 : i32
    %dma_wait3A_551 = tpu.memref_slice %arg2[%add3A_457, %dma_wait3A_550] : memref<212992x128xf32, #tpu.memory_space<hbm>> -> memref<416x128xf32, #tpu.memory_space<hbm>>
    %dma_wait3A_552 = arith.constant 0 : i32
    %dma_wait3A_553 = tpu.memref_slice %arg2[%add3A_457, %dma_wait3A_552] : memref<212992x128xf32, #tpu.memory_space<hbm>> -> memref<416x128xf32, #tpu.memory_space<hbm>>
    tpu.wait_dma2 semaphore(%arg10 : memref<!tpu.dma_semaphore, #tpu.memory_space<semaphore_mem>>) src(%dma_wait3A_553 : memref<416x128xf32, #tpu.memory_space<hbm>>) dst(%arg6 : memref<416x128xf32, #tpu.memory_space<vmem>>)
    %mul3A_554 = arith.constant 8 : i32
    %mul3A_555 = arith.muli %select_n3A, %mul3A_554 : i32
    %add3A_556 = arith.constant 2 : i32
    %add3A_557 = arith.addi %mul3A_555, %add3A_556 : i32
    %mul3A_558 = arith.constant 4 : i32
    %mul3A_559 = arith.muli %add3A_557, %mul3A_558 : i32
    %add3A_560 = arith.addi %mul3A_559, %rem3A_1 : i32
    %mul3A_561 = arith.constant 896 : i32
    %mul3A_562 = arith.muli %add3A_560, %mul3A_561 : i32
    %add3A_563 = arith.constant 448 : i32
    %add3A_564 = arith.addi %mul3A_562, %add3A_563 : i32
    %dma_start3A_565 = arith.constant 0 : i32
    %dma_start3A_566 = arith.constant 0 : i32
    %dma_start3A_567 = tpu.memref_slice %arg6[%dma_start3A_565, %dma_start3A_566] : memref<416x128xf32, #tpu.memory_space<vmem>> -> memref<256x128xf32, #tpu.memory_space<vmem>>
    %dma_start3A_568 = arith.constant 0 : i32
    %dma_start3A_569 = tpu.memref_slice %arg4[%add3A_564, %dma_start3A_568] : memref<229376x128xf32, #tpu.memory_space<hbm>> -> memref<256x128xf32, #tpu.memory_space<hbm>>
    %dma_start3A_570 = arith.constant 0 : i32
    %dma_start3A_571 = tpu.memref_slice %arg4[%add3A_564, %dma_start3A_570] : memref<229376x128xf32, #tpu.memory_space<hbm>> -> memref<256x128xf32, #tpu.memory_space<hbm>>
    %dma_start3A_572 = arith.constant 0 : i32
    %dma_start3A_573 = arith.constant 0 : i32
    %dma_start3A_574 = tpu.memref_slice %arg6[%dma_start3A_572, %dma_start3A_573] : memref<416x128xf32, #tpu.memory_space<vmem>> -> memref<256x128xf32, #tpu.memory_space<vmem>>
    tpu.enqueue_dma source(%dma_start3A_574 : memref<256x128xf32, #tpu.memory_space<vmem>>) target(%dma_start3A_571 : memref<256x128xf32, #tpu.memory_space<hbm>>) target_semaphore(%arg13 : memref<!tpu.dma_semaphore, #tpu.memory_space<semaphore_mem>>)
    %add3A_575 = arith.constant 768 : i32
    %add3A_576 = arith.addi %mul3A_562, %add3A_575 : i32
    %dma_start3A_577 = arith.constant 288 : i32
    %dma_start3A_578 = arith.constant 0 : i32
    %dma_start3A_579 = tpu.memref_slice %arg6[%dma_start3A_577, %dma_start3A_578] : memref<416x128xf32, #tpu.memory_space<vmem>> -> memref<128x128xf32, #tpu.memory_space<vmem>>
    %dma_start3A_580 = arith.constant 0 : i32
    %dma_start3A_581 = tpu.memref_slice %arg4[%add3A_576, %dma_start3A_580] : memref<229376x128xf32, #tpu.memory_space<hbm>> -> memref<128x128xf32, #tpu.memory_space<hbm>>
    %dma_start3A_582 = arith.constant 0 : i32
    %dma_start3A_583 = tpu.memref_slice %arg4[%add3A_576, %dma_start3A_582] : memref<229376x128xf32, #tpu.memory_space<hbm>> -> memref<128x128xf32, #tpu.memory_space<hbm>>
    %dma_start3A_584 = arith.constant 288 : i32
    %dma_start3A_585 = arith.constant 0 : i32
    %dma_start3A_586 = tpu.memref_slice %arg6[%dma_start3A_584, %dma_start3A_585] : memref<416x128xf32, #tpu.memory_space<vmem>> -> memref<128x128xf32, #tpu.memory_space<vmem>>
    tpu.enqueue_dma source(%dma_start3A_586 : memref<128x128xf32, #tpu.memory_space<vmem>>) target(%dma_start3A_583 : memref<128x128xf32, #tpu.memory_space<hbm>>) target_semaphore(%arg14 : memref<!tpu.dma_semaphore, #tpu.memory_space<semaphore_mem>>)
    %scan3A_587 = arith.constant 0 : i32
    %scan3A_588 = arith.constant 0 : i32
    %scan3A_589 = arith.constant 256 : i32
    %scan3A_590 = arith.addi %scan3A_588, %scan3A_589 : i32
    %scan3A_591 = arith.constant 1 : i32
    scf.for %scan3A_1488 = %scan3A_588 to %scan3A_590 step %scan3A_591  : i32 {
      %shift_right_arithmetic3A = arith.constant 3 : i32
      %shift_right_arithmetic3A_1489 = arith.shrsi %scan3A_1488, %shift_right_arithmetic3A : i32
      %and3A_1490 = arith.constant 7 : i32
      %and3A_1491 = arith.andi %scan3A_1488, %and3A_1490 : i32
      %shift_right_arithmetic3A_1492 = arith.constant 1 : i32
      %shift_right_arithmetic3A_1493 = arith.shrsi %shift_right_arithmetic3A_1489, %shift_right_arithmetic3A_1492 : i32
      %and3A_1494 = arith.constant 1 : i32
      %and3A_1495 = arith.andi %shift_right_arithmetic3A_1489, %and3A_1494 : i32
      %mul3A_1496 = arith.constant 2 : i32
      %mul3A_1497 = arith.muli %mul3A_1496, %shift_right_arithmetic3A_1493 : i32
      %shift_right_arithmetic3A_1498 = arith.constant 2 : i32
      %shift_right_arithmetic3A_1499 = arith.shrsi %and3A_1491, %shift_right_arithmetic3A_1498 : i32
      %add3A_1500 = arith.addi %mul3A_1497, %shift_right_arithmetic3A_1499 : i32
      %mul3A_1501 = arith.constant 2 : i32
      %mul3A_1502 = arith.muli %add3A_1500, %mul3A_1501 : i32
      %add3A_1503 = arith.addi %mul3A_1502, %and3A_1495 : i32
      %add3A_1504 = arith.constant 256 : i32
      %add3A_1505 = arith.addi %add3A_1504, %shift_right_arithmetic3A_1489 : i32
      %mul3A_1506 = arith.constant 16 : i32
      %mul3A_1507 = arith.muli %mul3A_1506, %and3A_1491 : i32
      %get3A = arith.index_cast %add3A_1505 : i32 to index
      %get3A_1508 = arith.index_cast %mul3A_1507 : i32 to index
      %get3A_1509 = tpu.vector_load %arg6[%get3A, %get3A_1508] {strides = array<i32>} : memref<416x128xf32, #tpu.memory_space<vmem>>, vector<16xf32>,
      %broadcast_in_dim3A = vector.broadcast %add3A_1503 : i32 to vector<16xi32>
      %and3A_1510 = arith.constant 3 : i32
      %and3A_1511 = arith.andi %and3A_1491, %and3A_1510 : i32
      %mul3A_1512 = arith.constant 32 : i32
      %mul3A_1513 = arith.muli %mul3A_1512, %and3A_1511 : i32
      %mul3A_1514 = arith.constant 2 : i32
      %mul3A_1515 = vector.broadcast %mul3A_1514 : i32 to vector<16xi32>
      %mul3A_1516 = arith.muli %mul3A_1515, %iota3A : vector<16xi32>
      %add3A_1517 = vector.broadcast %mul3A_1513 : i32 to vector<16xi32>
      %add3A_1518 = arith.addi %add3A_1517, %mul3A_1516 : vector<16xi32>
      %add3A_1519 = arith.constant 1 : i32
      %add3A_1520 = vector.broadcast %add3A_1519 : i32 to vector<16xi32>
      %add3A_1521 = arith.addi %add3A_1518, %add3A_1520 : vector<16xi32>
      tpu.vector_store_idx %arg8[%broadcast_in_dim3A, %add3A_1521], %get3A_1509 : memref<64x128xf32, #tpu.memory_space<vmem>>[vector<16xi32>, vector<16xi32>], vector<16xf32>,
    }
    %scan3A_592 = arith.constant 256 : i32
    %add3A_593 = arith.constant 704 : i32
    %add3A_594 = arith.addi %mul3A_562, %add3A_593 : i32
    %dma_start3A_595 = arith.constant 0 : i32
    %dma_start3A_596 = tpu.memref_slice %arg4[%add3A_594, %dma_start3A_595] : memref<229376x128xf32, #tpu.memory_space<hbm>> -> memref<64x128xf32, #tpu.memory_space<hbm>>
    %dma_start3A_597 = arith.constant 0 : i32
    %dma_start3A_598 = tpu.memref_slice %arg4[%add3A_594, %dma_start3A_597] : memref<229376x128xf32, #tpu.memory_space<hbm>> -> memref<64x128xf32, #tpu.memory_space<hbm>>
    tpu.enqueue_dma source(%arg8 : memref<64x128xf32, #tpu.memory_space<vmem>>) target(%dma_start3A_598 : memref<64x128xf32, #tpu.memory_space<hbm>>) target_semaphore(%arg16 : memref<!tpu.dma_semaphore, #tpu.memory_space<semaphore_mem>>)
    %dma_wait3A_599 = arith.constant 0 : i32
    %dma_wait3A_600 = arith.constant 0 : i32
    %dma_wait3A_601 = tpu.memref_slice %arg6[%dma_wait3A_599, %dma_wait3A_600] : memref<416x128xf32, #tpu.memory_space<vmem>> -> memref<256x128xf32, #tpu.memory_space<vmem>>
    %dma_wait3A_602 = arith.constant 0 : i32
    %dma_wait3A_603 = tpu.memref_slice %arg4[%add3A_564, %dma_wait3A_602] : memref<229376x128xf32, #tpu.memory_space<hbm>> -> memref<256x128xf32, #tpu.memory_space<hbm>>
    %dma_wait3A_604 = arith.constant 0 : i32
    %dma_wait3A_605 = tpu.memref_slice %arg4[%add3A_564, %dma_wait3A_604] : memref<229376x128xf32, #tpu.memory_space<hbm>> -> memref<256x128xf32, #tpu.memory_space<hbm>>
    %dma_wait3A_606 = arith.constant 0 : i32
    %dma_wait3A_607 = arith.constant 0 : i32
    %dma_wait3A_608 = tpu.memref_slice %arg6[%dma_wait3A_606, %dma_wait3A_607] : memref<416x128xf32, #tpu.memory_space<vmem>> -> memref<256x128xf32, #tpu.memory_space<vmem>>
    tpu.wait_dma2 semaphore(%arg13 : memref<!tpu.dma_semaphore, #tpu.memory_space<semaphore_mem>>) src(%dma_wait3A_608 : memref<256x128xf32, #tpu.memory_space<vmem>>) dst(%dma_wait3A_605 : memref<256x128xf32, #tpu.memory_space<hbm>>)
    %dma_wait3A_609 = arith.constant 288 : i32
    %dma_wait3A_610 = arith.constant 0 : i32
    %dma_wait3A_611 = tpu.memref_slice %arg6[%dma_wait3A_609, %dma_wait3A_610] : memref<416x128xf32, #tpu.memory_space<vmem>> -> memref<128x128xf32, #tpu.memory_space<vmem>>
    %dma_wait3A_612 = arith.constant 0 : i32
    %dma_wait3A_613 = tpu.memref_slice %arg4[%add3A_576, %dma_wait3A_612] : memref<229376x128xf32, #tpu.memory_space<hbm>> -> memref<128x128xf32, #tpu.memory_space<hbm>>
    %dma_wait3A_614 = arith.constant 0 : i32
    %dma_wait3A_615 = tpu.memref_slice %arg4[%add3A_576, %dma_wait3A_614] : memref<229376x128xf32, #tpu.memory_space<hbm>> -> memref<128x128xf32, #tpu.memory_space<hbm>>
    %dma_wait3A_616 = arith.constant 288 : i32
    %dma_wait3A_617 = arith.constant 0 : i32
    %dma_wait3A_618 = tpu.memref_slice %arg6[%dma_wait3A_616, %dma_wait3A_617] : memref<416x128xf32, #tpu.memory_space<vmem>> -> memref<128x128xf32, #tpu.memory_space<vmem>>
    tpu.wait_dma2 semaphore(%arg14 : memref<!tpu.dma_semaphore, #tpu.memory_space<semaphore_mem>>) src(%dma_wait3A_618 : memref<128x128xf32, #tpu.memory_space<vmem>>) dst(%dma_wait3A_615 : memref<128x128xf32, #tpu.memory_space<hbm>>)
    %dma_wait3A_619 = arith.constant 0 : i32
    %dma_wait3A_620 = tpu.memref_slice %arg4[%add3A_594, %dma_wait3A_619] : memref<229376x128xf32, #tpu.memory_space<hbm>> -> memref<64x128xf32, #tpu.memory_space<hbm>>
    %dma_wait3A_621 = arith.constant 0 : i32
    %dma_wait3A_622 = tpu.memref_slice %arg4[%add3A_594, %dma_wait3A_621] : memref<229376x128xf32, #tpu.memory_space<hbm>> -> memref<64x128xf32, #tpu.memory_space<hbm>>
    tpu.wait_dma2 semaphore(%arg16 : memref<!tpu.dma_semaphore, #tpu.memory_space<semaphore_mem>>) src(%arg8 : memref<64x128xf32, #tpu.memory_space<vmem>>) dst(%dma_wait3A_622 : memref<64x128xf32, #tpu.memory_space<hbm>>)
    %mul3A_623 = arith.constant 8 : i32
    %mul3A_624 = arith.muli %select_n3A, %mul3A_623 : i32
    %add3A_625 = arith.constant 3 : i32
    %add3A_626 = arith.addi %mul3A_624, %add3A_625 : i32
    %mul3A_627 = arith.constant 4 : i32
    %mul3A_628 = arith.muli %add3A_626, %mul3A_627 : i32
    %add3A_629 = arith.addi %mul3A_628, %rem3A_1 : i32
    %mul3A_630 = arith.constant 832 : i32
    %mul3A_631 = arith.muli %add3A_629, %mul3A_630 : i32
    %add3A_632 = arith.constant 416 : i32
    %add3A_633 = arith.addi %mul3A_631, %add3A_632 : i32
    %dma_start3A_634 = arith.constant 0 : i32
    %dma_start3A_635 = tpu.memref_slice %arg2[%add3A_633, %dma_start3A_634] : memref<212992x128xf32, #tpu.memory_space<hbm>> -> memref<416x128xf32, #tpu.memory_space<hbm>>
    %dma_start3A_636 = arith.constant 0 : i32
    %dma_start3A_637 = tpu.memref_slice %arg2[%add3A_633, %dma_start3A_636] : memref<212992x128xf32, #tpu.memory_space<hbm>> -> memref<416x128xf32, #tpu.memory_space<hbm>>
    tpu.enqueue_dma source(%dma_start3A_637 : memref<416x128xf32, #tpu.memory_space<hbm>>) target(%arg6 : memref<416x128xf32, #tpu.memory_space<vmem>>) target_semaphore(%arg10 : memref<!tpu.dma_semaphore, #tpu.memory_space<semaphore_mem>>)
    %dma_wait3A_638 = arith.constant 0 : i32
    %dma_wait3A_639 = tpu.memref_slice %arg2[%add3A_545, %dma_wait3A_638] : memref<212992x128xf32, #tpu.memory_space<hbm>> -> memref<416x128xf32, #tpu.memory_space<hbm>>
    %dma_wait3A_640 = arith.constant 0 : i32
    %dma_wait3A_641 = tpu.memref_slice %arg2[%add3A_545, %dma_wait3A_640] : memref<212992x128xf32, #tpu.memory_space<hbm>> -> memref<416x128xf32, #tpu.memory_space<hbm>>
    tpu.wait_dma2 semaphore(%arg9 : memref<!tpu.dma_semaphore, #tpu.memory_space<semaphore_mem>>) src(%dma_wait3A_641 : memref<416x128xf32, #tpu.memory_space<hbm>>) dst(%arg5 : memref<416x128xf32, #tpu.memory_space<vmem>>)
    %mul3A_642 = arith.constant 8 : i32
    %mul3A_643 = arith.muli %select_n3A, %mul3A_642 : i32
    %add3A_644 = arith.constant 3 : i32
    %add3A_645 = arith.addi %mul3A_643, %add3A_644 : i32
    %mul3A_646 = arith.constant 4 : i32
    %mul3A_647 = arith.muli %add3A_645, %mul3A_646 : i32
    %add3A_648 = arith.addi %mul3A_647, %rem3A_1 : i32
    %mul3A_649 = arith.constant 896 : i32
    %mul3A_650 = arith.muli %add3A_648, %mul3A_649 : i32
    %add3A_651 = arith.constant 0 : i32
    %add3A_652 = arith.addi %mul3A_650, %add3A_651 : i32
    %dma_start3A_653 = arith.constant 0 : i32
    %dma_start3A_654 = arith.constant 0 : i32
    %dma_start3A_655 = tpu.memref_slice %arg5[%dma_start3A_653, %dma_start3A_654] : memref<416x128xf32, #tpu.memory_space<vmem>> -> memref<128x128xf32, #tpu.memory_space<vmem>>
    %dma_start3A_656 = arith.constant 0 : i32
    %dma_start3A_657 = tpu.memref_slice %arg4[%add3A_652, %dma_start3A_656] : memref<229376x128xf32, #tpu.memory_space<hbm>> -> memref<128x128xf32, #tpu.memory_space<hbm>>
    %dma_start3A_658 = arith.constant 0 : i32
    %dma_start3A_659 = tpu.memref_slice %arg4[%add3A_652, %dma_start3A_658] : memref<229376x128xf32, #tpu.memory_space<hbm>> -> memref<128x128xf32, #tpu.memory_space<hbm>>
    %dma_start3A_660 = arith.constant 0 : i32
    %dma_start3A_661 = arith.constant 0 : i32
    %dma_start3A_662 = tpu.memref_slice %arg5[%dma_start3A_660, %dma_start3A_661] : memref<416x128xf32, #tpu.memory_space<vmem>> -> memref<128x128xf32, #tpu.memory_space<vmem>>
    tpu.enqueue_dma source(%dma_start3A_662 : memref<128x128xf32, #tpu.memory_space<vmem>>) target(%dma_start3A_659 : memref<128x128xf32, #tpu.memory_space<hbm>>) target_semaphore(%arg11 : memref<!tpu.dma_semaphore, #tpu.memory_space<semaphore_mem>>)
    %add3A_663 = arith.constant 192 : i32
    %add3A_664 = arith.addi %mul3A_650, %add3A_663 : i32
    %dma_start3A_665 = arith.constant 160 : i32
    %dma_start3A_666 = arith.constant 0 : i32
    %dma_start3A_667 = tpu.memref_slice %arg5[%dma_start3A_665, %dma_start3A_666] : memref<416x128xf32, #tpu.memory_space<vmem>> -> memref<256x128xf32, #tpu.memory_space<vmem>>
    %dma_start3A_668 = arith.constant 0 : i32
    %dma_start3A_669 = tpu.memref_slice %arg4[%add3A_664, %dma_start3A_668] : memref<229376x128xf32, #tpu.memory_space<hbm>> -> memref<256x128xf32, #tpu.memory_space<hbm>>
    %dma_start3A_670 = arith.constant 0 : i32
    %dma_start3A_671 = tpu.memref_slice %arg4[%add3A_664, %dma_start3A_670] : memref<229376x128xf32, #tpu.memory_space<hbm>> -> memref<256x128xf32, #tpu.memory_space<hbm>>
    %dma_start3A_672 = arith.constant 160 : i32
    %dma_start3A_673 = arith.constant 0 : i32
    %dma_start3A_674 = tpu.memref_slice %arg5[%dma_start3A_672, %dma_start3A_673] : memref<416x128xf32, #tpu.memory_space<vmem>> -> memref<256x128xf32, #tpu.memory_space<vmem>>
    tpu.enqueue_dma source(%dma_start3A_674 : memref<256x128xf32, #tpu.memory_space<vmem>>) target(%dma_start3A_671 : memref<256x128xf32, #tpu.memory_space<hbm>>) target_semaphore(%arg12 : memref<!tpu.dma_semaphore, #tpu.memory_space<semaphore_mem>>)
    %scan3A_675 = arith.constant 0 : i32
    %scan3A_676 = arith.constant 0 : i32
    %scan3A_677 = arith.constant 256 : i32
    %scan3A_678 = arith.addi %scan3A_676, %scan3A_677 : i32
    %scan3A_679 = arith.constant 1 : i32
    scf.for %scan3A_1488 = %scan3A_676 to %scan3A_678 step %scan3A_679  : i32 {
      %shift_right_arithmetic3A = arith.constant 3 : i32
      %shift_right_arithmetic3A_1489 = arith.shrsi %scan3A_1488, %shift_right_arithmetic3A : i32
      %and3A_1490 = arith.constant 7 : i32
      %and3A_1491 = arith.andi %scan3A_1488, %and3A_1490 : i32
      %shift_right_arithmetic3A_1492 = arith.constant 1 : i32
      %shift_right_arithmetic3A_1493 = arith.shrsi %shift_right_arithmetic3A_1489, %shift_right_arithmetic3A_1492 : i32
      %and3A_1494 = arith.constant 1 : i32
      %and3A_1495 = arith.andi %shift_right_arithmetic3A_1489, %and3A_1494 : i32
      %mul3A_1496 = arith.constant 2 : i32
      %mul3A_1497 = arith.muli %mul3A_1496, %shift_right_arithmetic3A_1493 : i32
      %shift_right_arithmetic3A_1498 = arith.constant 2 : i32
      %shift_right_arithmetic3A_1499 = arith.shrsi %and3A_1491, %shift_right_arithmetic3A_1498 : i32
      %add3A_1500 = arith.addi %mul3A_1497, %shift_right_arithmetic3A_1499 : i32
      %mul3A_1501 = arith.constant 2 : i32
      %mul3A_1502 = arith.muli %add3A_1500, %mul3A_1501 : i32
      %add3A_1503 = arith.addi %mul3A_1502, %and3A_1495 : i32
      %add3A_1504 = arith.constant 128 : i32
      %add3A_1505 = arith.addi %add3A_1504, %shift_right_arithmetic3A_1489 : i32
      %mul3A_1506 = arith.constant 16 : i32
      %mul3A_1507 = arith.muli %mul3A_1506, %and3A_1491 : i32
      %get3A = arith.index_cast %add3A_1505 : i32 to index
      %get3A_1508 = arith.index_cast %mul3A_1507 : i32 to index
      %get3A_1509 = tpu.vector_load %arg5[%get3A, %get3A_1508] {strides = array<i32>} : memref<416x128xf32, #tpu.memory_space<vmem>>, vector<16xf32>,
      %broadcast_in_dim3A = vector.broadcast %add3A_1503 : i32 to vector<16xi32>
      %and3A_1510 = arith.constant 3 : i32
      %and3A_1511 = arith.andi %and3A_1491, %and3A_1510 : i32
      %mul3A_1512 = arith.constant 32 : i32
      %mul3A_1513 = arith.muli %mul3A_1512, %and3A_1511 : i32
      %mul3A_1514 = arith.constant 2 : i32
      %mul3A_1515 = vector.broadcast %mul3A_1514 : i32 to vector<16xi32>
      %mul3A_1516 = arith.muli %mul3A_1515, %iota3A : vector<16xi32>
      %add3A_1517 = vector.broadcast %mul3A_1513 : i32 to vector<16xi32>
      %add3A_1518 = arith.addi %add3A_1517, %mul3A_1516 : vector<16xi32>
      %add3A_1519 = arith.constant 1 : i32
      %add3A_1520 = vector.broadcast %add3A_1519 : i32 to vector<16xi32>
      %add3A_1521 = arith.addi %add3A_1518, %add3A_1520 : vector<16xi32>
      tpu.vector_store_idx %arg7[%broadcast_in_dim3A, %add3A_1521], %get3A_1509 : memref<64x128xf32, #tpu.memory_space<vmem>>[vector<16xi32>, vector<16xi32>], vector<16xf32>,
    }
    %scan3A_680 = arith.constant 256 : i32
    %add3A_681 = arith.constant 128 : i32
    %add3A_682 = arith.addi %mul3A_650, %add3A_681 : i32
    %dma_start3A_683 = arith.constant 0 : i32
    %dma_start3A_684 = tpu.memref_slice %arg4[%add3A_682, %dma_start3A_683] : memref<229376x128xf32, #tpu.memory_space<hbm>> -> memref<64x128xf32, #tpu.memory_space<hbm>>
    %dma_start3A_685 = arith.constant 0 : i32
    %dma_start3A_686 = tpu.memref_slice %arg4[%add3A_682, %dma_start3A_685] : memref<229376x128xf32, #tpu.memory_space<hbm>> -> memref<64x128xf32, #tpu.memory_space<hbm>>
    tpu.enqueue_dma source(%arg7 : memref<64x128xf32, #tpu.memory_space<vmem>>) target(%dma_start3A_686 : memref<64x128xf32, #tpu.memory_space<hbm>>) target_semaphore(%arg15 : memref<!tpu.dma_semaphore, #tpu.memory_space<semaphore_mem>>)
    %dma_wait3A_687 = arith.constant 0 : i32
    %dma_wait3A_688 = arith.constant 0 : i32
    %dma_wait3A_689 = tpu.memref_slice %arg5[%dma_wait3A_687, %dma_wait3A_688] : memref<416x128xf32, #tpu.memory_space<vmem>> -> memref<128x128xf32, #tpu.memory_space<vmem>>
    %dma_wait3A_690 = arith.constant 0 : i32
    %dma_wait3A_691 = tpu.memref_slice %arg4[%add3A_652, %dma_wait3A_690] : memref<229376x128xf32, #tpu.memory_space<hbm>> -> memref<128x128xf32, #tpu.memory_space<hbm>>
    %dma_wait3A_692 = arith.constant 0 : i32
    %dma_wait3A_693 = tpu.memref_slice %arg4[%add3A_652, %dma_wait3A_692] : memref<229376x128xf32, #tpu.memory_space<hbm>> -> memref<128x128xf32, #tpu.memory_space<hbm>>
    %dma_wait3A_694 = arith.constant 0 : i32
    %dma_wait3A_695 = arith.constant 0 : i32
    %dma_wait3A_696 = tpu.memref_slice %arg5[%dma_wait3A_694, %dma_wait3A_695] : memref<416x128xf32, #tpu.memory_space<vmem>> -> memref<128x128xf32, #tpu.memory_space<vmem>>
    tpu.wait_dma2 semaphore(%arg11 : memref<!tpu.dma_semaphore, #tpu.memory_space<semaphore_mem>>) src(%dma_wait3A_696 : memref<128x128xf32, #tpu.memory_space<vmem>>) dst(%dma_wait3A_693 : memref<128x128xf32, #tpu.memory_space<hbm>>)
    %dma_wait3A_697 = arith.constant 160 : i32
    %dma_wait3A_698 = arith.constant 0 : i32
    %dma_wait3A_699 = tpu.memref_slice %arg5[%dma_wait3A_697, %dma_wait3A_698] : memref<416x128xf32, #tpu.memory_space<vmem>> -> memref<256x128xf32, #tpu.memory_space<vmem>>
    %dma_wait3A_700 = arith.constant 0 : i32
    %dma_wait3A_701 = tpu.memref_slice %arg4[%add3A_664, %dma_wait3A_700] : memref<229376x128xf32, #tpu.memory_space<hbm>> -> memref<256x128xf32, #tpu.memory_space<hbm>>
    %dma_wait3A_702 = arith.constant 0 : i32
    %dma_wait3A_703 = tpu.memref_slice %arg4[%add3A_664, %dma_wait3A_702] : memref<229376x128xf32, #tpu.memory_space<hbm>> -> memref<256x128xf32, #tpu.memory_space<hbm>>
    %dma_wait3A_704 = arith.constant 160 : i32
    %dma_wait3A_705 = arith.constant 0 : i32
    %dma_wait3A_706 = tpu.memref_slice %arg5[%dma_wait3A_704, %dma_wait3A_705] : memref<416x128xf32, #tpu.memory_space<vmem>> -> memref<256x128xf32, #tpu.memory_space<vmem>>
    tpu.wait_dma2 semaphore(%arg12 : memref<!tpu.dma_semaphore, #tpu.memory_space<semaphore_mem>>) src(%dma_wait3A_706 : memref<256x128xf32, #tpu.memory_space<vmem>>) dst(%dma_wait3A_703 : memref<256x128xf32, #tpu.memory_space<hbm>>)
    %dma_wait3A_707 = arith.constant 0 : i32
    %dma_wait3A_708 = tpu.memref_slice %arg4[%add3A_682, %dma_wait3A_707] : memref<229376x128xf32, #tpu.memory_space<hbm>> -> memref<64x128xf32, #tpu.memory_space<hbm>>
    %dma_wait3A_709 = arith.constant 0 : i32
    %dma_wait3A_710 = tpu.memref_slice %arg4[%add3A_682, %dma_wait3A_709] : memref<229376x128xf32, #tpu.memory_space<hbm>> -> memref<64x128xf32, #tpu.memory_space<hbm>>
    tpu.wait_dma2 semaphore(%arg15 : memref<!tpu.dma_semaphore, #tpu.memory_space<semaphore_mem>>) src(%arg7 : memref<64x128xf32, #tpu.memory_space<vmem>>) dst(%dma_wait3A_710 : memref<64x128xf32, #tpu.memory_space<hbm>>)
    %mul3A_711 = arith.constant 8 : i32
    %mul3A_712 = arith.muli %select_n3A, %mul3A_711 : i32
    %add3A_713 = arith.constant 4 : i32
    %add3A_714 = arith.addi %mul3A_712, %add3A_713 : i32
    %mul3A_715 = arith.constant 4 : i32
    %mul3A_716 = arith.muli %add3A_714, %mul3A_715 : i32
    %add3A_717 = arith.addi %mul3A_716, %rem3A_1 : i32
    %mul3A_718 = arith.constant 832 : i32
    %mul3A_719 = arith.muli %add3A_717, %mul3A_718 : i32
    %add3A_720 = arith.constant 0 : i32
    %add3A_721 = arith.addi %mul3A_719, %add3A_720 : i32
    %dma_start3A_722 = arith.constant 0 : i32
    %dma_start3A_723 = tpu.memref_slice %arg2[%add3A_721, %dma_start3A_722] : memref<212992x128xf32, #tpu.memory_space<hbm>> -> memref<416x128xf32, #tpu.memory_space<hbm>>
    %dma_start3A_724 = arith.constant 0 : i32
    %dma_start3A_725 = tpu.memref_slice %arg2[%add3A_721, %dma_start3A_724] : memref<212992x128xf32, #tpu.memory_space<hbm>> -> memref<416x128xf32, #tpu.memory_space<hbm>>
    tpu.enqueue_dma source(%dma_start3A_725 : memref<416x128xf32, #tpu.memory_space<hbm>>) target(%arg5 : memref<416x128xf32, #tpu.memory_space<vmem>>) target_semaphore(%arg9 : memref<!tpu.dma_semaphore, #tpu.memory_space<semaphore_mem>>)
    %dma_wait3A_726 = arith.constant 0 : i32
    %dma_wait3A_727 = tpu.memref_slice %arg2[%add3A_633, %dma_wait3A_726] : memref<212992x128xf32, #tpu.memory_space<hbm>> -> memref<416x128xf32, #tpu.memory_space<hbm>>
    %dma_wait3A_728 = arith.constant 0 : i32
    %dma_wait3A_729 = tpu.memref_slice %arg2[%add3A_633, %dma_wait3A_728] : memref<212992x128xf32, #tpu.memory_space<hbm>> -> memref<416x128xf32, #tpu.memory_space<hbm>>
    tpu.wait_dma2 semaphore(%arg10 : memref<!tpu.dma_semaphore, #tpu.memory_space<semaphore_mem>>) src(%dma_wait3A_729 : memref<416x128xf32, #tpu.memory_space<hbm>>) dst(%arg6 : memref<416x128xf32, #tpu.memory_space<vmem>>)
    %mul3A_730 = arith.constant 8 : i32
    %mul3A_731 = arith.muli %select_n3A, %mul3A_730 : i32
    %add3A_732 = arith.constant 3 : i32
    %add3A_733 = arith.addi %mul3A_731, %add3A_732 : i32
    %mul3A_734 = arith.constant 4 : i32
    %mul3A_735 = arith.muli %add3A_733, %mul3A_734 : i32
    %add3A_736 = arith.addi %mul3A_735, %rem3A_1 : i32
    %mul3A_737 = arith.constant 896 : i32
    %mul3A_738 = arith.muli %add3A_736, %mul3A_737 : i32
    %add3A_739 = arith.constant 448 : i32
    %add3A_740 = arith.addi %mul3A_738, %add3A_739 : i32
    %dma_start3A_741 = arith.constant 0 : i32
    %dma_start3A_742 = arith.constant 0 : i32
    %dma_start3A_743 = tpu.memref_slice %arg6[%dma_start3A_741, %dma_start3A_742] : memref<416x128xf32, #tpu.memory_space<vmem>> -> memref<256x128xf32, #tpu.memory_space<vmem>>
    %dma_start3A_744 = arith.constant 0 : i32
    %dma_start3A_745 = tpu.memref_slice %arg4[%add3A_740, %dma_start3A_744] : memref<229376x128xf32, #tpu.memory_space<hbm>> -> memref<256x128xf32, #tpu.memory_space<hbm>>
    %dma_start3A_746 = arith.constant 0 : i32
    %dma_start3A_747 = tpu.memref_slice %arg4[%add3A_740, %dma_start3A_746] : memref<229376x128xf32, #tpu.memory_space<hbm>> -> memref<256x128xf32, #tpu.memory_space<hbm>>
    %dma_start3A_748 = arith.constant 0 : i32
    %dma_start3A_749 = arith.constant 0 : i32
    %dma_start3A_750 = tpu.memref_slice %arg6[%dma_start3A_748, %dma_start3A_749] : memref<416x128xf32, #tpu.memory_space<vmem>> -> memref<256x128xf32, #tpu.memory_space<vmem>>
    tpu.enqueue_dma source(%dma_start3A_750 : memref<256x128xf32, #tpu.memory_space<vmem>>) target(%dma_start3A_747 : memref<256x128xf32, #tpu.memory_space<hbm>>) target_semaphore(%arg13 : memref<!tpu.dma_semaphore, #tpu.memory_space<semaphore_mem>>)
    %add3A_751 = arith.constant 768 : i32
    %add3A_752 = arith.addi %mul3A_738, %add3A_751 : i32
    %dma_start3A_753 = arith.constant 288 : i32
    %dma_start3A_754 = arith.constant 0 : i32
    %dma_start3A_755 = tpu.memref_slice %arg6[%dma_start3A_753, %dma_start3A_754] : memref<416x128xf32, #tpu.memory_space<vmem>> -> memref<128x128xf32, #tpu.memory_space<vmem>>
    %dma_start3A_756 = arith.constant 0 : i32
    %dma_start3A_757 = tpu.memref_slice %arg4[%add3A_752, %dma_start3A_756] : memref<229376x128xf32, #tpu.memory_space<hbm>> -> memref<128x128xf32, #tpu.memory_space<hbm>>
    %dma_start3A_758 = arith.constant 0 : i32
    %dma_start3A_759 = tpu.memref_slice %arg4[%add3A_752, %dma_start3A_758] : memref<229376x128xf32, #tpu.memory_space<hbm>> -> memref<128x128xf32, #tpu.memory_space<hbm>>
    %dma_start3A_760 = arith.constant 288 : i32
    %dma_start3A_761 = arith.constant 0 : i32
    %dma_start3A_762 = tpu.memref_slice %arg6[%dma_start3A_760, %dma_start3A_761] : memref<416x128xf32, #tpu.memory_space<vmem>> -> memref<128x128xf32, #tpu.memory_space<vmem>>
    tpu.enqueue_dma source(%dma_start3A_762 : memref<128x128xf32, #tpu.memory_space<vmem>>) target(%dma_start3A_759 : memref<128x128xf32, #tpu.memory_space<hbm>>) target_semaphore(%arg14 : memref<!tpu.dma_semaphore, #tpu.memory_space<semaphore_mem>>)
    %scan3A_763 = arith.constant 0 : i32
    %scan3A_764 = arith.constant 0 : i32
    %scan3A_765 = arith.constant 256 : i32
    %scan3A_766 = arith.addi %scan3A_764, %scan3A_765 : i32
    %scan3A_767 = arith.constant 1 : i32
    scf.for %scan3A_1488 = %scan3A_764 to %scan3A_766 step %scan3A_767  : i32 {
      %shift_right_arithmetic3A = arith.constant 3 : i32
      %shift_right_arithmetic3A_1489 = arith.shrsi %scan3A_1488, %shift_right_arithmetic3A : i32
      %and3A_1490 = arith.constant 7 : i32
      %and3A_1491 = arith.andi %scan3A_1488, %and3A_1490 : i32
      %shift_right_arithmetic3A_1492 = arith.constant 1 : i32
      %shift_right_arithmetic3A_1493 = arith.shrsi %shift_right_arithmetic3A_1489, %shift_right_arithmetic3A_1492 : i32
      %and3A_1494 = arith.constant 1 : i32
      %and3A_1495 = arith.andi %shift_right_arithmetic3A_1489, %and3A_1494 : i32
      %mul3A_1496 = arith.constant 2 : i32
      %mul3A_1497 = arith.muli %mul3A_1496, %shift_right_arithmetic3A_1493 : i32
      %shift_right_arithmetic3A_1498 = arith.constant 2 : i32
      %shift_right_arithmetic3A_1499 = arith.shrsi %and3A_1491, %shift_right_arithmetic3A_1498 : i32
      %add3A_1500 = arith.addi %mul3A_1497, %shift_right_arithmetic3A_1499 : i32
      %mul3A_1501 = arith.constant 2 : i32
      %mul3A_1502 = arith.muli %add3A_1500, %mul3A_1501 : i32
      %add3A_1503 = arith.addi %mul3A_1502, %and3A_1495 : i32
      %add3A_1504 = arith.constant 256 : i32
      %add3A_1505 = arith.addi %add3A_1504, %shift_right_arithmetic3A_1489 : i32
      %mul3A_1506 = arith.constant 16 : i32
      %mul3A_1507 = arith.muli %mul3A_1506, %and3A_1491 : i32
      %get3A = arith.index_cast %add3A_1505 : i32 to index
      %get3A_1508 = arith.index_cast %mul3A_1507 : i32 to index
      %get3A_1509 = tpu.vector_load %arg6[%get3A, %get3A_1508] {strides = array<i32>} : memref<416x128xf32, #tpu.memory_space<vmem>>, vector<16xf32>,
      %broadcast_in_dim3A = vector.broadcast %add3A_1503 : i32 to vector<16xi32>
      %and3A_1510 = arith.constant 3 : i32
      %and3A_1511 = arith.andi %and3A_1491, %and3A_1510 : i32
      %mul3A_1512 = arith.constant 32 : i32
      %mul3A_1513 = arith.muli %mul3A_1512, %and3A_1511 : i32
      %mul3A_1514 = arith.constant 2 : i32
      %mul3A_1515 = vector.broadcast %mul3A_1514 : i32 to vector<16xi32>
      %mul3A_1516 = arith.muli %mul3A_1515, %iota3A : vector<16xi32>
      %add3A_1517 = vector.broadcast %mul3A_1513 : i32 to vector<16xi32>
      %add3A_1518 = arith.addi %add3A_1517, %mul3A_1516 : vector<16xi32>
      %add3A_1519 = arith.constant 1 : i32
      %add3A_1520 = vector.broadcast %add3A_1519 : i32 to vector<16xi32>
      %add3A_1521 = arith.addi %add3A_1518, %add3A_1520 : vector<16xi32>
      tpu.vector_store_idx %arg8[%broadcast_in_dim3A, %add3A_1521], %get3A_1509 : memref<64x128xf32, #tpu.memory_space<vmem>>[vector<16xi32>, vector<16xi32>], vector<16xf32>,
    }
    %scan3A_768 = arith.constant 256 : i32
    %add3A_769 = arith.constant 704 : i32
    %add3A_770 = arith.addi %mul3A_738, %add3A_769 : i32
    %dma_start3A_771 = arith.constant 0 : i32
    %dma_start3A_772 = tpu.memref_slice %arg4[%add3A_770, %dma_start3A_771] : memref<229376x128xf32, #tpu.memory_space<hbm>> -> memref<64x128xf32, #tpu.memory_space<hbm>>
    %dma_start3A_773 = arith.constant 0 : i32
    %dma_start3A_774 = tpu.memref_slice %arg4[%add3A_770, %dma_start3A_773] : memref<229376x128xf32, #tpu.memory_space<hbm>> -> memref<64x128xf32, #tpu.memory_space<hbm>>
    tpu.enqueue_dma source(%arg8 : memref<64x128xf32, #tpu.memory_space<vmem>>) target(%dma_start3A_774 : memref<64x128xf32, #tpu.memory_space<hbm>>) target_semaphore(%arg16 : memref<!tpu.dma_semaphore, #tpu.memory_space<semaphore_mem>>)
    %dma_wait3A_775 = arith.constant 0 : i32
    %dma_wait3A_776 = arith.constant 0 : i32
    %dma_wait3A_777 = tpu.memref_slice %arg6[%dma_wait3A_775, %dma_wait3A_776] : memref<416x128xf32, #tpu.memory_space<vmem>> -> memref<256x128xf32, #tpu.memory_space<vmem>>
    %dma_wait3A_778 = arith.constant 0 : i32
    %dma_wait3A_779 = tpu.memref_slice %arg4[%add3A_740, %dma_wait3A_778] : memref<229376x128xf32, #tpu.memory_space<hbm>> -> memref<256x128xf32, #tpu.memory_space<hbm>>
    %dma_wait3A_780 = arith.constant 0 : i32
    %dma_wait3A_781 = tpu.memref_slice %arg4[%add3A_740, %dma_wait3A_780] : memref<229376x128xf32, #tpu.memory_space<hbm>> -> memref<256x128xf32, #tpu.memory_space<hbm>>
    %dma_wait3A_782 = arith.constant 0 : i32
    %dma_wait3A_783 = arith.constant 0 : i32
    %dma_wait3A_784 = tpu.memref_slice %arg6[%dma_wait3A_782, %dma_wait3A_783] : memref<416x128xf32, #tpu.memory_space<vmem>> -> memref<256x128xf32, #tpu.memory_space<vmem>>
    tpu.wait_dma2 semaphore(%arg13 : memref<!tpu.dma_semaphore, #tpu.memory_space<semaphore_mem>>) src(%dma_wait3A_784 : memref<256x128xf32, #tpu.memory_space<vmem>>) dst(%dma_wait3A_781 : memref<256x128xf32, #tpu.memory_space<hbm>>)
    %dma_wait3A_785 = arith.constant 288 : i32
    %dma_wait3A_786 = arith.constant 0 : i32
    %dma_wait3A_787 = tpu.memref_slice %arg6[%dma_wait3A_785, %dma_wait3A_786] : memref<416x128xf32, #tpu.memory_space<vmem>> -> memref<128x128xf32, #tpu.memory_space<vmem>>
    %dma_wait3A_788 = arith.constant 0 : i32
    %dma_wait3A_789 = tpu.memref_slice %arg4[%add3A_752, %dma_wait3A_788] : memref<229376x128xf32, #tpu.memory_space<hbm>> -> memref<128x128xf32, #tpu.memory_space<hbm>>
    %dma_wait3A_790 = arith.constant 0 : i32
    %dma_wait3A_791 = tpu.memref_slice %arg4[%add3A_752, %dma_wait3A_790] : memref<229376x128xf32, #tpu.memory_space<hbm>> -> memref<128x128xf32, #tpu.memory_space<hbm>>
    %dma_wait3A_792 = arith.constant 288 : i32
    %dma_wait3A_793 = arith.constant 0 : i32
    %dma_wait3A_794 = tpu.memref_slice %arg6[%dma_wait3A_792, %dma_wait3A_793] : memref<416x128xf32, #tpu.memory_space<vmem>> -> memref<128x128xf32, #tpu.memory_space<vmem>>
    tpu.wait_dma2 semaphore(%arg14 : memref<!tpu.dma_semaphore, #tpu.memory_space<semaphore_mem>>) src(%dma_wait3A_794 : memref<128x128xf32, #tpu.memory_space<vmem>>) dst(%dma_wait3A_791 : memref<128x128xf32, #tpu.memory_space<hbm>>)
    %dma_wait3A_795 = arith.constant 0 : i32
    %dma_wait3A_796 = tpu.memref_slice %arg4[%add3A_770, %dma_wait3A_795] : memref<229376x128xf32, #tpu.memory_space<hbm>> -> memref<64x128xf32, #tpu.memory_space<hbm>>
    %dma_wait3A_797 = arith.constant 0 : i32
    %dma_wait3A_798 = tpu.memref_slice %arg4[%add3A_770, %dma_wait3A_797] : memref<229376x128xf32, #tpu.memory_space<hbm>> -> memref<64x128xf32, #tpu.memory_space<hbm>>
    tpu.wait_dma2 semaphore(%arg16 : memref<!tpu.dma_semaphore, #tpu.memory_space<semaphore_mem>>) src(%arg8 : memref<64x128xf32, #tpu.memory_space<vmem>>) dst(%dma_wait3A_798 : memref<64x128xf32, #tpu.memory_space<hbm>>)
    %mul3A_799 = arith.constant 8 : i32
    %mul3A_800 = arith.muli %select_n3A, %mul3A_799 : i32
    %add3A_801 = arith.constant 4 : i32
    %add3A_802 = arith.addi %mul3A_800, %add3A_801 : i32
    %mul3A_803 = arith.constant 4 : i32
    %mul3A_804 = arith.muli %add3A_802, %mul3A_803 : i32
    %add3A_805 = arith.addi %mul3A_804, %rem3A_1 : i32
    %mul3A_806 = arith.constant 832 : i32
    %mul3A_807 = arith.muli %add3A_805, %mul3A_806 : i32
    %add3A_808 = arith.constant 416 : i32
    %add3A_809 = arith.addi %mul3A_807, %add3A_808 : i32
    %dma_start3A_810 = arith.constant 0 : i32
    %dma_start3A_811 = tpu.memref_slice %arg2[%add3A_809, %dma_start3A_810] : memref<212992x128xf32, #tpu.memory_space<hbm>> -> memref<416x128xf32, #tpu.memory_space<hbm>>
    %dma_start3A_812 = arith.constant 0 : i32
    %dma_start3A_813 = tpu.memref_slice %arg2[%add3A_809, %dma_start3A_812] : memref<212992x128xf32, #tpu.memory_space<hbm>> -> memref<416x128xf32, #tpu.memory_space<hbm>>
    tpu.enqueue_dma source(%dma_start3A_813 : memref<416x128xf32, #tpu.memory_space<hbm>>) target(%arg6 : memref<416x128xf32, #tpu.memory_space<vmem>>) target_semaphore(%arg10 : memref<!tpu.dma_semaphore, #tpu.memory_space<semaphore_mem>>)
    %dma_wait3A_814 = arith.constant 0 : i32
    %dma_wait3A_815 = tpu.memref_slice %arg2[%add3A_721, %dma_wait3A_814] : memref<212992x128xf32, #tpu.memory_space<hbm>> -> memref<416x128xf32, #tpu.memory_space<hbm>>
    %dma_wait3A_816 = arith.constant 0 : i32
    %dma_wait3A_817 = tpu.memref_slice %arg2[%add3A_721, %dma_wait3A_816] : memref<212992x128xf32, #tpu.memory_space<hbm>> -> memref<416x128xf32, #tpu.memory_space<hbm>>
    tpu.wait_dma2 semaphore(%arg9 : memref<!tpu.dma_semaphore, #tpu.memory_space<semaphore_mem>>) src(%dma_wait3A_817 : memref<416x128xf32, #tpu.memory_space<hbm>>) dst(%arg5 : memref<416x128xf32, #tpu.memory_space<vmem>>)
    %mul3A_818 = arith.constant 8 : i32
    %mul3A_819 = arith.muli %select_n3A, %mul3A_818 : i32
    %add3A_820 = arith.constant 4 : i32
    %add3A_821 = arith.addi %mul3A_819, %add3A_820 : i32
    %mul3A_822 = arith.constant 4 : i32
    %mul3A_823 = arith.muli %add3A_821, %mul3A_822 : i32
    %add3A_824 = arith.addi %mul3A_823, %rem3A_1 : i32
    %mul3A_825 = arith.constant 896 : i32
    %mul3A_826 = arith.muli %add3A_824, %mul3A_825 : i32
    %add3A_827 = arith.constant 0 : i32
    %add3A_828 = arith.addi %mul3A_826, %add3A_827 : i32
    %dma_start3A_829 = arith.constant 0 : i32
    %dma_start3A_830 = arith.constant 0 : i32
    %dma_start3A_831 = tpu.memref_slice %arg5[%dma_start3A_829, %dma_start3A_830] : memref<416x128xf32, #tpu.memory_space<vmem>> -> memref<128x128xf32, #tpu.memory_space<vmem>>
    %dma_start3A_832 = arith.constant 0 : i32
    %dma_start3A_833 = tpu.memref_slice %arg4[%add3A_828, %dma_start3A_832] : memref<229376x128xf32, #tpu.memory_space<hbm>> -> memref<128x128xf32, #tpu.memory_space<hbm>>
    %dma_start3A_834 = arith.constant 0 : i32
    %dma_start3A_835 = tpu.memref_slice %arg4[%add3A_828, %dma_start3A_834] : memref<229376x128xf32, #tpu.memory_space<hbm>> -> memref<128x128xf32, #tpu.memory_space<hbm>>
    %dma_start3A_836 = arith.constant 0 : i32
    %dma_start3A_837 = arith.constant 0 : i32
    %dma_start3A_838 = tpu.memref_slice %arg5[%dma_start3A_836, %dma_start3A_837] : memref<416x128xf32, #tpu.memory_space<vmem>> -> memref<128x128xf32, #tpu.memory_space<vmem>>
    tpu.enqueue_dma source(%dma_start3A_838 : memref<128x128xf32, #tpu.memory_space<vmem>>) target(%dma_start3A_835 : memref<128x128xf32, #tpu.memory_space<hbm>>) target_semaphore(%arg11 : memref<!tpu.dma_semaphore, #tpu.memory_space<semaphore_mem>>)
    %add3A_839 = arith.constant 192 : i32
    %add3A_840 = arith.addi %mul3A_826, %add3A_839 : i32
    %dma_start3A_841 = arith.constant 160 : i32
    %dma_start3A_842 = arith.constant 0 : i32
    %dma_start3A_843 = tpu.memref_slice %arg5[%dma_start3A_841, %dma_start3A_842] : memref<416x128xf32, #tpu.memory_space<vmem>> -> memref<256x128xf32, #tpu.memory_space<vmem>>
    %dma_start3A_844 = arith.constant 0 : i32
    %dma_start3A_845 = tpu.memref_slice %arg4[%add3A_840, %dma_start3A_844] : memref<229376x128xf32, #tpu.memory_space<hbm>> -> memref<256x128xf32, #tpu.memory_space<hbm>>
    %dma_start3A_846 = arith.constant 0 : i32
    %dma_start3A_847 = tpu.memref_slice %arg4[%add3A_840, %dma_start3A_846] : memref<229376x128xf32, #tpu.memory_space<hbm>> -> memref<256x128xf32, #tpu.memory_space<hbm>>
    %dma_start3A_848 = arith.constant 160 : i32
    %dma_start3A_849 = arith.constant 0 : i32
    %dma_start3A_850 = tpu.memref_slice %arg5[%dma_start3A_848, %dma_start3A_849] : memref<416x128xf32, #tpu.memory_space<vmem>> -> memref<256x128xf32, #tpu.memory_space<vmem>>
    tpu.enqueue_dma source(%dma_start3A_850 : memref<256x128xf32, #tpu.memory_space<vmem>>) target(%dma_start3A_847 : memref<256x128xf32, #tpu.memory_space<hbm>>) target_semaphore(%arg12 : memref<!tpu.dma_semaphore, #tpu.memory_space<semaphore_mem>>)
    %scan3A_851 = arith.constant 0 : i32
    %scan3A_852 = arith.constant 0 : i32
    %scan3A_853 = arith.constant 256 : i32
    %scan3A_854 = arith.addi %scan3A_852, %scan3A_853 : i32
    %scan3A_855 = arith.constant 1 : i32
    scf.for %scan3A_1488 = %scan3A_852 to %scan3A_854 step %scan3A_855  : i32 {
      %shift_right_arithmetic3A = arith.constant 3 : i32
      %shift_right_arithmetic3A_1489 = arith.shrsi %scan3A_1488, %shift_right_arithmetic3A : i32
      %and3A_1490 = arith.constant 7 : i32
      %and3A_1491 = arith.andi %scan3A_1488, %and3A_1490 : i32
      %shift_right_arithmetic3A_1492 = arith.constant 1 : i32
      %shift_right_arithmetic3A_1493 = arith.shrsi %shift_right_arithmetic3A_1489, %shift_right_arithmetic3A_1492 : i32
      %and3A_1494 = arith.constant 1 : i32
      %and3A_1495 = arith.andi %shift_right_arithmetic3A_1489, %and3A_1494 : i32
      %mul3A_1496 = arith.constant 2 : i32
      %mul3A_1497 = arith.muli %mul3A_1496, %shift_right_arithmetic3A_1493 : i32
      %shift_right_arithmetic3A_1498 = arith.constant 2 : i32
      %shift_right_arithmetic3A_1499 = arith.shrsi %and3A_1491, %shift_right_arithmetic3A_1498 : i32
      %add3A_1500 = arith.addi %mul3A_1497, %shift_right_arithmetic3A_1499 : i32
      %mul3A_1501 = arith.constant 2 : i32
      %mul3A_1502 = arith.muli %add3A_1500, %mul3A_1501 : i32
      %add3A_1503 = arith.addi %mul3A_1502, %and3A_1495 : i32
      %add3A_1504 = arith.constant 128 : i32
      %add3A_1505 = arith.addi %add3A_1504, %shift_right_arithmetic3A_1489 : i32
      %mul3A_1506 = arith.constant 16 : i32
      %mul3A_1507 = arith.muli %mul3A_1506, %and3A_1491 : i32
      %get3A = arith.index_cast %add3A_1505 : i32 to index
      %get3A_1508 = arith.index_cast %mul3A_1507 : i32 to index
      %get3A_1509 = tpu.vector_load %arg5[%get3A, %get3A_1508] {strides = array<i32>} : memref<416x128xf32, #tpu.memory_space<vmem>>, vector<16xf32>,
      %broadcast_in_dim3A = vector.broadcast %add3A_1503 : i32 to vector<16xi32>
      %and3A_1510 = arith.constant 3 : i32
      %and3A_1511 = arith.andi %and3A_1491, %and3A_1510 : i32
      %mul3A_1512 = arith.constant 32 : i32
      %mul3A_1513 = arith.muli %mul3A_1512, %and3A_1511 : i32
      %mul3A_1514 = arith.constant 2 : i32
      %mul3A_1515 = vector.broadcast %mul3A_1514 : i32 to vector<16xi32>
      %mul3A_1516 = arith.muli %mul3A_1515, %iota3A : vector<16xi32>
      %add3A_1517 = vector.broadcast %mul3A_1513 : i32 to vector<16xi32>
      %add3A_1518 = arith.addi %add3A_1517, %mul3A_1516 : vector<16xi32>
      %add3A_1519 = arith.constant 1 : i32
      %add3A_1520 = vector.broadcast %add3A_1519 : i32 to vector<16xi32>
      %add3A_1521 = arith.addi %add3A_1518, %add3A_1520 : vector<16xi32>
      tpu.vector_store_idx %arg7[%broadcast_in_dim3A, %add3A_1521], %get3A_1509 : memref<64x128xf32, #tpu.memory_space<vmem>>[vector<16xi32>, vector<16xi32>], vector<16xf32>,
    }
    %scan3A_856 = arith.constant 256 : i32
    %add3A_857 = arith.constant 128 : i32
    %add3A_858 = arith.addi %mul3A_826, %add3A_857 : i32
    %dma_start3A_859 = arith.constant 0 : i32
    %dma_start3A_860 = tpu.memref_slice %arg4[%add3A_858, %dma_start3A_859] : memref<229376x128xf32, #tpu.memory_space<hbm>> -> memref<64x128xf32, #tpu.memory_space<hbm>>
    %dma_start3A_861 = arith.constant 0 : i32
    %dma_start3A_862 = tpu.memref_slice %arg4[%add3A_858, %dma_start3A_861] : memref<229376x128xf32, #tpu.memory_space<hbm>> -> memref<64x128xf32, #tpu.memory_space<hbm>>
    tpu.enqueue_dma source(%arg7 : memref<64x128xf32, #tpu.memory_space<vmem>>) target(%dma_start3A_862 : memref<64x128xf32, #tpu.memory_space<hbm>>) target_semaphore(%arg15 : memref<!tpu.dma_semaphore, #tpu.memory_space<semaphore_mem>>)
    %dma_wait3A_863 = arith.constant 0 : i32
    %dma_wait3A_864 = arith.constant 0 : i32
    %dma_wait3A_865 = tpu.memref_slice %arg5[%dma_wait3A_863, %dma_wait3A_864] : memref<416x128xf32, #tpu.memory_space<vmem>> -> memref<128x128xf32, #tpu.memory_space<vmem>>
    %dma_wait3A_866 = arith.constant 0 : i32
    %dma_wait3A_867 = tpu.memref_slice %arg4[%add3A_828, %dma_wait3A_866] : memref<229376x128xf32, #tpu.memory_space<hbm>> -> memref<128x128xf32, #tpu.memory_space<hbm>>
    %dma_wait3A_868 = arith.constant 0 : i32
    %dma_wait3A_869 = tpu.memref_slice %arg4[%add3A_828, %dma_wait3A_868] : memref<229376x128xf32, #tpu.memory_space<hbm>> -> memref<128x128xf32, #tpu.memory_space<hbm>>
    %dma_wait3A_870 = arith.constant 0 : i32
    %dma_wait3A_871 = arith.constant 0 : i32
    %dma_wait3A_872 = tpu.memref_slice %arg5[%dma_wait3A_870, %dma_wait3A_871] : memref<416x128xf32, #tpu.memory_space<vmem>> -> memref<128x128xf32, #tpu.memory_space<vmem>>
    tpu.wait_dma2 semaphore(%arg11 : memref<!tpu.dma_semaphore, #tpu.memory_space<semaphore_mem>>) src(%dma_wait3A_872 : memref<128x128xf32, #tpu.memory_space<vmem>>) dst(%dma_wait3A_869 : memref<128x128xf32, #tpu.memory_space<hbm>>)
    %dma_wait3A_873 = arith.constant 160 : i32
    %dma_wait3A_874 = arith.constant 0 : i32
    %dma_wait3A_875 = tpu.memref_slice %arg5[%dma_wait3A_873, %dma_wait3A_874] : memref<416x128xf32, #tpu.memory_space<vmem>> -> memref<256x128xf32, #tpu.memory_space<vmem>>
    %dma_wait3A_876 = arith.constant 0 : i32
    %dma_wait3A_877 = tpu.memref_slice %arg4[%add3A_840, %dma_wait3A_876] : memref<229376x128xf32, #tpu.memory_space<hbm>> -> memref<256x128xf32, #tpu.memory_space<hbm>>
    %dma_wait3A_878 = arith.constant 0 : i32
    %dma_wait3A_879 = tpu.memref_slice %arg4[%add3A_840, %dma_wait3A_878] : memref<229376x128xf32, #tpu.memory_space<hbm>> -> memref<256x128xf32, #tpu.memory_space<hbm>>
    %dma_wait3A_880 = arith.constant 160 : i32
    %dma_wait3A_881 = arith.constant 0 : i32
    %dma_wait3A_882 = tpu.memref_slice %arg5[%dma_wait3A_880, %dma_wait3A_881] : memref<416x128xf32, #tpu.memory_space<vmem>> -> memref<256x128xf32, #tpu.memory_space<vmem>>
    tpu.wait_dma2 semaphore(%arg12 : memref<!tpu.dma_semaphore, #tpu.memory_space<semaphore_mem>>) src(%dma_wait3A_882 : memref<256x128xf32, #tpu.memory_space<vmem>>) dst(%dma_wait3A_879 : memref<256x128xf32, #tpu.memory_space<hbm>>)
    %dma_wait3A_883 = arith.constant 0 : i32
    %dma_wait3A_884 = tpu.memref_slice %arg4[%add3A_858, %dma_wait3A_883] : memref<229376x128xf32, #tpu.memory_space<hbm>> -> memref<64x128xf32, #tpu.memory_space<hbm>>
    %dma_wait3A_885 = arith.constant 0 : i32
    %dma_wait3A_886 = tpu.memref_slice %arg4[%add3A_858, %dma_wait3A_885] : memref<229376x128xf32, #tpu.memory_space<hbm>> -> memref<64x128xf32, #tpu.memory_space<hbm>>
    tpu.wait_dma2 semaphore(%arg15 : memref<!tpu.dma_semaphore, #tpu.memory_space<semaphore_mem>>) src(%arg7 : memref<64x128xf32, #tpu.memory_space<vmem>>) dst(%dma_wait3A_886 : memref<64x128xf32, #tpu.memory_space<hbm>>)
    %mul3A_887 = arith.constant 8 : i32
    %mul3A_888 = arith.muli %select_n3A, %mul3A_887 : i32
    %add3A_889 = arith.constant 5 : i32
    %add3A_890 = arith.addi %mul3A_888, %add3A_889 : i32
    %mul3A_891 = arith.constant 4 : i32
    %mul3A_892 = arith.muli %add3A_890, %mul3A_891 : i32
    %add3A_893 = arith.addi %mul3A_892, %rem3A_1 : i32
    %mul3A_894 = arith.constant 832 : i32
    %mul3A_895 = arith.muli %add3A_893, %mul3A_894 : i32
    %add3A_896 = arith.constant 0 : i32
    %add3A_897 = arith.addi %mul3A_895, %add3A_896 : i32
    %dma_start3A_898 = arith.constant 0 : i32
    %dma_start3A_899 = tpu.memref_slice %arg2[%add3A_897, %dma_start3A_898] : memref<212992x128xf32, #tpu.memory_space<hbm>> -> memref<416x128xf32, #tpu.memory_space<hbm>>
    %dma_start3A_900 = arith.constant 0 : i32
    %dma_start3A_901 = tpu.memref_slice %arg2[%add3A_897, %dma_start3A_900] : memref<212992x128xf32, #tpu.memory_space<hbm>> -> memref<416x128xf32, #tpu.memory_space<hbm>>
    tpu.enqueue_dma source(%dma_start3A_901 : memref<416x128xf32, #tpu.memory_space<hbm>>) target(%arg5 : memref<416x128xf32, #tpu.memory_space<vmem>>) target_semaphore(%arg9 : memref<!tpu.dma_semaphore, #tpu.memory_space<semaphore_mem>>)
    %dma_wait3A_902 = arith.constant 0 : i32
    %dma_wait3A_903 = tpu.memref_slice %arg2[%add3A_809, %dma_wait3A_902] : memref<212992x128xf32, #tpu.memory_space<hbm>> -> memref<416x128xf32, #tpu.memory_space<hbm>>
    %dma_wait3A_904 = arith.constant 0 : i32
    %dma_wait3A_905 = tpu.memref_slice %arg2[%add3A_809, %dma_wait3A_904] : memref<212992x128xf32, #tpu.memory_space<hbm>> -> memref<416x128xf32, #tpu.memory_space<hbm>>
    tpu.wait_dma2 semaphore(%arg10 : memref<!tpu.dma_semaphore, #tpu.memory_space<semaphore_mem>>) src(%dma_wait3A_905 : memref<416x128xf32, #tpu.memory_space<hbm>>) dst(%arg6 : memref<416x128xf32, #tpu.memory_space<vmem>>)
    %mul3A_906 = arith.constant 8 : i32
    %mul3A_907 = arith.muli %select_n3A, %mul3A_906 : i32
    %add3A_908 = arith.constant 4 : i32
    %add3A_909 = arith.addi %mul3A_907, %add3A_908 : i32
    %mul3A_910 = arith.constant 4 : i32
    %mul3A_911 = arith.muli %add3A_909, %mul3A_910 : i32
    %add3A_912 = arith.addi %mul3A_911, %rem3A_1 : i32
    %mul3A_913 = arith.constant 896 : i32
    %mul3A_914 = arith.muli %add3A_912, %mul3A_913 : i32
    %add3A_915 = arith.constant 448 : i32
    %add3A_916 = arith.addi %mul3A_914, %add3A_915 : i32
    %dma_start3A_917 = arith.constant 0 : i32
    %dma_start3A_918 = arith.constant 0 : i32
    %dma_start3A_919 = tpu.memref_slice %arg6[%dma_start3A_917, %dma_start3A_918] : memref<416x128xf32, #tpu.memory_space<vmem>> -> memref<256x128xf32, #tpu.memory_space<vmem>>
    %dma_start3A_920 = arith.constant 0 : i32
    %dma_start3A_921 = tpu.memref_slice %arg4[%add3A_916, %dma_start3A_920] : memref<229376x128xf32, #tpu.memory_space<hbm>> -> memref<256x128xf32, #tpu.memory_space<hbm>>
    %dma_start3A_922 = arith.constant 0 : i32
    %dma_start3A_923 = tpu.memref_slice %arg4[%add3A_916, %dma_start3A_922] : memref<229376x128xf32, #tpu.memory_space<hbm>> -> memref<256x128xf32, #tpu.memory_space<hbm>>
    %dma_start3A_924 = arith.constant 0 : i32
    %dma_start3A_925 = arith.constant 0 : i32
    %dma_start3A_926 = tpu.memref_slice %arg6[%dma_start3A_924, %dma_start3A_925] : memref<416x128xf32, #tpu.memory_space<vmem>> -> memref<256x128xf32, #tpu.memory_space<vmem>>
    tpu.enqueue_dma source(%dma_start3A_926 : memref<256x128xf32, #tpu.memory_space<vmem>>) target(%dma_start3A_923 : memref<256x128xf32, #tpu.memory_space<hbm>>) target_semaphore(%arg13 : memref<!tpu.dma_semaphore, #tpu.memory_space<semaphore_mem>>)
    %add3A_927 = arith.constant 768 : i32
    %add3A_928 = arith.addi %mul3A_914, %add3A_927 : i32
    %dma_start3A_929 = arith.constant 288 : i32
    %dma_start3A_930 = arith.constant 0 : i32
    %dma_start3A_931 = tpu.memref_slice %arg6[%dma_start3A_929, %dma_start3A_930] : memref<416x128xf32, #tpu.memory_space<vmem>> -> memref<128x128xf32, #tpu.memory_space<vmem>>
    %dma_start3A_932 = arith.constant 0 : i32
    %dma_start3A_933 = tpu.memref_slice %arg4[%add3A_928, %dma_start3A_932] : memref<229376x128xf32, #tpu.memory_space<hbm>> -> memref<128x128xf32, #tpu.memory_space<hbm>>
    %dma_start3A_934 = arith.constant 0 : i32
    %dma_start3A_935 = tpu.memref_slice %arg4[%add3A_928, %dma_start3A_934] : memref<229376x128xf32, #tpu.memory_space<hbm>> -> memref<128x128xf32, #tpu.memory_space<hbm>>
    %dma_start3A_936 = arith.constant 288 : i32
    %dma_start3A_937 = arith.constant 0 : i32
    %dma_start3A_938 = tpu.memref_slice %arg6[%dma_start3A_936, %dma_start3A_937] : memref<416x128xf32, #tpu.memory_space<vmem>> -> memref<128x128xf32, #tpu.memory_space<vmem>>
    tpu.enqueue_dma source(%dma_start3A_938 : memref<128x128xf32, #tpu.memory_space<vmem>>) target(%dma_start3A_935 : memref<128x128xf32, #tpu.memory_space<hbm>>) target_semaphore(%arg14 : memref<!tpu.dma_semaphore, #tpu.memory_space<semaphore_mem>>)
    %scan3A_939 = arith.constant 0 : i32
    %scan3A_940 = arith.constant 0 : i32
    %scan3A_941 = arith.constant 256 : i32
    %scan3A_942 = arith.addi %scan3A_940, %scan3A_941 : i32
    %scan3A_943 = arith.constant 1 : i32
    scf.for %scan3A_1488 = %scan3A_940 to %scan3A_942 step %scan3A_943  : i32 {
      %shift_right_arithmetic3A = arith.constant 3 : i32
      %shift_right_arithmetic3A_1489 = arith.shrsi %scan3A_1488, %shift_right_arithmetic3A : i32
      %and3A_1490 = arith.constant 7 : i32
      %and3A_1491 = arith.andi %scan3A_1488, %and3A_1490 : i32
      %shift_right_arithmetic3A_1492 = arith.constant 1 : i32
      %shift_right_arithmetic3A_1493 = arith.shrsi %shift_right_arithmetic3A_1489, %shift_right_arithmetic3A_1492 : i32
      %and3A_1494 = arith.constant 1 : i32
      %and3A_1495 = arith.andi %shift_right_arithmetic3A_1489, %and3A_1494 : i32
      %mul3A_1496 = arith.constant 2 : i32
      %mul3A_1497 = arith.muli %mul3A_1496, %shift_right_arithmetic3A_1493 : i32
      %shift_right_arithmetic3A_1498 = arith.constant 2 : i32
      %shift_right_arithmetic3A_1499 = arith.shrsi %and3A_1491, %shift_right_arithmetic3A_1498 : i32
      %add3A_1500 = arith.addi %mul3A_1497, %shift_right_arithmetic3A_1499 : i32
      %mul3A_1501 = arith.constant 2 : i32
      %mul3A_1502 = arith.muli %add3A_1500, %mul3A_1501 : i32
      %add3A_1503 = arith.addi %mul3A_1502, %and3A_1495 : i32
      %add3A_1504 = arith.constant 256 : i32
      %add3A_1505 = arith.addi %add3A_1504, %shift_right_arithmetic3A_1489 : i32
      %mul3A_1506 = arith.constant 16 : i32
      %mul3A_1507 = arith.muli %mul3A_1506, %and3A_1491 : i32
      %get3A = arith.index_cast %add3A_1505 : i32 to index
      %get3A_1508 = arith.index_cast %mul3A_1507 : i32 to index
      %get3A_1509 = tpu.vector_load %arg6[%get3A, %get3A_1508] {strides = array<i32>} : memref<416x128xf32, #tpu.memory_space<vmem>>, vector<16xf32>,
      %broadcast_in_dim3A = vector.broadcast %add3A_1503 : i32 to vector<16xi32>
      %and3A_1510 = arith.constant 3 : i32
      %and3A_1511 = arith.andi %and3A_1491, %and3A_1510 : i32
      %mul3A_1512 = arith.constant 32 : i32
      %mul3A_1513 = arith.muli %mul3A_1512, %and3A_1511 : i32
      %mul3A_1514 = arith.constant 2 : i32
      %mul3A_1515 = vector.broadcast %mul3A_1514 : i32 to vector<16xi32>
      %mul3A_1516 = arith.muli %mul3A_1515, %iota3A : vector<16xi32>
      %add3A_1517 = vector.broadcast %mul3A_1513 : i32 to vector<16xi32>
      %add3A_1518 = arith.addi %add3A_1517, %mul3A_1516 : vector<16xi32>
      %add3A_1519 = arith.constant 1 : i32
      %add3A_1520 = vector.broadcast %add3A_1519 : i32 to vector<16xi32>
      %add3A_1521 = arith.addi %add3A_1518, %add3A_1520 : vector<16xi32>
      tpu.vector_store_idx %arg8[%broadcast_in_dim3A, %add3A_1521], %get3A_1509 : memref<64x128xf32, #tpu.memory_space<vmem>>[vector<16xi32>, vector<16xi32>], vector<16xf32>,
    }
    %scan3A_944 = arith.constant 256 : i32
    %add3A_945 = arith.constant 704 : i32
    %add3A_946 = arith.addi %mul3A_914, %add3A_945 : i32
    %dma_start3A_947 = arith.constant 0 : i32
    %dma_start3A_948 = tpu.memref_slice %arg4[%add3A_946, %dma_start3A_947] : memref<229376x128xf32, #tpu.memory_space<hbm>> -> memref<64x128xf32, #tpu.memory_space<hbm>>
    %dma_start3A_949 = arith.constant 0 : i32
    %dma_start3A_950 = tpu.memref_slice %arg4[%add3A_946, %dma_start3A_949] : memref<229376x128xf32, #tpu.memory_space<hbm>> -> memref<64x128xf32, #tpu.memory_space<hbm>>
    tpu.enqueue_dma source(%arg8 : memref<64x128xf32, #tpu.memory_space<vmem>>) target(%dma_start3A_950 : memref<64x128xf32, #tpu.memory_space<hbm>>) target_semaphore(%arg16 : memref<!tpu.dma_semaphore, #tpu.memory_space<semaphore_mem>>)
    %dma_wait3A_951 = arith.constant 0 : i32
    %dma_wait3A_952 = arith.constant 0 : i32
    %dma_wait3A_953 = tpu.memref_slice %arg6[%dma_wait3A_951, %dma_wait3A_952] : memref<416x128xf32, #tpu.memory_space<vmem>> -> memref<256x128xf32, #tpu.memory_space<vmem>>
    %dma_wait3A_954 = arith.constant 0 : i32
    %dma_wait3A_955 = tpu.memref_slice %arg4[%add3A_916, %dma_wait3A_954] : memref<229376x128xf32, #tpu.memory_space<hbm>> -> memref<256x128xf32, #tpu.memory_space<hbm>>
    %dma_wait3A_956 = arith.constant 0 : i32
    %dma_wait3A_957 = tpu.memref_slice %arg4[%add3A_916, %dma_wait3A_956] : memref<229376x128xf32, #tpu.memory_space<hbm>> -> memref<256x128xf32, #tpu.memory_space<hbm>>
    %dma_wait3A_958 = arith.constant 0 : i32
    %dma_wait3A_959 = arith.constant 0 : i32
    %dma_wait3A_960 = tpu.memref_slice %arg6[%dma_wait3A_958, %dma_wait3A_959] : memref<416x128xf32, #tpu.memory_space<vmem>> -> memref<256x128xf32, #tpu.memory_space<vmem>>
    tpu.wait_dma2 semaphore(%arg13 : memref<!tpu.dma_semaphore, #tpu.memory_space<semaphore_mem>>) src(%dma_wait3A_960 : memref<256x128xf32, #tpu.memory_space<vmem>>) dst(%dma_wait3A_957 : memref<256x128xf32, #tpu.memory_space<hbm>>)
    %dma_wait3A_961 = arith.constant 288 : i32
    %dma_wait3A_962 = arith.constant 0 : i32
    %dma_wait3A_963 = tpu.memref_slice %arg6[%dma_wait3A_961, %dma_wait3A_962] : memref<416x128xf32, #tpu.memory_space<vmem>> -> memref<128x128xf32, #tpu.memory_space<vmem>>
    %dma_wait3A_964 = arith.constant 0 : i32
    %dma_wait3A_965 = tpu.memref_slice %arg4[%add3A_928, %dma_wait3A_964] : memref<229376x128xf32, #tpu.memory_space<hbm>> -> memref<128x128xf32, #tpu.memory_space<hbm>>
    %dma_wait3A_966 = arith.constant 0 : i32
    %dma_wait3A_967 = tpu.memref_slice %arg4[%add3A_928, %dma_wait3A_966] : memref<229376x128xf32, #tpu.memory_space<hbm>> -> memref<128x128xf32, #tpu.memory_space<hbm>>
    %dma_wait3A_968 = arith.constant 288 : i32
    %dma_wait3A_969 = arith.constant 0 : i32
    %dma_wait3A_970 = tpu.memref_slice %arg6[%dma_wait3A_968, %dma_wait3A_969] : memref<416x128xf32, #tpu.memory_space<vmem>> -> memref<128x128xf32, #tpu.memory_space<vmem>>
    tpu.wait_dma2 semaphore(%arg14 : memref<!tpu.dma_semaphore, #tpu.memory_space<semaphore_mem>>) src(%dma_wait3A_970 : memref<128x128xf32, #tpu.memory_space<vmem>>) dst(%dma_wait3A_967 : memref<128x128xf32, #tpu.memory_space<hbm>>)
    %dma_wait3A_971 = arith.constant 0 : i32
    %dma_wait3A_972 = tpu.memref_slice %arg4[%add3A_946, %dma_wait3A_971] : memref<229376x128xf32, #tpu.memory_space<hbm>> -> memref<64x128xf32, #tpu.memory_space<hbm>>
    %dma_wait3A_973 = arith.constant 0 : i32
    %dma_wait3A_974 = tpu.memref_slice %arg4[%add3A_946, %dma_wait3A_973] : memref<229376x128xf32, #tpu.memory_space<hbm>> -> memref<64x128xf32, #tpu.memory_space<hbm>>
    tpu.wait_dma2 semaphore(%arg16 : memref<!tpu.dma_semaphore, #tpu.memory_space<semaphore_mem>>) src(%arg8 : memref<64x128xf32, #tpu.memory_space<vmem>>) dst(%dma_wait3A_974 : memref<64x128xf32, #tpu.memory_space<hbm>>)
    %mul3A_975 = arith.constant 8 : i32
    %mul3A_976 = arith.muli %select_n3A, %mul3A_975 : i32
    %add3A_977 = arith.constant 5 : i32
    %add3A_978 = arith.addi %mul3A_976, %add3A_977 : i32
    %mul3A_979 = arith.constant 4 : i32
    %mul3A_980 = arith.muli %add3A_978, %mul3A_979 : i32
    %add3A_981 = arith.addi %mul3A_980, %rem3A_1 : i32
    %mul3A_982 = arith.constant 832 : i32
    %mul3A_983 = arith.muli %add3A_981, %mul3A_982 : i32
    %add3A_984 = arith.constant 416 : i32
    %add3A_985 = arith.addi %mul3A_983, %add3A_984 : i32
    %dma_start3A_986 = arith.constant 0 : i32
    %dma_start3A_987 = tpu.memref_slice %arg2[%add3A_985, %dma_start3A_986] : memref<212992x128xf32, #tpu.memory_space<hbm>> -> memref<416x128xf32, #tpu.memory_space<hbm>>
    %dma_start3A_988 = arith.constant 0 : i32
    %dma_start3A_989 = tpu.memref_slice %arg2[%add3A_985, %dma_start3A_988] : memref<212992x128xf32, #tpu.memory_space<hbm>> -> memref<416x128xf32, #tpu.memory_space<hbm>>
    tpu.enqueue_dma source(%dma_start3A_989 : memref<416x128xf32, #tpu.memory_space<hbm>>) target(%arg6 : memref<416x128xf32, #tpu.memory_space<vmem>>) target_semaphore(%arg10 : memref<!tpu.dma_semaphore, #tpu.memory_space<semaphore_mem>>)
    %dma_wait3A_990 = arith.constant 0 : i32
    %dma_wait3A_991 = tpu.memref_slice %arg2[%add3A_897, %dma_wait3A_990] : memref<212992x128xf32, #tpu.memory_space<hbm>> -> memref<416x128xf32, #tpu.memory_space<hbm>>
    %dma_wait3A_992 = arith.constant 0 : i32
    %dma_wait3A_993 = tpu.memref_slice %arg2[%add3A_897, %dma_wait3A_992] : memref<212992x128xf32, #tpu.memory_space<hbm>> -> memref<416x128xf32, #tpu.memory_space<hbm>>
    tpu.wait_dma2 semaphore(%arg9 : memref<!tpu.dma_semaphore, #tpu.memory_space<semaphore_mem>>) src(%dma_wait3A_993 : memref<416x128xf32, #tpu.memory_space<hbm>>) dst(%arg5 : memref<416x128xf32, #tpu.memory_space<vmem>>)
    %mul3A_994 = arith.constant 8 : i32
    %mul3A_995 = arith.muli %select_n3A, %mul3A_994 : i32
    %add3A_996 = arith.constant 5 : i32
    %add3A_997 = arith.addi %mul3A_995, %add3A_996 : i32
    %mul3A_998 = arith.constant 4 : i32
    %mul3A_999 = arith.muli %add3A_997, %mul3A_998 : i32
    %add3A_1000 = arith.addi %mul3A_999, %rem3A_1 : i32
    %mul3A_1001 = arith.constant 896 : i32
    %mul3A_1002 = arith.muli %add3A_1000, %mul3A_1001 : i32
    %add3A_1003 = arith.constant 0 : i32
    %add3A_1004 = arith.addi %mul3A_1002, %add3A_1003 : i32
    %dma_start3A_1005 = arith.constant 0 : i32
    %dma_start3A_1006 = arith.constant 0 : i32
    %dma_start3A_1007 = tpu.memref_slice %arg5[%dma_start3A_1005, %dma_start3A_1006] : memref<416x128xf32, #tpu.memory_space<vmem>> -> memref<128x128xf32, #tpu.memory_space<vmem>>
    %dma_start3A_1008 = arith.constant 0 : i32
    %dma_start3A_1009 = tpu.memref_slice %arg4[%add3A_1004, %dma_start3A_1008] : memref<229376x128xf32, #tpu.memory_space<hbm>> -> memref<128x128xf32, #tpu.memory_space<hbm>>
    %dma_start3A_1010 = arith.constant 0 : i32
    %dma_start3A_1011 = tpu.memref_slice %arg4[%add3A_1004, %dma_start3A_1010] : memref<229376x128xf32, #tpu.memory_space<hbm>> -> memref<128x128xf32, #tpu.memory_space<hbm>>
    %dma_start3A_1012 = arith.constant 0 : i32
    %dma_start3A_1013 = arith.constant 0 : i32
    %dma_start3A_1014 = tpu.memref_slice %arg5[%dma_start3A_1012, %dma_start3A_1013] : memref<416x128xf32, #tpu.memory_space<vmem>> -> memref<128x128xf32, #tpu.memory_space<vmem>>
    tpu.enqueue_dma source(%dma_start3A_1014 : memref<128x128xf32, #tpu.memory_space<vmem>>) target(%dma_start3A_1011 : memref<128x128xf32, #tpu.memory_space<hbm>>) target_semaphore(%arg11 : memref<!tpu.dma_semaphore, #tpu.memory_space<semaphore_mem>>)
    %add3A_1015 = arith.constant 192 : i32
    %add3A_1016 = arith.addi %mul3A_1002, %add3A_1015 : i32
    %dma_start3A_1017 = arith.constant 160 : i32
    %dma_start3A_1018 = arith.constant 0 : i32
    %dma_start3A_1019 = tpu.memref_slice %arg5[%dma_start3A_1017, %dma_start3A_1018] : memref<416x128xf32, #tpu.memory_space<vmem>> -> memref<256x128xf32, #tpu.memory_space<vmem>>
    %dma_start3A_1020 = arith.constant 0 : i32
    %dma_start3A_1021 = tpu.memref_slice %arg4[%add3A_1016, %dma_start3A_1020] : memref<229376x128xf32, #tpu.memory_space<hbm>> -> memref<256x128xf32, #tpu.memory_space<hbm>>
    %dma_start3A_1022 = arith.constant 0 : i32
    %dma_start3A_1023 = tpu.memref_slice %arg4[%add3A_1016, %dma_start3A_1022] : memref<229376x128xf32, #tpu.memory_space<hbm>> -> memref<256x128xf32, #tpu.memory_space<hbm>>
    %dma_start3A_1024 = arith.constant 160 : i32
    %dma_start3A_1025 = arith.constant 0 : i32
    %dma_start3A_1026 = tpu.memref_slice %arg5[%dma_start3A_1024, %dma_start3A_1025] : memref<416x128xf32, #tpu.memory_space<vmem>> -> memref<256x128xf32, #tpu.memory_space<vmem>>
    tpu.enqueue_dma source(%dma_start3A_1026 : memref<256x128xf32, #tpu.memory_space<vmem>>) target(%dma_start3A_1023 : memref<256x128xf32, #tpu.memory_space<hbm>>) target_semaphore(%arg12 : memref<!tpu.dma_semaphore, #tpu.memory_space<semaphore_mem>>)
    %scan3A_1027 = arith.constant 0 : i32
    %scan3A_1028 = arith.constant 0 : i32
    %scan3A_1029 = arith.constant 256 : i32
    %scan3A_1030 = arith.addi %scan3A_1028, %scan3A_1029 : i32
    %scan3A_1031 = arith.constant 1 : i32
    scf.for %scan3A_1488 = %scan3A_1028 to %scan3A_1030 step %scan3A_1031  : i32 {
      %shift_right_arithmetic3A = arith.constant 3 : i32
      %shift_right_arithmetic3A_1489 = arith.shrsi %scan3A_1488, %shift_right_arithmetic3A : i32
      %and3A_1490 = arith.constant 7 : i32
      %and3A_1491 = arith.andi %scan3A_1488, %and3A_1490 : i32
      %shift_right_arithmetic3A_1492 = arith.constant 1 : i32
      %shift_right_arithmetic3A_1493 = arith.shrsi %shift_right_arithmetic3A_1489, %shift_right_arithmetic3A_1492 : i32
      %and3A_1494 = arith.constant 1 : i32
      %and3A_1495 = arith.andi %shift_right_arithmetic3A_1489, %and3A_1494 : i32
      %mul3A_1496 = arith.constant 2 : i32
      %mul3A_1497 = arith.muli %mul3A_1496, %shift_right_arithmetic3A_1493 : i32
      %shift_right_arithmetic3A_1498 = arith.constant 2 : i32
      %shift_right_arithmetic3A_1499 = arith.shrsi %and3A_1491, %shift_right_arithmetic3A_1498 : i32
      %add3A_1500 = arith.addi %mul3A_1497, %shift_right_arithmetic3A_1499 : i32
      %mul3A_1501 = arith.constant 2 : i32
      %mul3A_1502 = arith.muli %add3A_1500, %mul3A_1501 : i32
      %add3A_1503 = arith.addi %mul3A_1502, %and3A_1495 : i32
      %add3A_1504 = arith.constant 128 : i32
      %add3A_1505 = arith.addi %add3A_1504, %shift_right_arithmetic3A_1489 : i32
      %mul3A_1506 = arith.constant 16 : i32
      %mul3A_1507 = arith.muli %mul3A_1506, %and3A_1491 : i32
      %get3A = arith.index_cast %add3A_1505 : i32 to index
      %get3A_1508 = arith.index_cast %mul3A_1507 : i32 to index
      %get3A_1509 = tpu.vector_load %arg5[%get3A, %get3A_1508] {strides = array<i32>} : memref<416x128xf32, #tpu.memory_space<vmem>>, vector<16xf32>,
      %broadcast_in_dim3A = vector.broadcast %add3A_1503 : i32 to vector<16xi32>
      %and3A_1510 = arith.constant 3 : i32
      %and3A_1511 = arith.andi %and3A_1491, %and3A_1510 : i32
      %mul3A_1512 = arith.constant 32 : i32
      %mul3A_1513 = arith.muli %mul3A_1512, %and3A_1511 : i32
      %mul3A_1514 = arith.constant 2 : i32
      %mul3A_1515 = vector.broadcast %mul3A_1514 : i32 to vector<16xi32>
      %mul3A_1516 = arith.muli %mul3A_1515, %iota3A : vector<16xi32>
      %add3A_1517 = vector.broadcast %mul3A_1513 : i32 to vector<16xi32>
      %add3A_1518 = arith.addi %add3A_1517, %mul3A_1516 : vector<16xi32>
      %add3A_1519 = arith.constant 1 : i32
      %add3A_1520 = vector.broadcast %add3A_1519 : i32 to vector<16xi32>
      %add3A_1521 = arith.addi %add3A_1518, %add3A_1520 : vector<16xi32>
      tpu.vector_store_idx %arg7[%broadcast_in_dim3A, %add3A_1521], %get3A_1509 : memref<64x128xf32, #tpu.memory_space<vmem>>[vector<16xi32>, vector<16xi32>], vector<16xf32>,
    }
    %scan3A_1032 = arith.constant 256 : i32
    %add3A_1033 = arith.constant 128 : i32
    %add3A_1034 = arith.addi %mul3A_1002, %add3A_1033 : i32
    %dma_start3A_1035 = arith.constant 0 : i32
    %dma_start3A_1036 = tpu.memref_slice %arg4[%add3A_1034, %dma_start3A_1035] : memref<229376x128xf32, #tpu.memory_space<hbm>> -> memref<64x128xf32, #tpu.memory_space<hbm>>
    %dma_start3A_1037 = arith.constant 0 : i32
    %dma_start3A_1038 = tpu.memref_slice %arg4[%add3A_1034, %dma_start3A_1037] : memref<229376x128xf32, #tpu.memory_space<hbm>> -> memref<64x128xf32, #tpu.memory_space<hbm>>
    tpu.enqueue_dma source(%arg7 : memref<64x128xf32, #tpu.memory_space<vmem>>) target(%dma_start3A_1038 : memref<64x128xf32, #tpu.memory_space<hbm>>) target_semaphore(%arg15 : memref<!tpu.dma_semaphore, #tpu.memory_space<semaphore_mem>>)
    %dma_wait3A_1039 = arith.constant 0 : i32
    %dma_wait3A_1040 = arith.constant 0 : i32
    %dma_wait3A_1041 = tpu.memref_slice %arg5[%dma_wait3A_1039, %dma_wait3A_1040] : memref<416x128xf32, #tpu.memory_space<vmem>> -> memref<128x128xf32, #tpu.memory_space<vmem>>
    %dma_wait3A_1042 = arith.constant 0 : i32
    %dma_wait3A_1043 = tpu.memref_slice %arg4[%add3A_1004, %dma_wait3A_1042] : memref<229376x128xf32, #tpu.memory_space<hbm>> -> memref<128x128xf32, #tpu.memory_space<hbm>>
    %dma_wait3A_1044 = arith.constant 0 : i32
    %dma_wait3A_1045 = tpu.memref_slice %arg4[%add3A_1004, %dma_wait3A_1044] : memref<229376x128xf32, #tpu.memory_space<hbm>> -> memref<128x128xf32, #tpu.memory_space<hbm>>
    %dma_wait3A_1046 = arith.constant 0 : i32
    %dma_wait3A_1047 = arith.constant 0 : i32
    %dma_wait3A_1048 = tpu.memref_slice %arg5[%dma_wait3A_1046, %dma_wait3A_1047] : memref<416x128xf32, #tpu.memory_space<vmem>> -> memref<128x128xf32, #tpu.memory_space<vmem>>
    tpu.wait_dma2 semaphore(%arg11 : memref<!tpu.dma_semaphore, #tpu.memory_space<semaphore_mem>>) src(%dma_wait3A_1048 : memref<128x128xf32, #tpu.memory_space<vmem>>) dst(%dma_wait3A_1045 : memref<128x128xf32, #tpu.memory_space<hbm>>)
    %dma_wait3A_1049 = arith.constant 160 : i32
    %dma_wait3A_1050 = arith.constant 0 : i32
    %dma_wait3A_1051 = tpu.memref_slice %arg5[%dma_wait3A_1049, %dma_wait3A_1050] : memref<416x128xf32, #tpu.memory_space<vmem>> -> memref<256x128xf32, #tpu.memory_space<vmem>>
    %dma_wait3A_1052 = arith.constant 0 : i32
    %dma_wait3A_1053 = tpu.memref_slice %arg4[%add3A_1016, %dma_wait3A_1052] : memref<229376x128xf32, #tpu.memory_space<hbm>> -> memref<256x128xf32, #tpu.memory_space<hbm>>
    %dma_wait3A_1054 = arith.constant 0 : i32
    %dma_wait3A_1055 = tpu.memref_slice %arg4[%add3A_1016, %dma_wait3A_1054] : memref<229376x128xf32, #tpu.memory_space<hbm>> -> memref<256x128xf32, #tpu.memory_space<hbm>>
    %dma_wait3A_1056 = arith.constant 160 : i32
    %dma_wait3A_1057 = arith.constant 0 : i32
    %dma_wait3A_1058 = tpu.memref_slice %arg5[%dma_wait3A_1056, %dma_wait3A_1057] : memref<416x128xf32, #tpu.memory_space<vmem>> -> memref<256x128xf32, #tpu.memory_space<vmem>>
    tpu.wait_dma2 semaphore(%arg12 : memref<!tpu.dma_semaphore, #tpu.memory_space<semaphore_mem>>) src(%dma_wait3A_1058 : memref<256x128xf32, #tpu.memory_space<vmem>>) dst(%dma_wait3A_1055 : memref<256x128xf32, #tpu.memory_space<hbm>>)
    %dma_wait3A_1059 = arith.constant 0 : i32
    %dma_wait3A_1060 = tpu.memref_slice %arg4[%add3A_1034, %dma_wait3A_1059] : memref<229376x128xf32, #tpu.memory_space<hbm>> -> memref<64x128xf32, #tpu.memory_space<hbm>>
    %dma_wait3A_1061 = arith.constant 0 : i32
    %dma_wait3A_1062 = tpu.memref_slice %arg4[%add3A_1034, %dma_wait3A_1061] : memref<229376x128xf32, #tpu.memory_space<hbm>> -> memref<64x128xf32, #tpu.memory_space<hbm>>
    tpu.wait_dma2 semaphore(%arg15 : memref<!tpu.dma_semaphore, #tpu.memory_space<semaphore_mem>>) src(%arg7 : memref<64x128xf32, #tpu.memory_space<vmem>>) dst(%dma_wait3A_1062 : memref<64x128xf32, #tpu.memory_space<hbm>>)
    %mul3A_1063 = arith.constant 8 : i32
    %mul3A_1064 = arith.muli %select_n3A, %mul3A_1063 : i32
    %add3A_1065 = arith.constant 6 : i32
    %add3A_1066 = arith.addi %mul3A_1064, %add3A_1065 : i32
    %mul3A_1067 = arith.constant 4 : i32
    %mul3A_1068 = arith.muli %add3A_1066, %mul3A_1067 : i32
    %add3A_1069 = arith.addi %mul3A_1068, %rem3A_1 : i32
    %mul3A_1070 = arith.constant 832 : i32
    %mul3A_1071 = arith.muli %add3A_1069, %mul3A_1070 : i32
    %add3A_1072 = arith.constant 0 : i32
    %add3A_1073 = arith.addi %mul3A_1071, %add3A_1072 : i32
    %dma_start3A_1074 = arith.constant 0 : i32
    %dma_start3A_1075 = tpu.memref_slice %arg2[%add3A_1073, %dma_start3A_1074] : memref<212992x128xf32, #tpu.memory_space<hbm>> -> memref<416x128xf32, #tpu.memory_space<hbm>>
    %dma_start3A_1076 = arith.constant 0 : i32
    %dma_start3A_1077 = tpu.memref_slice %arg2[%add3A_1073, %dma_start3A_1076] : memref<212992x128xf32, #tpu.memory_space<hbm>> -> memref<416x128xf32, #tpu.memory_space<hbm>>
    tpu.enqueue_dma source(%dma_start3A_1077 : memref<416x128xf32, #tpu.memory_space<hbm>>) target(%arg5 : memref<416x128xf32, #tpu.memory_space<vmem>>) target_semaphore(%arg9 : memref<!tpu.dma_semaphore, #tpu.memory_space<semaphore_mem>>)
    %dma_wait3A_1078 = arith.constant 0 : i32
    %dma_wait3A_1079 = tpu.memref_slice %arg2[%add3A_985, %dma_wait3A_1078] : memref<212992x128xf32, #tpu.memory_space<hbm>> -> memref<416x128xf32, #tpu.memory_space<hbm>>
    %dma_wait3A_1080 = arith.constant 0 : i32
    %dma_wait3A_1081 = tpu.memref_slice %arg2[%add3A_985, %dma_wait3A_1080] : memref<212992x128xf32, #tpu.memory_space<hbm>> -> memref<416x128xf32, #tpu.memory_space<hbm>>
    tpu.wait_dma2 semaphore(%arg10 : memref<!tpu.dma_semaphore, #tpu.memory_space<semaphore_mem>>) src(%dma_wait3A_1081 : memref<416x128xf32, #tpu.memory_space<hbm>>) dst(%arg6 : memref<416x128xf32, #tpu.memory_space<vmem>>)
    %mul3A_1082 = arith.constant 8 : i32
    %mul3A_1083 = arith.muli %select_n3A, %mul3A_1082 : i32
    %add3A_1084 = arith.constant 5 : i32
    %add3A_1085 = arith.addi %mul3A_1083, %add3A_1084 : i32
    %mul3A_1086 = arith.constant 4 : i32
    %mul3A_1087 = arith.muli %add3A_1085, %mul3A_1086 : i32
    %add3A_1088 = arith.addi %mul3A_1087, %rem3A_1 : i32
    %mul3A_1089 = arith.constant 896 : i32
    %mul3A_1090 = arith.muli %add3A_1088, %mul3A_1089 : i32
    %add3A_1091 = arith.constant 448 : i32
    %add3A_1092 = arith.addi %mul3A_1090, %add3A_1091 : i32
    %dma_start3A_1093 = arith.constant 0 : i32
    %dma_start3A_1094 = arith.constant 0 : i32
    %dma_start3A_1095 = tpu.memref_slice %arg6[%dma_start3A_1093, %dma_start3A_1094] : memref<416x128xf32, #tpu.memory_space<vmem>> -> memref<256x128xf32, #tpu.memory_space<vmem>>
    %dma_start3A_1096 = arith.constant 0 : i32
    %dma_start3A_1097 = tpu.memref_slice %arg4[%add3A_1092, %dma_start3A_1096] : memref<229376x128xf32, #tpu.memory_space<hbm>> -> memref<256x128xf32, #tpu.memory_space<hbm>>
    %dma_start3A_1098 = arith.constant 0 : i32
    %dma_start3A_1099 = tpu.memref_slice %arg4[%add3A_1092, %dma_start3A_1098] : memref<229376x128xf32, #tpu.memory_space<hbm>> -> memref<256x128xf32, #tpu.memory_space<hbm>>
    %dma_start3A_1100 = arith.constant 0 : i32
    %dma_start3A_1101 = arith.constant 0 : i32
    %dma_start3A_1102 = tpu.memref_slice %arg6[%dma_start3A_1100, %dma_start3A_1101] : memref<416x128xf32, #tpu.memory_space<vmem>> -> memref<256x128xf32, #tpu.memory_space<vmem>>
    tpu.enqueue_dma source(%dma_start3A_1102 : memref<256x128xf32, #tpu.memory_space<vmem>>) target(%dma_start3A_1099 : memref<256x128xf32, #tpu.memory_space<hbm>>) target_semaphore(%arg13 : memref<!tpu.dma_semaphore, #tpu.memory_space<semaphore_mem>>)
    %add3A_1103 = arith.constant 768 : i32
    %add3A_1104 = arith.addi %mul3A_1090, %add3A_1103 : i32
    %dma_start3A_1105 = arith.constant 288 : i32
    %dma_start3A_1106 = arith.constant 0 : i32
    %dma_start3A_1107 = tpu.memref_slice %arg6[%dma_start3A_1105, %dma_start3A_1106] : memref<416x128xf32, #tpu.memory_space<vmem>> -> memref<128x128xf32, #tpu.memory_space<vmem>>
    %dma_start3A_1108 = arith.constant 0 : i32
    %dma_start3A_1109 = tpu.memref_slice %arg4[%add3A_1104, %dma_start3A_1108] : memref<229376x128xf32, #tpu.memory_space<hbm>> -> memref<128x128xf32, #tpu.memory_space<hbm>>
    %dma_start3A_1110 = arith.constant 0 : i32
    %dma_start3A_1111 = tpu.memref_slice %arg4[%add3A_1104, %dma_start3A_1110] : memref<229376x128xf32, #tpu.memory_space<hbm>> -> memref<128x128xf32, #tpu.memory_space<hbm>>
    %dma_start3A_1112 = arith.constant 288 : i32
    %dma_start3A_1113 = arith.constant 0 : i32
    %dma_start3A_1114 = tpu.memref_slice %arg6[%dma_start3A_1112, %dma_start3A_1113] : memref<416x128xf32, #tpu.memory_space<vmem>> -> memref<128x128xf32, #tpu.memory_space<vmem>>
    tpu.enqueue_dma source(%dma_start3A_1114 : memref<128x128xf32, #tpu.memory_space<vmem>>) target(%dma_start3A_1111 : memref<128x128xf32, #tpu.memory_space<hbm>>) target_semaphore(%arg14 : memref<!tpu.dma_semaphore, #tpu.memory_space<semaphore_mem>>)
    %scan3A_1115 = arith.constant 0 : i32
    %scan3A_1116 = arith.constant 0 : i32
    %scan3A_1117 = arith.constant 256 : i32
    %scan3A_1118 = arith.addi %scan3A_1116, %scan3A_1117 : i32
    %scan3A_1119 = arith.constant 1 : i32
    scf.for %scan3A_1488 = %scan3A_1116 to %scan3A_1118 step %scan3A_1119  : i32 {
      %shift_right_arithmetic3A = arith.constant 3 : i32
      %shift_right_arithmetic3A_1489 = arith.shrsi %scan3A_1488, %shift_right_arithmetic3A : i32
      %and3A_1490 = arith.constant 7 : i32
      %and3A_1491 = arith.andi %scan3A_1488, %and3A_1490 : i32
      %shift_right_arithmetic3A_1492 = arith.constant 1 : i32
      %shift_right_arithmetic3A_1493 = arith.shrsi %shift_right_arithmetic3A_1489, %shift_right_arithmetic3A_1492 : i32
      %and3A_1494 = arith.constant 1 : i32
      %and3A_1495 = arith.andi %shift_right_arithmetic3A_1489, %and3A_1494 : i32
      %mul3A_1496 = arith.constant 2 : i32
      %mul3A_1497 = arith.muli %mul3A_1496, %shift_right_arithmetic3A_1493 : i32
      %shift_right_arithmetic3A_1498 = arith.constant 2 : i32
      %shift_right_arithmetic3A_1499 = arith.shrsi %and3A_1491, %shift_right_arithmetic3A_1498 : i32
      %add3A_1500 = arith.addi %mul3A_1497, %shift_right_arithmetic3A_1499 : i32
      %mul3A_1501 = arith.constant 2 : i32
      %mul3A_1502 = arith.muli %add3A_1500, %mul3A_1501 : i32
      %add3A_1503 = arith.addi %mul3A_1502, %and3A_1495 : i32
      %add3A_1504 = arith.constant 256 : i32
      %add3A_1505 = arith.addi %add3A_1504, %shift_right_arithmetic3A_1489 : i32
      %mul3A_1506 = arith.constant 16 : i32
      %mul3A_1507 = arith.muli %mul3A_1506, %and3A_1491 : i32
      %get3A = arith.index_cast %add3A_1505 : i32 to index
      %get3A_1508 = arith.index_cast %mul3A_1507 : i32 to index
      %get3A_1509 = tpu.vector_load %arg6[%get3A, %get3A_1508] {strides = array<i32>} : memref<416x128xf32, #tpu.memory_space<vmem>>, vector<16xf32>,
      %broadcast_in_dim3A = vector.broadcast %add3A_1503 : i32 to vector<16xi32>
      %and3A_1510 = arith.constant 3 : i32
      %and3A_1511 = arith.andi %and3A_1491, %and3A_1510 : i32
      %mul3A_1512 = arith.constant 32 : i32
      %mul3A_1513 = arith.muli %mul3A_1512, %and3A_1511 : i32
      %mul3A_1514 = arith.constant 2 : i32
      %mul3A_1515 = vector.broadcast %mul3A_1514 : i32 to vector<16xi32>
      %mul3A_1516 = arith.muli %mul3A_1515, %iota3A : vector<16xi32>
      %add3A_1517 = vector.broadcast %mul3A_1513 : i32 to vector<16xi32>
      %add3A_1518 = arith.addi %add3A_1517, %mul3A_1516 : vector<16xi32>
      %add3A_1519 = arith.constant 1 : i32
      %add3A_1520 = vector.broadcast %add3A_1519 : i32 to vector<16xi32>
      %add3A_1521 = arith.addi %add3A_1518, %add3A_1520 : vector<16xi32>
      tpu.vector_store_idx %arg8[%broadcast_in_dim3A, %add3A_1521], %get3A_1509 : memref<64x128xf32, #tpu.memory_space<vmem>>[vector<16xi32>, vector<16xi32>], vector<16xf32>,
    }
    %scan3A_1120 = arith.constant 256 : i32
    %add3A_1121 = arith.constant 704 : i32
    %add3A_1122 = arith.addi %mul3A_1090, %add3A_1121 : i32
    %dma_start3A_1123 = arith.constant 0 : i32
    %dma_start3A_1124 = tpu.memref_slice %arg4[%add3A_1122, %dma_start3A_1123] : memref<229376x128xf32, #tpu.memory_space<hbm>> -> memref<64x128xf32, #tpu.memory_space<hbm>>
    %dma_start3A_1125 = arith.constant 0 : i32
    %dma_start3A_1126 = tpu.memref_slice %arg4[%add3A_1122, %dma_start3A_1125] : memref<229376x128xf32, #tpu.memory_space<hbm>> -> memref<64x128xf32, #tpu.memory_space<hbm>>
    tpu.enqueue_dma source(%arg8 : memref<64x128xf32, #tpu.memory_space<vmem>>) target(%dma_start3A_1126 : memref<64x128xf32, #tpu.memory_space<hbm>>) target_semaphore(%arg16 : memref<!tpu.dma_semaphore, #tpu.memory_space<semaphore_mem>>)
    %dma_wait3A_1127 = arith.constant 0 : i32
    %dma_wait3A_1128 = arith.constant 0 : i32
    %dma_wait3A_1129 = tpu.memref_slice %arg6[%dma_wait3A_1127, %dma_wait3A_1128] : memref<416x128xf32, #tpu.memory_space<vmem>> -> memref<256x128xf32, #tpu.memory_space<vmem>>
    %dma_wait3A_1130 = arith.constant 0 : i32
    %dma_wait3A_1131 = tpu.memref_slice %arg4[%add3A_1092, %dma_wait3A_1130] : memref<229376x128xf32, #tpu.memory_space<hbm>> -> memref<256x128xf32, #tpu.memory_space<hbm>>
    %dma_wait3A_1132 = arith.constant 0 : i32
    %dma_wait3A_1133 = tpu.memref_slice %arg4[%add3A_1092, %dma_wait3A_1132] : memref<229376x128xf32, #tpu.memory_space<hbm>> -> memref<256x128xf32, #tpu.memory_space<hbm>>
    %dma_wait3A_1134 = arith.constant 0 : i32
    %dma_wait3A_1135 = arith.constant 0 : i32
    %dma_wait3A_1136 = tpu.memref_slice %arg6[%dma_wait3A_1134, %dma_wait3A_1135] : memref<416x128xf32, #tpu.memory_space<vmem>> -> memref<256x128xf32, #tpu.memory_space<vmem>>
    tpu.wait_dma2 semaphore(%arg13 : memref<!tpu.dma_semaphore, #tpu.memory_space<semaphore_mem>>) src(%dma_wait3A_1136 : memref<256x128xf32, #tpu.memory_space<vmem>>) dst(%dma_wait3A_1133 : memref<256x128xf32, #tpu.memory_space<hbm>>)
    %dma_wait3A_1137 = arith.constant 288 : i32
    %dma_wait3A_1138 = arith.constant 0 : i32
    %dma_wait3A_1139 = tpu.memref_slice %arg6[%dma_wait3A_1137, %dma_wait3A_1138] : memref<416x128xf32, #tpu.memory_space<vmem>> -> memref<128x128xf32, #tpu.memory_space<vmem>>
    %dma_wait3A_1140 = arith.constant 0 : i32
    %dma_wait3A_1141 = tpu.memref_slice %arg4[%add3A_1104, %dma_wait3A_1140] : memref<229376x128xf32, #tpu.memory_space<hbm>> -> memref<128x128xf32, #tpu.memory_space<hbm>>
    %dma_wait3A_1142 = arith.constant 0 : i32
    %dma_wait3A_1143 = tpu.memref_slice %arg4[%add3A_1104, %dma_wait3A_1142] : memref<229376x128xf32, #tpu.memory_space<hbm>> -> memref<128x128xf32, #tpu.memory_space<hbm>>
    %dma_wait3A_1144 = arith.constant 288 : i32
    %dma_wait3A_1145 = arith.constant 0 : i32
    %dma_wait3A_1146 = tpu.memref_slice %arg6[%dma_wait3A_1144, %dma_wait3A_1145] : memref<416x128xf32, #tpu.memory_space<vmem>> -> memref<128x128xf32, #tpu.memory_space<vmem>>
    tpu.wait_dma2 semaphore(%arg14 : memref<!tpu.dma_semaphore, #tpu.memory_space<semaphore_mem>>) src(%dma_wait3A_1146 : memref<128x128xf32, #tpu.memory_space<vmem>>) dst(%dma_wait3A_1143 : memref<128x128xf32, #tpu.memory_space<hbm>>)
    %dma_wait3A_1147 = arith.constant 0 : i32
    %dma_wait3A_1148 = tpu.memref_slice %arg4[%add3A_1122, %dma_wait3A_1147] : memref<229376x128xf32, #tpu.memory_space<hbm>> -> memref<64x128xf32, #tpu.memory_space<hbm>>
    %dma_wait3A_1149 = arith.constant 0 : i32
    %dma_wait3A_1150 = tpu.memref_slice %arg4[%add3A_1122, %dma_wait3A_1149] : memref<229376x128xf32, #tpu.memory_space<hbm>> -> memref<64x128xf32, #tpu.memory_space<hbm>>
    tpu.wait_dma2 semaphore(%arg16 : memref<!tpu.dma_semaphore, #tpu.memory_space<semaphore_mem>>) src(%arg8 : memref<64x128xf32, #tpu.memory_space<vmem>>) dst(%dma_wait3A_1150 : memref<64x128xf32, #tpu.memory_space<hbm>>)
    %mul3A_1151 = arith.constant 8 : i32
    %mul3A_1152 = arith.muli %select_n3A, %mul3A_1151 : i32
    %add3A_1153 = arith.constant 6 : i32
    %add3A_1154 = arith.addi %mul3A_1152, %add3A_1153 : i32
    %mul3A_1155 = arith.constant 4 : i32
    %mul3A_1156 = arith.muli %add3A_1154, %mul3A_1155 : i32
    %add3A_1157 = arith.addi %mul3A_1156, %rem3A_1 : i32
    %mul3A_1158 = arith.constant 832 : i32
    %mul3A_1159 = arith.muli %add3A_1157, %mul3A_1158 : i32
    %add3A_1160 = arith.constant 416 : i32
    %add3A_1161 = arith.addi %mul3A_1159, %add3A_1160 : i32
    %dma_start3A_1162 = arith.constant 0 : i32
    %dma_start3A_1163 = tpu.memref_slice %arg2[%add3A_1161, %dma_start3A_1162] : memref<212992x128xf32, #tpu.memory_space<hbm>> -> memref<416x128xf32, #tpu.memory_space<hbm>>
    %dma_start3A_1164 = arith.constant 0 : i32
    %dma_start3A_1165 = tpu.memref_slice %arg2[%add3A_1161, %dma_start3A_1164] : memref<212992x128xf32, #tpu.memory_space<hbm>> -> memref<416x128xf32, #tpu.memory_space<hbm>>
    tpu.enqueue_dma source(%dma_start3A_1165 : memref<416x128xf32, #tpu.memory_space<hbm>>) target(%arg6 : memref<416x128xf32, #tpu.memory_space<vmem>>) target_semaphore(%arg10 : memref<!tpu.dma_semaphore, #tpu.memory_space<semaphore_mem>>)
    %dma_wait3A_1166 = arith.constant 0 : i32
    %dma_wait3A_1167 = tpu.memref_slice %arg2[%add3A_1073, %dma_wait3A_1166] : memref<212992x128xf32, #tpu.memory_space<hbm>> -> memref<416x128xf32, #tpu.memory_space<hbm>>
    %dma_wait3A_1168 = arith.constant 0 : i32
    %dma_wait3A_1169 = tpu.memref_slice %arg2[%add3A_1073, %dma_wait3A_1168] : memref<212992x128xf32, #tpu.memory_space<hbm>> -> memref<416x128xf32, #tpu.memory_space<hbm>>
    tpu.wait_dma2 semaphore(%arg9 : memref<!tpu.dma_semaphore, #tpu.memory_space<semaphore_mem>>) src(%dma_wait3A_1169 : memref<416x128xf32, #tpu.memory_space<hbm>>) dst(%arg5 : memref<416x128xf32, #tpu.memory_space<vmem>>)
    %mul3A_1170 = arith.constant 8 : i32
    %mul3A_1171 = arith.muli %select_n3A, %mul3A_1170 : i32
    %add3A_1172 = arith.constant 6 : i32
    %add3A_1173 = arith.addi %mul3A_1171, %add3A_1172 : i32
    %mul3A_1174 = arith.constant 4 : i32
    %mul3A_1175 = arith.muli %add3A_1173, %mul3A_1174 : i32
    %add3A_1176 = arith.addi %mul3A_1175, %rem3A_1 : i32
    %mul3A_1177 = arith.constant 896 : i32
    %mul3A_1178 = arith.muli %add3A_1176, %mul3A_1177 : i32
    %add3A_1179 = arith.constant 0 : i32
    %add3A_1180 = arith.addi %mul3A_1178, %add3A_1179 : i32
    %dma_start3A_1181 = arith.constant 0 : i32
    %dma_start3A_1182 = arith.constant 0 : i32
    %dma_start3A_1183 = tpu.memref_slice %arg5[%dma_start3A_1181, %dma_start3A_1182] : memref<416x128xf32, #tpu.memory_space<vmem>> -> memref<128x128xf32, #tpu.memory_space<vmem>>
    %dma_start3A_1184 = arith.constant 0 : i32
    %dma_start3A_1185 = tpu.memref_slice %arg4[%add3A_1180, %dma_start3A_1184] : memref<229376x128xf32, #tpu.memory_space<hbm>> -> memref<128x128xf32, #tpu.memory_space<hbm>>
    %dma_start3A_1186 = arith.constant 0 : i32
    %dma_start3A_1187 = tpu.memref_slice %arg4[%add3A_1180, %dma_start3A_1186] : memref<229376x128xf32, #tpu.memory_space<hbm>> -> memref<128x128xf32, #tpu.memory_space<hbm>>
    %dma_start3A_1188 = arith.constant 0 : i32
    %dma_start3A_1189 = arith.constant 0 : i32
    %dma_start3A_1190 = tpu.memref_slice %arg5[%dma_start3A_1188, %dma_start3A_1189] : memref<416x128xf32, #tpu.memory_space<vmem>> -> memref<128x128xf32, #tpu.memory_space<vmem>>
    tpu.enqueue_dma source(%dma_start3A_1190 : memref<128x128xf32, #tpu.memory_space<vmem>>) target(%dma_start3A_1187 : memref<128x128xf32, #tpu.memory_space<hbm>>) target_semaphore(%arg11 : memref<!tpu.dma_semaphore, #tpu.memory_space<semaphore_mem>>)
    %add3A_1191 = arith.constant 192 : i32
    %add3A_1192 = arith.addi %mul3A_1178, %add3A_1191 : i32
    %dma_start3A_1193 = arith.constant 160 : i32
    %dma_start3A_1194 = arith.constant 0 : i32
    %dma_start3A_1195 = tpu.memref_slice %arg5[%dma_start3A_1193, %dma_start3A_1194] : memref<416x128xf32, #tpu.memory_space<vmem>> -> memref<256x128xf32, #tpu.memory_space<vmem>>
    %dma_start3A_1196 = arith.constant 0 : i32
    %dma_start3A_1197 = tpu.memref_slice %arg4[%add3A_1192, %dma_start3A_1196] : memref<229376x128xf32, #tpu.memory_space<hbm>> -> memref<256x128xf32, #tpu.memory_space<hbm>>
    %dma_start3A_1198 = arith.constant 0 : i32
    %dma_start3A_1199 = tpu.memref_slice %arg4[%add3A_1192, %dma_start3A_1198] : memref<229376x128xf32, #tpu.memory_space<hbm>> -> memref<256x128xf32, #tpu.memory_space<hbm>>
    %dma_start3A_1200 = arith.constant 160 : i32
    %dma_start3A_1201 = arith.constant 0 : i32
    %dma_start3A_1202 = tpu.memref_slice %arg5[%dma_start3A_1200, %dma_start3A_1201] : memref<416x128xf32, #tpu.memory_space<vmem>> -> memref<256x128xf32, #tpu.memory_space<vmem>>
    tpu.enqueue_dma source(%dma_start3A_1202 : memref<256x128xf32, #tpu.memory_space<vmem>>) target(%dma_start3A_1199 : memref<256x128xf32, #tpu.memory_space<hbm>>) target_semaphore(%arg12 : memref<!tpu.dma_semaphore, #tpu.memory_space<semaphore_mem>>)
    %scan3A_1203 = arith.constant 0 : i32
    %scan3A_1204 = arith.constant 0 : i32
    %scan3A_1205 = arith.constant 256 : i32
    %scan3A_1206 = arith.addi %scan3A_1204, %scan3A_1205 : i32
    %scan3A_1207 = arith.constant 1 : i32
    scf.for %scan3A_1488 = %scan3A_1204 to %scan3A_1206 step %scan3A_1207  : i32 {
      %shift_right_arithmetic3A = arith.constant 3 : i32
      %shift_right_arithmetic3A_1489 = arith.shrsi %scan3A_1488, %shift_right_arithmetic3A : i32
      %and3A_1490 = arith.constant 7 : i32
      %and3A_1491 = arith.andi %scan3A_1488, %and3A_1490 : i32
      %shift_right_arithmetic3A_1492 = arith.constant 1 : i32
      %shift_right_arithmetic3A_1493 = arith.shrsi %shift_right_arithmetic3A_1489, %shift_right_arithmetic3A_1492 : i32
      %and3A_1494 = arith.constant 1 : i32
      %and3A_1495 = arith.andi %shift_right_arithmetic3A_1489, %and3A_1494 : i32
      %mul3A_1496 = arith.constant 2 : i32
      %mul3A_1497 = arith.muli %mul3A_1496, %shift_right_arithmetic3A_1493 : i32
      %shift_right_arithmetic3A_1498 = arith.constant 2 : i32
      %shift_right_arithmetic3A_1499 = arith.shrsi %and3A_1491, %shift_right_arithmetic3A_1498 : i32
      %add3A_1500 = arith.addi %mul3A_1497, %shift_right_arithmetic3A_1499 : i32
      %mul3A_1501 = arith.constant 2 : i32
      %mul3A_1502 = arith.muli %add3A_1500, %mul3A_1501 : i32
      %add3A_1503 = arith.addi %mul3A_1502, %and3A_1495 : i32
      %add3A_1504 = arith.constant 128 : i32
      %add3A_1505 = arith.addi %add3A_1504, %shift_right_arithmetic3A_1489 : i32
      %mul3A_1506 = arith.constant 16 : i32
      %mul3A_1507 = arith.muli %mul3A_1506, %and3A_1491 : i32
      %get3A = arith.index_cast %add3A_1505 : i32 to index
      %get3A_1508 = arith.index_cast %mul3A_1507 : i32 to index
      %get3A_1509 = tpu.vector_load %arg5[%get3A, %get3A_1508] {strides = array<i32>} : memref<416x128xf32, #tpu.memory_space<vmem>>, vector<16xf32>,
      %broadcast_in_dim3A = vector.broadcast %add3A_1503 : i32 to vector<16xi32>
      %and3A_1510 = arith.constant 3 : i32
      %and3A_1511 = arith.andi %and3A_1491, %and3A_1510 : i32
      %mul3A_1512 = arith.constant 32 : i32
      %mul3A_1513 = arith.muli %mul3A_1512, %and3A_1511 : i32
      %mul3A_1514 = arith.constant 2 : i32
      %mul3A_1515 = vector.broadcast %mul3A_1514 : i32 to vector<16xi32>
      %mul3A_1516 = arith.muli %mul3A_1515, %iota3A : vector<16xi32>
      %add3A_1517 = vector.broadcast %mul3A_1513 : i32 to vector<16xi32>
      %add3A_1518 = arith.addi %add3A_1517, %mul3A_1516 : vector<16xi32>
      %add3A_1519 = arith.constant 1 : i32
      %add3A_1520 = vector.broadcast %add3A_1519 : i32 to vector<16xi32>
      %add3A_1521 = arith.addi %add3A_1518, %add3A_1520 : vector<16xi32>
      tpu.vector_store_idx %arg7[%broadcast_in_dim3A, %add3A_1521], %get3A_1509 : memref<64x128xf32, #tpu.memory_space<vmem>>[vector<16xi32>, vector<16xi32>], vector<16xf32>,
    }
    %scan3A_1208 = arith.constant 256 : i32
    %add3A_1209 = arith.constant 128 : i32
    %add3A_1210 = arith.addi %mul3A_1178, %add3A_1209 : i32
    %dma_start3A_1211 = arith.constant 0 : i32
    %dma_start3A_1212 = tpu.memref_slice %arg4[%add3A_1210, %dma_start3A_1211] : memref<229376x128xf32, #tpu.memory_space<hbm>> -> memref<64x128xf32, #tpu.memory_space<hbm>>
    %dma_start3A_1213 = arith.constant 0 : i32
    %dma_start3A_1214 = tpu.memref_slice %arg4[%add3A_1210, %dma_start3A_1213] : memref<229376x128xf32, #tpu.memory_space<hbm>> -> memref<64x128xf32, #tpu.memory_space<hbm>>
    tpu.enqueue_dma source(%arg7 : memref<64x128xf32, #tpu.memory_space<vmem>>) target(%dma_start3A_1214 : memref<64x128xf32, #tpu.memory_space<hbm>>) target_semaphore(%arg15 : memref<!tpu.dma_semaphore, #tpu.memory_space<semaphore_mem>>)
    %dma_wait3A_1215 = arith.constant 0 : i32
    %dma_wait3A_1216 = arith.constant 0 : i32
    %dma_wait3A_1217 = tpu.memref_slice %arg5[%dma_wait3A_1215, %dma_wait3A_1216] : memref<416x128xf32, #tpu.memory_space<vmem>> -> memref<128x128xf32, #tpu.memory_space<vmem>>
    %dma_wait3A_1218 = arith.constant 0 : i32
    %dma_wait3A_1219 = tpu.memref_slice %arg4[%add3A_1180, %dma_wait3A_1218] : memref<229376x128xf32, #tpu.memory_space<hbm>> -> memref<128x128xf32, #tpu.memory_space<hbm>>
    %dma_wait3A_1220 = arith.constant 0 : i32
    %dma_wait3A_1221 = tpu.memref_slice %arg4[%add3A_1180, %dma_wait3A_1220] : memref<229376x128xf32, #tpu.memory_space<hbm>> -> memref<128x128xf32, #tpu.memory_space<hbm>>
    %dma_wait3A_1222 = arith.constant 0 : i32
    %dma_wait3A_1223 = arith.constant 0 : i32
    %dma_wait3A_1224 = tpu.memref_slice %arg5[%dma_wait3A_1222, %dma_wait3A_1223] : memref<416x128xf32, #tpu.memory_space<vmem>> -> memref<128x128xf32, #tpu.memory_space<vmem>>
    tpu.wait_dma2 semaphore(%arg11 : memref<!tpu.dma_semaphore, #tpu.memory_space<semaphore_mem>>) src(%dma_wait3A_1224 : memref<128x128xf32, #tpu.memory_space<vmem>>) dst(%dma_wait3A_1221 : memref<128x128xf32, #tpu.memory_space<hbm>>)
    %dma_wait3A_1225 = arith.constant 160 : i32
    %dma_wait3A_1226 = arith.constant 0 : i32
    %dma_wait3A_1227 = tpu.memref_slice %arg5[%dma_wait3A_1225, %dma_wait3A_1226] : memref<416x128xf32, #tpu.memory_space<vmem>> -> memref<256x128xf32, #tpu.memory_space<vmem>>
    %dma_wait3A_1228 = arith.constant 0 : i32
    %dma_wait3A_1229 = tpu.memref_slice %arg4[%add3A_1192, %dma_wait3A_1228] : memref<229376x128xf32, #tpu.memory_space<hbm>> -> memref<256x128xf32, #tpu.memory_space<hbm>>
    %dma_wait3A_1230 = arith.constant 0 : i32
    %dma_wait3A_1231 = tpu.memref_slice %arg4[%add3A_1192, %dma_wait3A_1230] : memref<229376x128xf32, #tpu.memory_space<hbm>> -> memref<256x128xf32, #tpu.memory_space<hbm>>
    %dma_wait3A_1232 = arith.constant 160 : i32
    %dma_wait3A_1233 = arith.constant 0 : i32
    %dma_wait3A_1234 = tpu.memref_slice %arg5[%dma_wait3A_1232, %dma_wait3A_1233] : memref<416x128xf32, #tpu.memory_space<vmem>> -> memref<256x128xf32, #tpu.memory_space<vmem>>
    tpu.wait_dma2 semaphore(%arg12 : memref<!tpu.dma_semaphore, #tpu.memory_space<semaphore_mem>>) src(%dma_wait3A_1234 : memref<256x128xf32, #tpu.memory_space<vmem>>) dst(%dma_wait3A_1231 : memref<256x128xf32, #tpu.memory_space<hbm>>)
    %dma_wait3A_1235 = arith.constant 0 : i32
    %dma_wait3A_1236 = tpu.memref_slice %arg4[%add3A_1210, %dma_wait3A_1235] : memref<229376x128xf32, #tpu.memory_space<hbm>> -> memref<64x128xf32, #tpu.memory_space<hbm>>
    %dma_wait3A_1237 = arith.constant 0 : i32
    %dma_wait3A_1238 = tpu.memref_slice %arg4[%add3A_1210, %dma_wait3A_1237] : memref<229376x128xf32, #tpu.memory_space<hbm>> -> memref<64x128xf32, #tpu.memory_space<hbm>>
    tpu.wait_dma2 semaphore(%arg15 : memref<!tpu.dma_semaphore, #tpu.memory_space<semaphore_mem>>) src(%arg7 : memref<64x128xf32, #tpu.memory_space<vmem>>) dst(%dma_wait3A_1238 : memref<64x128xf32, #tpu.memory_space<hbm>>)
    %mul3A_1239 = arith.constant 8 : i32
    %mul3A_1240 = arith.muli %select_n3A, %mul3A_1239 : i32
    %add3A_1241 = arith.constant 7 : i32
    %add3A_1242 = arith.addi %mul3A_1240, %add3A_1241 : i32
    %mul3A_1243 = arith.constant 4 : i32
    %mul3A_1244 = arith.muli %add3A_1242, %mul3A_1243 : i32
    %add3A_1245 = arith.addi %mul3A_1244, %rem3A_1 : i32
    %mul3A_1246 = arith.constant 832 : i32
    %mul3A_1247 = arith.muli %add3A_1245, %mul3A_1246 : i32
    %add3A_1248 = arith.constant 0 : i32
    %add3A_1249 = arith.addi %mul3A_1247, %add3A_1248 : i32
    %dma_start3A_1250 = arith.constant 0 : i32
    %dma_start3A_1251 = tpu.memref_slice %arg2[%add3A_1249, %dma_start3A_1250] : memref<212992x128xf32, #tpu.memory_space<hbm>> -> memref<416x128xf32, #tpu.memory_space<hbm>>
    %dma_start3A_1252 = arith.constant 0 : i32
    %dma_start3A_1253 = tpu.memref_slice %arg2[%add3A_1249, %dma_start3A_1252] : memref<212992x128xf32, #tpu.memory_space<hbm>> -> memref<416x128xf32, #tpu.memory_space<hbm>>
    tpu.enqueue_dma source(%dma_start3A_1253 : memref<416x128xf32, #tpu.memory_space<hbm>>) target(%arg5 : memref<416x128xf32, #tpu.memory_space<vmem>>) target_semaphore(%arg9 : memref<!tpu.dma_semaphore, #tpu.memory_space<semaphore_mem>>)
    %dma_wait3A_1254 = arith.constant 0 : i32
    %dma_wait3A_1255 = tpu.memref_slice %arg2[%add3A_1161, %dma_wait3A_1254] : memref<212992x128xf32, #tpu.memory_space<hbm>> -> memref<416x128xf32, #tpu.memory_space<hbm>>
    %dma_wait3A_1256 = arith.constant 0 : i32
    %dma_wait3A_1257 = tpu.memref_slice %arg2[%add3A_1161, %dma_wait3A_1256] : memref<212992x128xf32, #tpu.memory_space<hbm>> -> memref<416x128xf32, #tpu.memory_space<hbm>>
    tpu.wait_dma2 semaphore(%arg10 : memref<!tpu.dma_semaphore, #tpu.memory_space<semaphore_mem>>) src(%dma_wait3A_1257 : memref<416x128xf32, #tpu.memory_space<hbm>>) dst(%arg6 : memref<416x128xf32, #tpu.memory_space<vmem>>)
    %mul3A_1258 = arith.constant 8 : i32
    %mul3A_1259 = arith.muli %select_n3A, %mul3A_1258 : i32
    %add3A_1260 = arith.constant 6 : i32
    %add3A_1261 = arith.addi %mul3A_1259, %add3A_1260 : i32
    %mul3A_1262 = arith.constant 4 : i32
    %mul3A_1263 = arith.muli %add3A_1261, %mul3A_1262 : i32
    %add3A_1264 = arith.addi %mul3A_1263, %rem3A_1 : i32
    %mul3A_1265 = arith.constant 896 : i32
    %mul3A_1266 = arith.muli %add3A_1264, %mul3A_1265 : i32
    %add3A_1267 = arith.constant 448 : i32
    %add3A_1268 = arith.addi %mul3A_1266, %add3A_1267 : i32
    %dma_start3A_1269 = arith.constant 0 : i32
    %dma_start3A_1270 = arith.constant 0 : i32
    %dma_start3A_1271 = tpu.memref_slice %arg6[%dma_start3A_1269, %dma_start3A_1270] : memref<416x128xf32, #tpu.memory_space<vmem>> -> memref<256x128xf32, #tpu.memory_space<vmem>>
    %dma_start3A_1272 = arith.constant 0 : i32
    %dma_start3A_1273 = tpu.memref_slice %arg4[%add3A_1268, %dma_start3A_1272] : memref<229376x128xf32, #tpu.memory_space<hbm>> -> memref<256x128xf32, #tpu.memory_space<hbm>>
    %dma_start3A_1274 = arith.constant 0 : i32
    %dma_start3A_1275 = tpu.memref_slice %arg4[%add3A_1268, %dma_start3A_1274] : memref<229376x128xf32, #tpu.memory_space<hbm>> -> memref<256x128xf32, #tpu.memory_space<hbm>>
    %dma_start3A_1276 = arith.constant 0 : i32
    %dma_start3A_1277 = arith.constant 0 : i32
    %dma_start3A_1278 = tpu.memref_slice %arg6[%dma_start3A_1276, %dma_start3A_1277] : memref<416x128xf32, #tpu.memory_space<vmem>> -> memref<256x128xf32, #tpu.memory_space<vmem>>
    tpu.enqueue_dma source(%dma_start3A_1278 : memref<256x128xf32, #tpu.memory_space<vmem>>) target(%dma_start3A_1275 : memref<256x128xf32, #tpu.memory_space<hbm>>) target_semaphore(%arg13 : memref<!tpu.dma_semaphore, #tpu.memory_space<semaphore_mem>>)
    %add3A_1279 = arith.constant 768 : i32
    %add3A_1280 = arith.addi %mul3A_1266, %add3A_1279 : i32
    %dma_start3A_1281 = arith.constant 288 : i32
    %dma_start3A_1282 = arith.constant 0 : i32
    %dma_start3A_1283 = tpu.memref_slice %arg6[%dma_start3A_1281, %dma_start3A_1282] : memref<416x128xf32, #tpu.memory_space<vmem>> -> memref<128x128xf32, #tpu.memory_space<vmem>>
    %dma_start3A_1284 = arith.constant 0 : i32
    %dma_start3A_1285 = tpu.memref_slice %arg4[%add3A_1280, %dma_start3A_1284] : memref<229376x128xf32, #tpu.memory_space<hbm>> -> memref<128x128xf32, #tpu.memory_space<hbm>>
    %dma_start3A_1286 = arith.constant 0 : i32
    %dma_start3A_1287 = tpu.memref_slice %arg4[%add3A_1280, %dma_start3A_1286] : memref<229376x128xf32, #tpu.memory_space<hbm>> -> memref<128x128xf32, #tpu.memory_space<hbm>>
    %dma_start3A_1288 = arith.constant 288 : i32
    %dma_start3A_1289 = arith.constant 0 : i32
    %dma_start3A_1290 = tpu.memref_slice %arg6[%dma_start3A_1288, %dma_start3A_1289] : memref<416x128xf32, #tpu.memory_space<vmem>> -> memref<128x128xf32, #tpu.memory_space<vmem>>
    tpu.enqueue_dma source(%dma_start3A_1290 : memref<128x128xf32, #tpu.memory_space<vmem>>) target(%dma_start3A_1287 : memref<128x128xf32, #tpu.memory_space<hbm>>) target_semaphore(%arg14 : memref<!tpu.dma_semaphore, #tpu.memory_space<semaphore_mem>>)
    %scan3A_1291 = arith.constant 0 : i32
    %scan3A_1292 = arith.constant 0 : i32
    %scan3A_1293 = arith.constant 256 : i32
    %scan3A_1294 = arith.addi %scan3A_1292, %scan3A_1293 : i32
    %scan3A_1295 = arith.constant 1 : i32
    scf.for %scan3A_1488 = %scan3A_1292 to %scan3A_1294 step %scan3A_1295  : i32 {
      %shift_right_arithmetic3A = arith.constant 3 : i32
      %shift_right_arithmetic3A_1489 = arith.shrsi %scan3A_1488, %shift_right_arithmetic3A : i32
      %and3A_1490 = arith.constant 7 : i32
      %and3A_1491 = arith.andi %scan3A_1488, %and3A_1490 : i32
      %shift_right_arithmetic3A_1492 = arith.constant 1 : i32
      %shift_right_arithmetic3A_1493 = arith.shrsi %shift_right_arithmetic3A_1489, %shift_right_arithmetic3A_1492 : i32
      %and3A_1494 = arith.constant 1 : i32
      %and3A_1495 = arith.andi %shift_right_arithmetic3A_1489, %and3A_1494 : i32
      %mul3A_1496 = arith.constant 2 : i32
      %mul3A_1497 = arith.muli %mul3A_1496, %shift_right_arithmetic3A_1493 : i32
      %shift_right_arithmetic3A_1498 = arith.constant 2 : i32
      %shift_right_arithmetic3A_1499 = arith.shrsi %and3A_1491, %shift_right_arithmetic3A_1498 : i32
      %add3A_1500 = arith.addi %mul3A_1497, %shift_right_arithmetic3A_1499 : i32
      %mul3A_1501 = arith.constant 2 : i32
      %mul3A_1502 = arith.muli %add3A_1500, %mul3A_1501 : i32
      %add3A_1503 = arith.addi %mul3A_1502, %and3A_1495 : i32
      %add3A_1504 = arith.constant 256 : i32
      %add3A_1505 = arith.addi %add3A_1504, %shift_right_arithmetic3A_1489 : i32
      %mul3A_1506 = arith.constant 16 : i32
      %mul3A_1507 = arith.muli %mul3A_1506, %and3A_1491 : i32
      %get3A = arith.index_cast %add3A_1505 : i32 to index
      %get3A_1508 = arith.index_cast %mul3A_1507 : i32 to index
      %get3A_1509 = tpu.vector_load %arg6[%get3A, %get3A_1508] {strides = array<i32>} : memref<416x128xf32, #tpu.memory_space<vmem>>, vector<16xf32>,
      %broadcast_in_dim3A = vector.broadcast %add3A_1503 : i32 to vector<16xi32>
      %and3A_1510 = arith.constant 3 : i32
      %and3A_1511 = arith.andi %and3A_1491, %and3A_1510 : i32
      %mul3A_1512 = arith.constant 32 : i32
      %mul3A_1513 = arith.muli %mul3A_1512, %and3A_1511 : i32
      %mul3A_1514 = arith.constant 2 : i32
      %mul3A_1515 = vector.broadcast %mul3A_1514 : i32 to vector<16xi32>
      %mul3A_1516 = arith.muli %mul3A_1515, %iota3A : vector<16xi32>
      %add3A_1517 = vector.broadcast %mul3A_1513 : i32 to vector<16xi32>
      %add3A_1518 = arith.addi %add3A_1517, %mul3A_1516 : vector<16xi32>
      %add3A_1519 = arith.constant 1 : i32
      %add3A_1520 = vector.broadcast %add3A_1519 : i32 to vector<16xi32>
      %add3A_1521 = arith.addi %add3A_1518, %add3A_1520 : vector<16xi32>
      tpu.vector_store_idx %arg8[%broadcast_in_dim3A, %add3A_1521], %get3A_1509 : memref<64x128xf32, #tpu.memory_space<vmem>>[vector<16xi32>, vector<16xi32>], vector<16xf32>,
    }
    %scan3A_1296 = arith.constant 256 : i32
    %add3A_1297 = arith.constant 704 : i32
    %add3A_1298 = arith.addi %mul3A_1266, %add3A_1297 : i32
    %dma_start3A_1299 = arith.constant 0 : i32
    %dma_start3A_1300 = tpu.memref_slice %arg4[%add3A_1298, %dma_start3A_1299] : memref<229376x128xf32, #tpu.memory_space<hbm>> -> memref<64x128xf32, #tpu.memory_space<hbm>>
    %dma_start3A_1301 = arith.constant 0 : i32
    %dma_start3A_1302 = tpu.memref_slice %arg4[%add3A_1298, %dma_start3A_1301] : memref<229376x128xf32, #tpu.memory_space<hbm>> -> memref<64x128xf32, #tpu.memory_space<hbm>>
    tpu.enqueue_dma source(%arg8 : memref<64x128xf32, #tpu.memory_space<vmem>>) target(%dma_start3A_1302 : memref<64x128xf32, #tpu.memory_space<hbm>>) target_semaphore(%arg16 : memref<!tpu.dma_semaphore, #tpu.memory_space<semaphore_mem>>)
    %dma_wait3A_1303 = arith.constant 0 : i32
    %dma_wait3A_1304 = arith.constant 0 : i32
    %dma_wait3A_1305 = tpu.memref_slice %arg6[%dma_wait3A_1303, %dma_wait3A_1304] : memref<416x128xf32, #tpu.memory_space<vmem>> -> memref<256x128xf32, #tpu.memory_space<vmem>>
    %dma_wait3A_1306 = arith.constant 0 : i32
    %dma_wait3A_1307 = tpu.memref_slice %arg4[%add3A_1268, %dma_wait3A_1306] : memref<229376x128xf32, #tpu.memory_space<hbm>> -> memref<256x128xf32, #tpu.memory_space<hbm>>
    %dma_wait3A_1308 = arith.constant 0 : i32
    %dma_wait3A_1309 = tpu.memref_slice %arg4[%add3A_1268, %dma_wait3A_1308] : memref<229376x128xf32, #tpu.memory_space<hbm>> -> memref<256x128xf32, #tpu.memory_space<hbm>>
    %dma_wait3A_1310 = arith.constant 0 : i32
    %dma_wait3A_1311 = arith.constant 0 : i32
    %dma_wait3A_1312 = tpu.memref_slice %arg6[%dma_wait3A_1310, %dma_wait3A_1311] : memref<416x128xf32, #tpu.memory_space<vmem>> -> memref<256x128xf32, #tpu.memory_space<vmem>>
    tpu.wait_dma2 semaphore(%arg13 : memref<!tpu.dma_semaphore, #tpu.memory_space<semaphore_mem>>) src(%dma_wait3A_1312 : memref<256x128xf32, #tpu.memory_space<vmem>>) dst(%dma_wait3A_1309 : memref<256x128xf32, #tpu.memory_space<hbm>>)
    %dma_wait3A_1313 = arith.constant 288 : i32
    %dma_wait3A_1314 = arith.constant 0 : i32
    %dma_wait3A_1315 = tpu.memref_slice %arg6[%dma_wait3A_1313, %dma_wait3A_1314] : memref<416x128xf32, #tpu.memory_space<vmem>> -> memref<128x128xf32, #tpu.memory_space<vmem>>
    %dma_wait3A_1316 = arith.constant 0 : i32
    %dma_wait3A_1317 = tpu.memref_slice %arg4[%add3A_1280, %dma_wait3A_1316] : memref<229376x128xf32, #tpu.memory_space<hbm>> -> memref<128x128xf32, #tpu.memory_space<hbm>>
    %dma_wait3A_1318 = arith.constant 0 : i32
    %dma_wait3A_1319 = tpu.memref_slice %arg4[%add3A_1280, %dma_wait3A_1318] : memref<229376x128xf32, #tpu.memory_space<hbm>> -> memref<128x128xf32, #tpu.memory_space<hbm>>
    %dma_wait3A_1320 = arith.constant 288 : i32
    %dma_wait3A_1321 = arith.constant 0 : i32
    %dma_wait3A_1322 = tpu.memref_slice %arg6[%dma_wait3A_1320, %dma_wait3A_1321] : memref<416x128xf32, #tpu.memory_space<vmem>> -> memref<128x128xf32, #tpu.memory_space<vmem>>
    tpu.wait_dma2 semaphore(%arg14 : memref<!tpu.dma_semaphore, #tpu.memory_space<semaphore_mem>>) src(%dma_wait3A_1322 : memref<128x128xf32, #tpu.memory_space<vmem>>) dst(%dma_wait3A_1319 : memref<128x128xf32, #tpu.memory_space<hbm>>)
    %dma_wait3A_1323 = arith.constant 0 : i32
    %dma_wait3A_1324 = tpu.memref_slice %arg4[%add3A_1298, %dma_wait3A_1323] : memref<229376x128xf32, #tpu.memory_space<hbm>> -> memref<64x128xf32, #tpu.memory_space<hbm>>
    %dma_wait3A_1325 = arith.constant 0 : i32
    %dma_wait3A_1326 = tpu.memref_slice %arg4[%add3A_1298, %dma_wait3A_1325] : memref<229376x128xf32, #tpu.memory_space<hbm>> -> memref<64x128xf32, #tpu.memory_space<hbm>>
    tpu.wait_dma2 semaphore(%arg16 : memref<!tpu.dma_semaphore, #tpu.memory_space<semaphore_mem>>) src(%arg8 : memref<64x128xf32, #tpu.memory_space<vmem>>) dst(%dma_wait3A_1326 : memref<64x128xf32, #tpu.memory_space<hbm>>)
    %mul3A_1327 = arith.constant 8 : i32
    %mul3A_1328 = arith.muli %select_n3A, %mul3A_1327 : i32
    %add3A_1329 = arith.constant 7 : i32
    %add3A_1330 = arith.addi %mul3A_1328, %add3A_1329 : i32
    %mul3A_1331 = arith.constant 4 : i32
    %mul3A_1332 = arith.muli %add3A_1330, %mul3A_1331 : i32
    %add3A_1333 = arith.addi %mul3A_1332, %rem3A_1 : i32
    %mul3A_1334 = arith.constant 832 : i32
    %mul3A_1335 = arith.muli %add3A_1333, %mul3A_1334 : i32
    %add3A_1336 = arith.constant 416 : i32
    %add3A_1337 = arith.addi %mul3A_1335, %add3A_1336 : i32
    %dma_start3A_1338 = arith.constant 0 : i32
    %dma_start3A_1339 = tpu.memref_slice %arg2[%add3A_1337, %dma_start3A_1338] : memref<212992x128xf32, #tpu.memory_space<hbm>> -> memref<416x128xf32, #tpu.memory_space<hbm>>
    %dma_start3A_1340 = arith.constant 0 : i32
    %dma_start3A_1341 = tpu.memref_slice %arg2[%add3A_1337, %dma_start3A_1340] : memref<212992x128xf32, #tpu.memory_space<hbm>> -> memref<416x128xf32, #tpu.memory_space<hbm>>
    tpu.enqueue_dma source(%dma_start3A_1341 : memref<416x128xf32, #tpu.memory_space<hbm>>) target(%arg6 : memref<416x128xf32, #tpu.memory_space<vmem>>) target_semaphore(%arg10 : memref<!tpu.dma_semaphore, #tpu.memory_space<semaphore_mem>>)
    %dma_wait3A_1342 = arith.constant 0 : i32
    %dma_wait3A_1343 = tpu.memref_slice %arg2[%add3A_1249, %dma_wait3A_1342] : memref<212992x128xf32, #tpu.memory_space<hbm>> -> memref<416x128xf32, #tpu.memory_space<hbm>>
    %dma_wait3A_1344 = arith.constant 0 : i32
    %dma_wait3A_1345 = tpu.memref_slice %arg2[%add3A_1249, %dma_wait3A_1344] : memref<212992x128xf32, #tpu.memory_space<hbm>> -> memref<416x128xf32, #tpu.memory_space<hbm>>
    tpu.wait_dma2 semaphore(%arg9 : memref<!tpu.dma_semaphore, #tpu.memory_space<semaphore_mem>>) src(%dma_wait3A_1345 : memref<416x128xf32, #tpu.memory_space<hbm>>) dst(%arg5 : memref<416x128xf32, #tpu.memory_space<vmem>>)
    %mul3A_1346 = arith.constant 8 : i32
    %mul3A_1347 = arith.muli %select_n3A, %mul3A_1346 : i32
    %add3A_1348 = arith.constant 7 : i32
    %add3A_1349 = arith.addi %mul3A_1347, %add3A_1348 : i32
    %mul3A_1350 = arith.constant 4 : i32
    %mul3A_1351 = arith.muli %add3A_1349, %mul3A_1350 : i32
    %add3A_1352 = arith.addi %mul3A_1351, %rem3A_1 : i32
    %mul3A_1353 = arith.constant 896 : i32
    %mul3A_1354 = arith.muli %add3A_1352, %mul3A_1353 : i32
    %add3A_1355 = arith.constant 0 : i32
    %add3A_1356 = arith.addi %mul3A_1354, %add3A_1355 : i32
    %dma_start3A_1357 = arith.constant 0 : i32
    %dma_start3A_1358 = arith.constant 0 : i32
    %dma_start3A_1359 = tpu.memref_slice %arg5[%dma_start3A_1357, %dma_start3A_1358] : memref<416x128xf32, #tpu.memory_space<vmem>> -> memref<128x128xf32, #tpu.memory_space<vmem>>
    %dma_start3A_1360 = arith.constant 0 : i32
    %dma_start3A_1361 = tpu.memref_slice %arg4[%add3A_1356, %dma_start3A_1360] : memref<229376x128xf32, #tpu.memory_space<hbm>> -> memref<128x128xf32, #tpu.memory_space<hbm>>
    %dma_start3A_1362 = arith.constant 0 : i32
    %dma_start3A_1363 = tpu.memref_slice %arg4[%add3A_1356, %dma_start3A_1362] : memref<229376x128xf32, #tpu.memory_space<hbm>> -> memref<128x128xf32, #tpu.memory_space<hbm>>
    %dma_start3A_1364 = arith.constant 0 : i32
    %dma_start3A_1365 = arith.constant 0 : i32
    %dma_start3A_1366 = tpu.memref_slice %arg5[%dma_start3A_1364, %dma_start3A_1365] : memref<416x128xf32, #tpu.memory_space<vmem>> -> memref<128x128xf32, #tpu.memory_space<vmem>>
    tpu.enqueue_dma source(%dma_start3A_1366 : memref<128x128xf32, #tpu.memory_space<vmem>>) target(%dma_start3A_1363 : memref<128x128xf32, #tpu.memory_space<hbm>>) target_semaphore(%arg11 : memref<!tpu.dma_semaphore, #tpu.memory_space<semaphore_mem>>)
    %add3A_1367 = arith.constant 192 : i32
    %add3A_1368 = arith.addi %mul3A_1354, %add3A_1367 : i32
    %dma_start3A_1369 = arith.constant 160 : i32
    %dma_start3A_1370 = arith.constant 0 : i32
    %dma_start3A_1371 = tpu.memref_slice %arg5[%dma_start3A_1369, %dma_start3A_1370] : memref<416x128xf32, #tpu.memory_space<vmem>> -> memref<256x128xf32, #tpu.memory_space<vmem>>
    %dma_start3A_1372 = arith.constant 0 : i32
    %dma_start3A_1373 = tpu.memref_slice %arg4[%add3A_1368, %dma_start3A_1372] : memref<229376x128xf32, #tpu.memory_space<hbm>> -> memref<256x128xf32, #tpu.memory_space<hbm>>
    %dma_start3A_1374 = arith.constant 0 : i32
    %dma_start3A_1375 = tpu.memref_slice %arg4[%add3A_1368, %dma_start3A_1374] : memref<229376x128xf32, #tpu.memory_space<hbm>> -> memref<256x128xf32, #tpu.memory_space<hbm>>
    %dma_start3A_1376 = arith.constant 160 : i32
    %dma_start3A_1377 = arith.constant 0 : i32
    %dma_start3A_1378 = tpu.memref_slice %arg5[%dma_start3A_1376, %dma_start3A_1377] : memref<416x128xf32, #tpu.memory_space<vmem>> -> memref<256x128xf32, #tpu.memory_space<vmem>>
    tpu.enqueue_dma source(%dma_start3A_1378 : memref<256x128xf32, #tpu.memory_space<vmem>>) target(%dma_start3A_1375 : memref<256x128xf32, #tpu.memory_space<hbm>>) target_semaphore(%arg12 : memref<!tpu.dma_semaphore, #tpu.memory_space<semaphore_mem>>)
    %scan3A_1379 = arith.constant 0 : i32
    %scan3A_1380 = arith.constant 0 : i32
    %scan3A_1381 = arith.constant 256 : i32
    %scan3A_1382 = arith.addi %scan3A_1380, %scan3A_1381 : i32
    %scan3A_1383 = arith.constant 1 : i32
    scf.for %scan3A_1488 = %scan3A_1380 to %scan3A_1382 step %scan3A_1383  : i32 {
      %shift_right_arithmetic3A = arith.constant 3 : i32
      %shift_right_arithmetic3A_1489 = arith.shrsi %scan3A_1488, %shift_right_arithmetic3A : i32
      %and3A_1490 = arith.constant 7 : i32
      %and3A_1491 = arith.andi %scan3A_1488, %and3A_1490 : i32
      %shift_right_arithmetic3A_1492 = arith.constant 1 : i32
      %shift_right_arithmetic3A_1493 = arith.shrsi %shift_right_arithmetic3A_1489, %shift_right_arithmetic3A_1492 : i32
      %and3A_1494 = arith.constant 1 : i32
      %and3A_1495 = arith.andi %shift_right_arithmetic3A_1489, %and3A_1494 : i32
      %mul3A_1496 = arith.constant 2 : i32
      %mul3A_1497 = arith.muli %mul3A_1496, %shift_right_arithmetic3A_1493 : i32
      %shift_right_arithmetic3A_1498 = arith.constant 2 : i32
      %shift_right_arithmetic3A_1499 = arith.shrsi %and3A_1491, %shift_right_arithmetic3A_1498 : i32
      %add3A_1500 = arith.addi %mul3A_1497, %shift_right_arithmetic3A_1499 : i32
      %mul3A_1501 = arith.constant 2 : i32
      %mul3A_1502 = arith.muli %add3A_1500, %mul3A_1501 : i32
      %add3A_1503 = arith.addi %mul3A_1502, %and3A_1495 : i32
      %add3A_1504 = arith.constant 128 : i32
      %add3A_1505 = arith.addi %add3A_1504, %shift_right_arithmetic3A_1489 : i32
      %mul3A_1506 = arith.constant 16 : i32
      %mul3A_1507 = arith.muli %mul3A_1506, %and3A_1491 : i32
      %get3A = arith.index_cast %add3A_1505 : i32 to index
      %get3A_1508 = arith.index_cast %mul3A_1507 : i32 to index
      %get3A_1509 = tpu.vector_load %arg5[%get3A, %get3A_1508] {strides = array<i32>} : memref<416x128xf32, #tpu.memory_space<vmem>>, vector<16xf32>,
      %broadcast_in_dim3A = vector.broadcast %add3A_1503 : i32 to vector<16xi32>
      %and3A_1510 = arith.constant 3 : i32
      %and3A_1511 = arith.andi %and3A_1491, %and3A_1510 : i32
      %mul3A_1512 = arith.constant 32 : i32
      %mul3A_1513 = arith.muli %mul3A_1512, %and3A_1511 : i32
      %mul3A_1514 = arith.constant 2 : i32
      %mul3A_1515 = vector.broadcast %mul3A_1514 : i32 to vector<16xi32>
      %mul3A_1516 = arith.muli %mul3A_1515, %iota3A : vector<16xi32>
      %add3A_1517 = vector.broadcast %mul3A_1513 : i32 to vector<16xi32>
      %add3A_1518 = arith.addi %add3A_1517, %mul3A_1516 : vector<16xi32>
      %add3A_1519 = arith.constant 1 : i32
      %add3A_1520 = vector.broadcast %add3A_1519 : i32 to vector<16xi32>
      %add3A_1521 = arith.addi %add3A_1518, %add3A_1520 : vector<16xi32>
      tpu.vector_store_idx %arg7[%broadcast_in_dim3A, %add3A_1521], %get3A_1509 : memref<64x128xf32, #tpu.memory_space<vmem>>[vector<16xi32>, vector<16xi32>], vector<16xf32>,
    }
    %scan3A_1384 = arith.constant 256 : i32
    %add3A_1385 = arith.constant 128 : i32
    %add3A_1386 = arith.addi %mul3A_1354, %add3A_1385 : i32
    %dma_start3A_1387 = arith.constant 0 : i32
    %dma_start3A_1388 = tpu.memref_slice %arg4[%add3A_1386, %dma_start3A_1387] : memref<229376x128xf32, #tpu.memory_space<hbm>> -> memref<64x128xf32, #tpu.memory_space<hbm>>
    %dma_start3A_1389 = arith.constant 0 : i32
    %dma_start3A_1390 = tpu.memref_slice %arg4[%add3A_1386, %dma_start3A_1389] : memref<229376x128xf32, #tpu.memory_space<hbm>> -> memref<64x128xf32, #tpu.memory_space<hbm>>
    tpu.enqueue_dma source(%arg7 : memref<64x128xf32, #tpu.memory_space<vmem>>) target(%dma_start3A_1390 : memref<64x128xf32, #tpu.memory_space<hbm>>) target_semaphore(%arg15 : memref<!tpu.dma_semaphore, #tpu.memory_space<semaphore_mem>>)
    %dma_wait3A_1391 = arith.constant 0 : i32
    %dma_wait3A_1392 = tpu.memref_slice %arg2[%add3A_1337, %dma_wait3A_1391] : memref<212992x128xf32, #tpu.memory_space<hbm>> -> memref<416x128xf32, #tpu.memory_space<hbm>>
    %dma_wait3A_1393 = arith.constant 0 : i32
    %dma_wait3A_1394 = tpu.memref_slice %arg2[%add3A_1337, %dma_wait3A_1393] : memref<212992x128xf32, #tpu.memory_space<hbm>> -> memref<416x128xf32, #tpu.memory_space<hbm>>
    tpu.wait_dma2 semaphore(%arg10 : memref<!tpu.dma_semaphore, #tpu.memory_space<semaphore_mem>>) src(%dma_wait3A_1394 : memref<416x128xf32, #tpu.memory_space<hbm>>) dst(%arg6 : memref<416x128xf32, #tpu.memory_space<vmem>>)
    %mul3A_1395 = arith.constant 8 : i32
    %mul3A_1396 = arith.muli %select_n3A, %mul3A_1395 : i32
    %add3A_1397 = arith.constant 7 : i32
    %add3A_1398 = arith.addi %mul3A_1396, %add3A_1397 : i32
    %mul3A_1399 = arith.constant 4 : i32
    %mul3A_1400 = arith.muli %add3A_1398, %mul3A_1399 : i32
    %add3A_1401 = arith.addi %mul3A_1400, %rem3A_1 : i32
    %mul3A_1402 = arith.constant 896 : i32
    %mul3A_1403 = arith.muli %add3A_1401, %mul3A_1402 : i32
    %add3A_1404 = arith.constant 448 : i32
    %add3A_1405 = arith.addi %mul3A_1403, %add3A_1404 : i32
    %dma_start3A_1406 = arith.constant 0 : i32
    %dma_start3A_1407 = arith.constant 0 : i32
    %dma_start3A_1408 = tpu.memref_slice %arg6[%dma_start3A_1406, %dma_start3A_1407] : memref<416x128xf32, #tpu.memory_space<vmem>> -> memref<256x128xf32, #tpu.memory_space<vmem>>
    %dma_start3A_1409 = arith.constant 0 : i32
    %dma_start3A_1410 = tpu.memref_slice %arg4[%add3A_1405, %dma_start3A_1409] : memref<229376x128xf32, #tpu.memory_space<hbm>> -> memref<256x128xf32, #tpu.memory_space<hbm>>
    %dma_start3A_1411 = arith.constant 0 : i32
    %dma_start3A_1412 = tpu.memref_slice %arg4[%add3A_1405, %dma_start3A_1411] : memref<229376x128xf32, #tpu.memory_space<hbm>> -> memref<256x128xf32, #tpu.memory_space<hbm>>
    %dma_start3A_1413 = arith.constant 0 : i32
    %dma_start3A_1414 = arith.constant 0 : i32
    %dma_start3A_1415 = tpu.memref_slice %arg6[%dma_start3A_1413, %dma_start3A_1414] : memref<416x128xf32, #tpu.memory_space<vmem>> -> memref<256x128xf32, #tpu.memory_space<vmem>>
    tpu.enqueue_dma source(%dma_start3A_1415 : memref<256x128xf32, #tpu.memory_space<vmem>>) target(%dma_start3A_1412 : memref<256x128xf32, #tpu.memory_space<hbm>>) target_semaphore(%arg13 : memref<!tpu.dma_semaphore, #tpu.memory_space<semaphore_mem>>)
    %add3A_1416 = arith.constant 768 : i32
    %add3A_1417 = arith.addi %mul3A_1403, %add3A_1416 : i32
    %dma_start3A_1418 = arith.constant 288 : i32
    %dma_start3A_1419 = arith.constant 0 : i32
    %dma_start3A_1420 = tpu.memref_slice %arg6[%dma_start3A_1418, %dma_start3A_1419] : memref<416x128xf32, #tpu.memory_space<vmem>> -> memref<128x128xf32, #tpu.memory_space<vmem>>
    %dma_start3A_1421 = arith.constant 0 : i32
    %dma_start3A_1422 = tpu.memref_slice %arg4[%add3A_1417, %dma_start3A_1421] : memref<229376x128xf32, #tpu.memory_space<hbm>> -> memref<128x128xf32, #tpu.memory_space<hbm>>
    %dma_start3A_1423 = arith.constant 0 : i32
    %dma_start3A_1424 = tpu.memref_slice %arg4[%add3A_1417, %dma_start3A_1423] : memref<229376x128xf32, #tpu.memory_space<hbm>> -> memref<128x128xf32, #tpu.memory_space<hbm>>
    %dma_start3A_1425 = arith.constant 288 : i32
    %dma_start3A_1426 = arith.constant 0 : i32
    %dma_start3A_1427 = tpu.memref_slice %arg6[%dma_start3A_1425, %dma_start3A_1426] : memref<416x128xf32, #tpu.memory_space<vmem>> -> memref<128x128xf32, #tpu.memory_space<vmem>>
    tpu.enqueue_dma source(%dma_start3A_1427 : memref<128x128xf32, #tpu.memory_space<vmem>>) target(%dma_start3A_1424 : memref<128x128xf32, #tpu.memory_space<hbm>>) target_semaphore(%arg14 : memref<!tpu.dma_semaphore, #tpu.memory_space<semaphore_mem>>)
    %scan3A_1428 = arith.constant 0 : i32
    %scan3A_1429 = arith.constant 0 : i32
    %scan3A_1430 = arith.constant 256 : i32
    %scan3A_1431 = arith.addi %scan3A_1429, %scan3A_1430 : i32
    %scan3A_1432 = arith.constant 1 : i32
    scf.for %scan3A_1488 = %scan3A_1429 to %scan3A_1431 step %scan3A_1432  : i32 {
      %shift_right_arithmetic3A = arith.constant 3 : i32
      %shift_right_arithmetic3A_1489 = arith.shrsi %scan3A_1488, %shift_right_arithmetic3A : i32
      %and3A_1490 = arith.constant 7 : i32
      %and3A_1491 = arith.andi %scan3A_1488, %and3A_1490 : i32
      %shift_right_arithmetic3A_1492 = arith.constant 1 : i32
      %shift_right_arithmetic3A_1493 = arith.shrsi %shift_right_arithmetic3A_1489, %shift_right_arithmetic3A_1492 : i32
      %and3A_1494 = arith.constant 1 : i32
      %and3A_1495 = arith.andi %shift_right_arithmetic3A_1489, %and3A_1494 : i32
      %mul3A_1496 = arith.constant 2 : i32
      %mul3A_1497 = arith.muli %mul3A_1496, %shift_right_arithmetic3A_1493 : i32
      %shift_right_arithmetic3A_1498 = arith.constant 2 : i32
      %shift_right_arithmetic3A_1499 = arith.shrsi %and3A_1491, %shift_right_arithmetic3A_1498 : i32
      %add3A_1500 = arith.addi %mul3A_1497, %shift_right_arithmetic3A_1499 : i32
      %mul3A_1501 = arith.constant 2 : i32
      %mul3A_1502 = arith.muli %add3A_1500, %mul3A_1501 : i32
      %add3A_1503 = arith.addi %mul3A_1502, %and3A_1495 : i32
      %add3A_1504 = arith.constant 256 : i32
      %add3A_1505 = arith.addi %add3A_1504, %shift_right_arithmetic3A_1489 : i32
      %mul3A_1506 = arith.constant 16 : i32
      %mul3A_1507 = arith.muli %mul3A_1506, %and3A_1491 : i32
      %get3A = arith.index_cast %add3A_1505 : i32 to index
      %get3A_1508 = arith.index_cast %mul3A_1507 : i32 to index
      %get3A_1509 = tpu.vector_load %arg6[%get3A, %get3A_1508] {strides = array<i32>} : memref<416x128xf32, #tpu.memory_space<vmem>>, vector<16xf32>,
      %broadcast_in_dim3A = vector.broadcast %add3A_1503 : i32 to vector<16xi32>
      %and3A_1510 = arith.constant 3 : i32
      %and3A_1511 = arith.andi %and3A_1491, %and3A_1510 : i32
      %mul3A_1512 = arith.constant 32 : i32
      %mul3A_1513 = arith.muli %mul3A_1512, %and3A_1511 : i32
      %mul3A_1514 = arith.constant 2 : i32
      %mul3A_1515 = vector.broadcast %mul3A_1514 : i32 to vector<16xi32>
      %mul3A_1516 = arith.muli %mul3A_1515, %iota3A : vector<16xi32>
      %add3A_1517 = vector.broadcast %mul3A_1513 : i32 to vector<16xi32>
      %add3A_1518 = arith.addi %add3A_1517, %mul3A_1516 : vector<16xi32>
      %add3A_1519 = arith.constant 1 : i32
      %add3A_1520 = vector.broadcast %add3A_1519 : i32 to vector<16xi32>
      %add3A_1521 = arith.addi %add3A_1518, %add3A_1520 : vector<16xi32>
      tpu.vector_store_idx %arg8[%broadcast_in_dim3A, %add3A_1521], %get3A_1509 : memref<64x128xf32, #tpu.memory_space<vmem>>[vector<16xi32>, vector<16xi32>], vector<16xf32>,
    }
    %scan3A_1433 = arith.constant 256 : i32
    %add3A_1434 = arith.constant 704 : i32
    %add3A_1435 = arith.addi %mul3A_1403, %add3A_1434 : i32
    %dma_start3A_1436 = arith.constant 0 : i32
    %dma_start3A_1437 = tpu.memref_slice %arg4[%add3A_1435, %dma_start3A_1436] : memref<229376x128xf32, #tpu.memory_space<hbm>> -> memref<64x128xf32, #tpu.memory_space<hbm>>
    %dma_start3A_1438 = arith.constant 0 : i32
    %dma_start3A_1439 = tpu.memref_slice %arg4[%add3A_1435, %dma_start3A_1438] : memref<229376x128xf32, #tpu.memory_space<hbm>> -> memref<64x128xf32, #tpu.memory_space<hbm>>
    tpu.enqueue_dma source(%arg8 : memref<64x128xf32, #tpu.memory_space<vmem>>) target(%dma_start3A_1439 : memref<64x128xf32, #tpu.memory_space<hbm>>) target_semaphore(%arg16 : memref<!tpu.dma_semaphore, #tpu.memory_space<semaphore_mem>>)
    %dma_wait3A_1440 = arith.constant 0 : i32
    %dma_wait3A_1441 = arith.constant 0 : i32
    %dma_wait3A_1442 = tpu.memref_slice %arg5[%dma_wait3A_1440, %dma_wait3A_1441] : memref<416x128xf32, #tpu.memory_space<vmem>> -> memref<128x128xf32, #tpu.memory_space<vmem>>
    %dma_wait3A_1443 = arith.constant 0 : i32
    %dma_wait3A_1444 = tpu.memref_slice %arg4[%add3A_1356, %dma_wait3A_1443] : memref<229376x128xf32, #tpu.memory_space<hbm>> -> memref<128x128xf32, #tpu.memory_space<hbm>>
    %dma_wait3A_1445 = arith.constant 0 : i32
    %dma_wait3A_1446 = tpu.memref_slice %arg4[%add3A_1356, %dma_wait3A_1445] : memref<229376x128xf32, #tpu.memory_space<hbm>> -> memref<128x128xf32, #tpu.memory_space<hbm>>
    %dma_wait3A_1447 = arith.constant 0 : i32
    %dma_wait3A_1448 = arith.constant 0 : i32
    %dma_wait3A_1449 = tpu.memref_slice %arg5[%dma_wait3A_1447, %dma_wait3A_1448] : memref<416x128xf32, #tpu.memory_space<vmem>> -> memref<128x128xf32, #tpu.memory_space<vmem>>
    tpu.wait_dma2 semaphore(%arg11 : memref<!tpu.dma_semaphore, #tpu.memory_space<semaphore_mem>>) src(%dma_wait3A_1449 : memref<128x128xf32, #tpu.memory_space<vmem>>) dst(%dma_wait3A_1446 : memref<128x128xf32, #tpu.memory_space<hbm>>)
    %dma_wait3A_1450 = arith.constant 160 : i32
    %dma_wait3A_1451 = arith.constant 0 : i32
    %dma_wait3A_1452 = tpu.memref_slice %arg5[%dma_wait3A_1450, %dma_wait3A_1451] : memref<416x128xf32, #tpu.memory_space<vmem>> -> memref<256x128xf32, #tpu.memory_space<vmem>>
    %dma_wait3A_1453 = arith.constant 0 : i32
    %dma_wait3A_1454 = tpu.memref_slice %arg4[%add3A_1368, %dma_wait3A_1453] : memref<229376x128xf32, #tpu.memory_space<hbm>> -> memref<256x128xf32, #tpu.memory_space<hbm>>
    %dma_wait3A_1455 = arith.constant 0 : i32
    %dma_wait3A_1456 = tpu.memref_slice %arg4[%add3A_1368, %dma_wait3A_1455] : memref<229376x128xf32, #tpu.memory_space<hbm>> -> memref<256x128xf32, #tpu.memory_space<hbm>>
    %dma_wait3A_1457 = arith.constant 160 : i32
    %dma_wait3A_1458 = arith.constant 0 : i32
    %dma_wait3A_1459 = tpu.memref_slice %arg5[%dma_wait3A_1457, %dma_wait3A_1458] : memref<416x128xf32, #tpu.memory_space<vmem>> -> memref<256x128xf32, #tpu.memory_space<vmem>>
    tpu.wait_dma2 semaphore(%arg12 : memref<!tpu.dma_semaphore, #tpu.memory_space<semaphore_mem>>) src(%dma_wait3A_1459 : memref<256x128xf32, #tpu.memory_space<vmem>>) dst(%dma_wait3A_1456 : memref<256x128xf32, #tpu.memory_space<hbm>>)
    %dma_wait3A_1460 = arith.constant 0 : i32
    %dma_wait3A_1461 = tpu.memref_slice %arg4[%add3A_1386, %dma_wait3A_1460] : memref<229376x128xf32, #tpu.memory_space<hbm>> -> memref<64x128xf32, #tpu.memory_space<hbm>>
    %dma_wait3A_1462 = arith.constant 0 : i32
    %dma_wait3A_1463 = tpu.memref_slice %arg4[%add3A_1386, %dma_wait3A_1462] : memref<229376x128xf32, #tpu.memory_space<hbm>> -> memref<64x128xf32, #tpu.memory_space<hbm>>
    tpu.wait_dma2 semaphore(%arg15 : memref<!tpu.dma_semaphore, #tpu.memory_space<semaphore_mem>>) src(%arg7 : memref<64x128xf32, #tpu.memory_space<vmem>>) dst(%dma_wait3A_1463 : memref<64x128xf32, #tpu.memory_space<hbm>>)
    %dma_wait3A_1464 = arith.constant 0 : i32
    %dma_wait3A_1465 = arith.constant 0 : i32
    %dma_wait3A_1466 = tpu.memref_slice %arg6[%dma_wait3A_1464, %dma_wait3A_1465] : memref<416x128xf32, #tpu.memory_space<vmem>> -> memref<256x128xf32, #tpu.memory_space<vmem>>
    %dma_wait3A_1467 = arith.constant 0 : i32
    %dma_wait3A_1468 = tpu.memref_slice %arg4[%add3A_1405, %dma_wait3A_1467] : memref<229376x128xf32, #tpu.memory_space<hbm>> -> memref<256x128xf32, #tpu.memory_space<hbm>>
    %dma_wait3A_1469 = arith.constant 0 : i32
    %dma_wait3A_1470 = tpu.memref_slice %arg4[%add3A_1405, %dma_wait3A_1469] : memref<229376x128xf32, #tpu.memory_space<hbm>> -> memref<256x128xf32, #tpu.memory_space<hbm>>
    %dma_wait3A_1471 = arith.constant 0 : i32
    %dma_wait3A_1472 = arith.constant 0 : i32
    %dma_wait3A_1473 = tpu.memref_slice %arg6[%dma_wait3A_1471, %dma_wait3A_1472] : memref<416x128xf32, #tpu.memory_space<vmem>> -> memref<256x128xf32, #tpu.memory_space<vmem>>
    tpu.wait_dma2 semaphore(%arg13 : memref<!tpu.dma_semaphore, #tpu.memory_space<semaphore_mem>>) src(%dma_wait3A_1473 : memref<256x128xf32, #tpu.memory_space<vmem>>) dst(%dma_wait3A_1470 : memref<256x128xf32, #tpu.memory_space<hbm>>)
    %dma_wait3A_1474 = arith.constant 288 : i32
    %dma_wait3A_1475 = arith.constant 0 : i32
    %dma_wait3A_1476 = tpu.memref_slice %arg6[%dma_wait3A_1474, %dma_wait3A_1475] : memref<416x128xf32, #tpu.memory_space<vmem>> -> memref<128x128xf32, #tpu.memory_space<vmem>>
    %dma_wait3A_1477 = arith.constant 0 : i32
    %dma_wait3A_1478 = tpu.memref_slice %arg4[%add3A_1417, %dma_wait3A_1477] : memref<229376x128xf32, #tpu.memory_space<hbm>> -> memref<128x128xf32, #tpu.memory_space<hbm>>
    %dma_wait3A_1479 = arith.constant 0 : i32
    %dma_wait3A_1480 = tpu.memref_slice %arg4[%add3A_1417, %dma_wait3A_1479] : memref<229376x128xf32, #tpu.memory_space<hbm>> -> memref<128x128xf32, #tpu.memory_space<hbm>>
    %dma_wait3A_1481 = arith.constant 288 : i32
    %dma_wait3A_1482 = arith.constant 0 : i32
    %dma_wait3A_1483 = tpu.memref_slice %arg6[%dma_wait3A_1481, %dma_wait3A_1482] : memref<416x128xf32, #tpu.memory_space<vmem>> -> memref<128x128xf32, #tpu.memory_space<vmem>>
    tpu.wait_dma2 semaphore(%arg14 : memref<!tpu.dma_semaphore, #tpu.memory_space<semaphore_mem>>) src(%dma_wait3A_1483 : memref<128x128xf32, #tpu.memory_space<vmem>>) dst(%dma_wait3A_1480 : memref<128x128xf32, #tpu.memory_space<hbm>>)
    %dma_wait3A_1484 = arith.constant 0 : i32
    %dma_wait3A_1485 = tpu.memref_slice %arg4[%add3A_1435, %dma_wait3A_1484] : memref<229376x128xf32, #tpu.memory_space<hbm>> -> memref<64x128xf32, #tpu.memory_space<hbm>>
    %dma_wait3A_1486 = arith.constant 0 : i32
    %dma_wait3A_1487 = tpu.memref_slice %arg4[%add3A_1435, %dma_wait3A_1486] : memref<229376x128xf32, #tpu.memory_space<hbm>> -> memref<64x128xf32, #tpu.memory_space<hbm>>
    tpu.wait_dma2 semaphore(%arg16 : memref<!tpu.dma_semaphore, #tpu.memory_space<semaphore_mem>>) src(%arg8 : memref<64x128xf32, #tpu.memory_space<vmem>>) dst(%dma_wait3A_1487 : memref<64x128xf32, #tpu.memory_space<hbm>>)
    return
  }
}

</mosaic_0001>

<sc_bundles>
// kernel: kernel.3.cloned.1.call-start
scs
__scs_entry_jumppad:
0x0: {  	(pc) =	sbr.rel $0x88, $3  }
0x1: {  	(tag) =	ssettag $0x0;
	lr =	simm.s32 $0x1  }
0x2: {  	[smem:$0x3F9F] =	sst lr;
	_ =	strace $0xD0000000  }
0x3: {  	_ = 	snop  }
0x4: {  	_ = 	snop  }
0x5: {  	_ = 	snop  }
0x6: {  	_ = 	snop  }
0x7: {  	_ = 	snop  }
__scs_overlays_trampoline_lowered:
0x8: {  	[smem:$0x3FAE] =	sst s0  }
0x9: {  	[smem:$0x3FAF] =	sst s1  }
0xa: {  	[smem:$0x3FB0] =	sst s2  }
0xb: {  	[smem:$0x3FB1] =	sst s3  }
0xc: {  	[smem:$0x3FB2] =	sst s4  }
0xd: {  	[smem:$0x3FB3] =	sst s5  }
0xe: {  	[smem:$0x3FB4] =	sst s6  }
0xf: {  	[smem:$0x3FB5] =	sst s7  }
0x10: {  	[smem:$0x3FB6] =	sst s8  }
0x11: {  	[smem:$0x3FB7] =	sst s9;
	s0 =	simm.s32 @!p0 $0x0  }
0x12: {  	s1 =	sld [smem:$0x3F9D];
	s0 =	simm.s32 @p0 $0x1  }
0x13: {  	[smem:$0x3FB8] =	sst s0;
	s0 =	simm.s32 @!p1 $0x0  }
0x14: {  	s2 =	sld [smem:$0x3F9C];
	s0 =	simm.s32 @p1 $0x1  }
0x15: {  	[smem:$0x3FB9] =	sst s0;
	s0 =	simm.s32 @!p2 $0x0  }
0x16: {  	s3 =	sld [smem:$0x3FDB];
	s0 =	simm.s32 @p2 $0x1  }
0x17: {  	s4 =	simm.s32 $0x1BF5;
	[smem:$0x3FBB] =	sst s0  }
0x18: {  	s0 =	sld [smem:$0x3F9E];
	_ =	swait.ge [sflag:s4], $0x0  }
0x19: {  	s7 =	sld [smem:$0x3F9F]  }
0x1a: {  	s8 =	sadd.s32 $0xFFFFE003, lr  }
0x1b: {  	s9 =	sadd.s32 $0xFFFFFEF7, lr;
	s5 =	simm.s32 $0xFFFFFFFF;
	p2 =	slt.u32 s8, $0xFFFFF086  }
0x1c: {  	p1 =	slt.u32 s9, $0xF7A;
	s5 =	simm.s32 @!p2 $0x0  }
0x1d: {  	s5 =	simm.s32 @p1 $0x1;
	p0 =	seq.s32 s7, s2  }
0x1e: {  	s7 =	smul.u32 @!p0 $0xF7A, s2;
	p2 =	seq.s32 @!p0 s5, $0x0  }
0x1f: {  	s9 =	smul.u32 $0xF7A, s1;
	s8 =	simm.s32 @!p0 $0x1BF5;
	p2 =	por !p2, p0  }
0x20: {  	[sflag:s8] =	ssyncset.s32 @!p0 $0xFFFFF086;
	s6 =	sadd.s32 @!p0 s3, s7;
	s7 =	simm.s32 @!p0 $0x108  }
0x21: {  	s3 =	sadd.s32 s3, s9;
	s6 =	sadd.s32 @!p0 $0x88, s6;
	s7 =	simm.s32 @p2 $0x1082  }
0x22: {  	[simem:s7], [sflag:s8] =	dma.local @!p0 [hbm:s6], $0xF7A  }
0x23: {  	s9 =	sor.u32 $0xD0000000, s2;
	s6 =	simm.s32 $0x108;
	_ =	swait.ge @!p0 [sflag:s8], $0x0  }
0x24: {  	s3 =	sadd.s32 $0x88, s3;
	s6 =	simm.s32 @!p1 $0x1082;
	[sflag:s4] =	ssyncset.s32 $0xFFFFF086  }
0x25: {  	[simem:s6], [sflag:s4] =	dma.local [hbm:s3], $0xF7A  }
0x26: {  	[smem:$0x3F9F] =	sst s1;
	(tag) =	ssettag s2;
	_ =	strace s9  }
0x27: {  	s1 =	sld [smem:$0x3FAF]  }
0x28: {  	s2 =	sld [smem:$0x3FB0]  }
0x29: {  	s4 =	sld [smem:$0x3FB2]  }
0x2a: {  	p0 =	seq.s32 s5, $0x0;
	s5 =	sld [smem:$0x3FB3]  }
0x2b: {  	s6 =	sld [smem:$0x3FB4]  }
0x2c: {  	s7 =	sld [smem:$0x3FB5]  }
0x2d: {  	s3 =	simm.s32 $0x108;
	s8 =	sld [smem:$0x3FB6]  }
0x2e: {  	s3 =	simm.s32 @!p0 $0x1082;
	s9 =	sld [smem:$0x3FB7]  }
0x2f: {  	lr =	sadd.s32 s0, s3;
	s0 =	sld [smem:$0x3FAE]  }
0x30: {  	s3 =	sld [smem:$0x3FB1]  }
0x31: {  	[smem:$0x3FBA] =	sst s10  }
0x32: {  	s10 =	sld [smem:$0x3FB8];
	_ =	sdelay $0x3  }
0x33: {  	p0 =	seq.s32 s10, $0x1;
	s10 =	sld [smem:$0x3FBA];
	_ =	sdelay $0x3  }
0x34: {  	[smem:$0x3FBA] =	sst s10  }
0x35: {  	s10 =	sld [smem:$0x3FB9];
	_ =	sdelay $0x3  }
0x36: {  	p1 =	seq.s32 s10, $0x1;
	s10 =	sld [smem:$0x3FBA];
	_ =	sdelay $0x3  }
0x37: {  	[smem:$0x3FBA] =	sst s10  }
0x38: {  	s10 =	sld [smem:$0x3FBB]  }
0x39: {  	_ = 	snop;
	(pc) =	sbr.ind lr, $3  }
0x3a: {  	_ = 	snop  }
0x3b: {  	_ = 	snop  }
0x3c: {  	p2 =	seq.s32 s10, $0x1;
	s10 =	sld [smem:$0x3FBA]  }
0x3d: {  	_ =	shalt  }
0x3e: {  	_ =	shalt  }
0x3f: {  	_ =	shalt  }
0x40: {  	_ =	shalt  }
0x41: {  	_ =	shalt  }
0x42: {  	_ =	shalt  }
0x43: {  	_ =	shalt  }
0x44: {  	_ =	shalt  }
0x45: {  	_ =	shalt  }
0x46: {  	_ =	shalt  }
0x47: {  	_ =	shalt  }
0x48: {  	_ =	shalt  }
0x49: {  	_ =	shalt  }
0x4a: {  	_ =	shalt  }
0x4b: {  	_ =	shalt  }
0x4c: {  	_ =	shalt  }
0x4d: {  	_ =	shalt  }
0x4e: {  	_ =	shalt  }
0x4f: {  	_ =	shalt  }
0x50: {  	_ =	shalt  }
0x51: {  	_ =	shalt  }
0x52: {  	_ =	shalt  }
0x53: {  	_ =	shalt  }
0x54: {  	_ =	shalt  }
0x55: {  	_ =	shalt  }
0x56: {  	_ =	shalt  }
0x57: {  	_ =	shalt  }
0x58: {  	_ =	shalt  }
0x59: {  	_ =	shalt  }
0x5a: {  	_ =	shalt  }
0x5b: {  	_ =	shalt  }
0x5c: {  	_ =	shalt  }
0x5d: {  	_ =	shalt  }
0x5e: {  	_ =	shalt  }
0x5f: {  	_ =	shalt  }
0x60: {  	_ =	shalt  }
0x61: {  	_ =	shalt  }
0x62: {  	_ =	shalt  }
0x63: {  	_ =	shalt  }
0x64: {  	_ =	shalt  }
0x65: {  	_ =	shalt  }
0x66: {  	_ =	shalt  }
0x67: {  	_ =	shalt  }
0x68: {  	_ =	shalt  }
0x69: {  	_ =	shalt  }
0x6a: {  	_ =	shalt  }
0x6b: {  	_ =	shalt  }
0x6c: {  	_ =	shalt  }
0x6d: {  	_ =	shalt  }
0x6e: {  	_ =	shalt  }
0x6f: {  	_ =	shalt  }
0x70: {  	_ =	shalt  }
0x71: {  	_ =	shalt  }
0x72: {  	_ =	shalt  }
0x73: {  	_ =	shalt  }
0x74: {  	_ =	shalt  }
0x75: {  	_ =	shalt  }
0x76: {  	_ =	shalt  }
0x77: {  	_ =	shalt  }
0x78: {  	_ =	shalt  }
0x79: {  	_ =	shalt  }
0x7a: {  	_ =	shalt  }
0x7b: {  	_ =	shalt  }
0x7c: {  	_ =	shalt  }
0x7d: {  	_ =	shalt  }
0x7e: {  	_ =	shalt  }
0x7f: {  	_ =	shalt  }
0x80: {  	_ =	shalt  }
0x81: {  	_ =	shalt  }
0x82: {  	_ =	shalt  }
0x83: {  	_ =	shalt  }
0x84: {  	_ =	shalt  }
0x85: {  	_ =	shalt  }
0x86: {  	_ =	shalt  }
0x87: {  	_ =	shalt  }
.Lfunc_end0:
.L_simem_size_0:
called_computation_lowered:
.L_overlay_start_0:
0x88: {  	s2 =	sld [smem:$0x3FD9]  }
0x89: {  	s3 =	sld [smem:$0x3FFE];
	_ =	sdelay $0x1  }
0x8a: {  	s1 =	srdreg.scid  }
0x8b: {  	s0 =	sand.u32 $0x1, s1  }
0x8c: {  	s18 =	sshll.u32 s0, $0xA;
	s2 =	sadd.s32 s3, s2  }
0x8d: {  	s2 =	sadd.s32 s2, s18  }
0x8e: {  	[smem:$0x3FC6] =	sst s2  }
0x8f: {  	_ = 	snop  }
0x90: {  	s2 =	sld [smem:$0x3FC9]  }
0x91: {  	s19 =	sld [smem:$0x3FC8]  }
0x92: {  	s4 =	sld [smem:$0x3FD0];
	(tm) =	ssettm $0x1  }
0x93: {  	s5 =	sld [smem:$0x3FFB];
	_ =	sdelay $0x3  }
0x94: {  	_ =	strace s5  }
0x95: {  	s5 =	sld [smem:$0x3FFC];
	_ =	sdelay $0x3  }
0x96: {  	_ =	strace s5  }
0x97: {  	s5 =	sld [smem:$0x3FFD];
	_ =	sdelay $0x3  }
0x98: {  	_ =	strace s5  }
0x99: {  	_ =	strace $0x8FFFFFFF  }
0x9a: {  	s20 =	sld [smem:$0x3FDB];
	_ =	sdelay $0x1  }
0x9b: {  	s6 =	simm.s32 $_scs_section_size  }
0x9c: {  	s7 =	simm.s32 $_size__tile_overlayer_lowered;
	s8 =	simm.s32 $_tile_overlayer_lowered  }
0x9d: {  	s23 =	simm.s32 $0x1BFF;
	s22 =	sshll.u32 s8, $0x1;
	s5 =	sadd.s32 s6, s20  }
0x9e: {  	s9 =	simm.s32 $0x0;
	s21 =	sshll.u32 s7, $0x1;
	s7 =	sadd.s32 s22, s5  }
0x9f: {  	[timem:s9], [sflag:s23] =	dma.local [hbm:s7], s21  }
0xa0: {  	_ =	swait.ge [sflag:s23], s21  }
0xa1: {  	s6 =	ssub.s32 $0x0, s21;
	[sflag:s23] =	ssyncset.done $0x0  }
0xa2: {  	[sflag:s23] =	ssyncadd.s32 s6;
	_ =	sdelay $0x1  }
0xa3: {  	s24 =	simm.s32 $0x1B8B  }
0xa4: {  	_ =	swait.ge [sflag:s24], $0x1  }
0xa5: {  	[sflag:s24] =	ssyncset.done $0x0  }
0xa6: {  	s25 =	simm.s32 $0x1B8E;
	[sflag:s24] =	ssyncadd.s32 $0xFFFFFFFF  }
0xa7: {  	s26 =	simm.s32 $execute0_lowered;
	[smem:$0x3FD2] =	sst s25  }
0xa8: {  	s6 =	sshll.u32 s26, $0x1;
	_ =	strace $0x80000046;
	[dreg:$0x1] =	wrdreg $0xFFFFFFFF  }
0xa9: {  	s28 =	simm.s32 $_size_execute0_lowered;
	s5 =	sadd.s32 s5, s6;
	[dreg:$0x0] =	wrdreg $0x0  }
0xaa: {  	s6 =	sshll.u32 s28, $0x1;
	[dreg:$0x2] =	wrdreg s5  }
0xab: {  	[dreg:$0x3] =	wrdreg s6  }
0xac: {  	[dreg:$0x4] =	wrdreg $0xC0  }
0xad: {  	_ =	task [dreg:s9], $0x5FFFF  }
0xae: {  	[dreg:$0x1] =	wrdreg $0xFFFFFFFF  }
0xaf: {  	[dreg:$0x0] =	wrdreg $0x60  }
0xb0: {  	[dreg:$0x2] =	wrdreg s2  }
0xb1: {  	[dreg:$0x3] =	wrdreg s19  }
0xb2: {  	[dreg:$0x4] =	wrdreg s4  }
0xb3: {  	[dreg:$0x5] =	wrdreg $0x9  }
0xb4: {  	_ =	task.clear_ibuf [dreg:s9], $0x6FFFF;
	_ =	strace $0x90000046  }
0xb5: {  	s29 =	simm.s32 $0x9;
	_ =	strace $0x80000048  }
0xb6: {  	_ =	swait.ge [sflag:s29], $0x1  }
0xb7: {  	[sflag:s29] =	ssyncadd.s32 $0xFFFFFFFF  }
0xb8: {  	_ =	strace $0x90000048  }
0xb9: {  	_ =	sfence  }
0xba: {  	s30 =	sld [smem:$0x0];
	_ =	sdelay $0x2  }
0xbb: {  	s31 =	sshll.u32 s1, $0xD;
	s1 =	sshrl.u32 s1, $0x2  }
0xbc: {  	s3 =	sand.u32 $0x4000, s31;
	s1 =	sadd.s32 s1, s30  }
0xbd: {  	s0 =	sor.u32 s3, s0;
	s1 =	sshll.u32 s1, $0x11  }
0xbe: {  	s0 =	sor.u32 s1, s0  }
0xbf: {  	s0 =	sadd.s32 $0x8F2B, s0  }
0xc0: {  	[sflag:s0] =	ssyncadd.remote.s32 $0x1  }
0xc1: {  	_ =	sfence.sel $0xFFFF  }
0xc2: {  	[dreg:$0x0] =	wrdreg $0xFFFFFFFF;
	(pc) =	sbr.abs _section_cstart, $3  }
0xc3: {  	[dreg:$0x1] =	wrdreg $0xFFFFFFFF  }
0xc4: {  	_ =	task.clear_ibuf [dreg:s9], $0x2FFFF;
	_ =	strace $0x9FFFFFFF  }
0xc5: {  	(tm) =	ssettm $0x7FFFFFFF  }
tec
execute0_lowered:
.L_overlay_start_1:
0x0: {  	(tag) =	ssettag $0x1  }
0x1: {  	s7 =	stileid.u32  }
0x2: {  	s1 =	srdreg.scid;
	s5 =	sshll.u32 s7, $0x1  }
0x3: {  	s1 =	sand.u32 $0x1, s1;
	s5 =	sand.u32 $0x2, s5  }
0x4: {  	s7 =	sshll.u32 s7, $0x4;
	s5 =	sor.u32 s1, s5  }
0x5: {  	s3 =	rddreg [dreg:$0x0];
	s7 =	sand.u32 $0xE0, s7;
	s6 =	smul.u32 $0x3800, s5  }
0x6: {  	s4 =	rddreg [dreg:$0x1];
	s9 =	smul.u32 $0x1C000, s5;
	s5 =	sor.u32 s7, s5  }
0x7: {  	s0 =	rddreg [dreg:$0x2];
	s2 =	simm.s32 $0x0;
	s26 =	smul.u32 $0x1A000, s5  }
0x8: {  	[smem:$0x7FF] =	sst s2;
	s7 =	smul.u32 $0x1C000, s5;
	s11 =	sor.u32 $0x4, s5  }
0x9: {  	_ =	strace $0x80000047;
	s1 =	ssub.s32 $0x2, s1;
	s13 =	smul.u32 $0x1A000, s11  }
0xa: {  	s14 =	sor.u32 $0x8, s5;
	s25 =	sshrl.u32 s9, $0x3;
	s9 =	smul.u32 $0x1C000, s11  }
0xb: {  	s8 =	sshrl.u32 s1, $0x1;
	s19 =	sor.u32 $0xC, s5;
	s16 =	smul.u32 $0x1A000, s14  }
0xc: {  	s1 =	ssub.s32 s1, s8;
	s6 =	sadd.s32 s6, s4;
	s11 =	smul.u32 $0x1A000, s19  }
0xd: {  	s4 =	sadd.s32 s4, s25;
	s6 =	sadd.s32 $0x400, s6;
	s15 =	sshrl.u32 s26, $0x3  }
0xe: {  	[dreg:$0x4] =	wrdreg s6;
	s12 =	sadd.s32 $0x2000, s4;
	s10 =	sadd.s32 $0x1600, s4  }
0xf: {  	s4 =	sadd.s32 $0x3200, s4;
	s17 =	sadd.s32 s3, s15;
	s6 =	sshrl.u32 s13, $0x3  }
0x10: {  	s13 =	sor.u32 $0x14, s5;
	s8 =	sshrl.u32 s16, $0x3;
	[dreg:$0x5] =	wrdreg s12  }
0x11: {  	s15 =	sor.u32 $0x18, s5;
	[dreg:$0x7] =	wrdreg s4;
	s4 =	smul.u32 $0x1C000, s14  }
0x12: {  	s11 =	sshrl.u32 s11, $0x3;
	[dreg:$0x6] =	wrdreg s10;
	s14 =	smul.u32 $0x1A000, s13  }
0x13: {  	s12 =	sor.u32 $0x10, s5;
	s18 =	sadd.s32 s3, s6;
	s21 =	smul.u32 $0x1A000, s15  }
0x14: {  	s24 =	sadd.s32 s3, s8;
	s10 =	smul.u32 $0x1C000, s19;
	[dreg:$0x8] =	wrdreg s17  }
0x15: {  	s5 =	sor.u32 $0x1C, s5;
	s20 =	smul.u32 $0x1A000, s12;
	[dreg:$0x9] =	wrdreg s18  }
0x16: {  	s25 =	sadd.s32 s3, s11;
	s16 =	smul.u32 $0x1A000, s5;
	[dreg:$0xa] =	wrdreg s24  }
0x17: {  	[dreg:$0xb] =	wrdreg s25;
	s22 =	sshrl.u32 s14, $0x3;
	s8 =	sshrl.u32 s21, $0x3  }
0x18: {  	s23 =	sshrl.u32 s16, $0x3;
	s16 =	sadd.s32 s3, s8;
	s8 =	sadd.s32 $0x1A00, s17  }
0x19: {  	s6 =	sshrl.u32 s20, $0x3;
	s14 =	sadd.s32 s3, s22;
	[dreg:$0x10] =	wrdreg s8  }
0x1a: {  	s17 =	sshrl.u32 s7, $0x3;
	s26 =	sadd.s32 s3, s6;
	[dreg:$0xd] =	wrdreg s14  }
0x1b: {  	s11 =	sadd.s32 s3, s23;
	s3 =	smax.u32 s1, $0x1;
	[dreg:$0xe] =	wrdreg s16  }
0x1c: {  	s19 =	smul.u32 $0x1C000, s12;
	s12 =	sadd.s32 s0, s17;
	[dreg:$0x15] =	wrdreg s3  }
0x1d: {  	s20 =	sshrl.u32 s9, $0x3;
	s8 =	sadd.s32 $0x1A00, s18;
	[dreg:$0x11] =	wrdreg s12  }
0x1e: {  	s21 =	smul.u32 $0x1C000, s13;
	s9 =	sadd.s32 s0, s20;
	[dreg:$0x1a] =	wrdreg s8  }
0x1f: {  	s22 =	sshrl.u32 s4, $0x3;
	s1 =	sadd.s32 $0x1A00, s24;
	[dreg:$0x12] =	wrdreg s9  }
0x20: {  	s13 =	sshrl.u32 s10, $0x3;
	s10 =	sadd.s32 s0, s22;
	[smem:$0x7DA] =	sst s1  }
0x21: {  	s5 =	smul.u32 $0x1C000, s5;
	[dreg:$0x13] =	wrdreg s10  }
0x22: {  	s23 =	smul.u32 $0x1C000, s15;
	[dreg:$0xc] =	wrdreg s26  }
0x23: {  	s6 =	sshrl.u32 s19, $0x3;
	s17 =	sadd.s32 $0xC00, s12;
	[dreg:$0xf] =	wrdreg s11  }
0x24: {  	s20 =	sadd.s32 s0, s6;
	s6 =	sadd.s32 $0x3000, s12;
	[dreg:$0x14] =	wrdreg s17  }
0x25: {  	s19 =	sadd.s32 s0, s13;
	s7 =	sadd.s32 $0x2C00, s12;
	[dreg:$0x18] =	wrdreg s6  }
0x26: {  	s15 =	sshrl.u32 s21, $0x3;
	s13 =	sadd.s32 $0x800, s9;
	[dreg:$0x19] =	wrdreg s7  }
0x27: {  	s21 =	sadd.s32 s0, s15;
	s15 =	sadd.s32 $0x1C00, s9;
	[dreg:$0x1c] =	wrdreg s13  }
0x28: {  	s18 =	sadd.s32 $0x2C00, s9;
	[dreg:$0x1d] =	wrdreg s15  }
0x29: {  	s5 =	sshrl.u32 s5, $0x3;
	s3 =	sadd.s32 $0xC00, s10;
	[dreg:$0x1f] =	wrdreg s18  }
0x2a: {  	s8 =	sadd.s32 $0x1A00, s25;
	s4 =	sshrl.u32 s23, $0x3;
	[smem:$0x7DB] =	sst s3  }
0x2b: {  	s23 =	sadd.s32 s0, s5;
	s5 =	sadd.s32 $0x1C00, s12;
	[smem:$0x7E0] =	sst s8  }
0x2c: {  	s17 =	sadd.s32 $0x3000, s9;
	[dreg:$0x17] =	wrdreg s5  }
0x2d: {  	s6 =	sadd.s32 $0x3000, s10;
	[dreg:$0x1e] =	wrdreg s17  }
0x2e: {  	s7 =	sadd.s32 $0x2C00, s10;
	[smem:$0x7DE] =	sst s6  }
0x2f: {  	s13 =	sadd.s32 $0x3000, s19;
	[smem:$0x7DF] =	sst s7  }
0x30: {  	s15 =	sadd.s32 $0x2C00, s19;
	[smem:$0x7E4] =	sst s13  }
0x31: {  	s18 =	sadd.s32 $0xC00, s20;
	[smem:$0x7E5] =	sst s15  }
0x32: {  	s24 =	sadd.s32 $0x800, s20;
	[smem:$0x7E7] =	sst s18  }
0x33: {  	s25 =	sadd.s32 $0x1C00, s20;
	[smem:$0x7E8] =	sst s24  }
0x34: {  	s1 =	sadd.s32 $0x2C00, s20;
	[smem:$0x7E9] =	sst s25  }
0x35: {  	s3 =	sadd.s32 $0x1A00, s14;
	[smem:$0x7EB] =	sst s1  }
0x36: {  	s8 =	sadd.s32 $0x2C00, s21;
	[smem:$0x7EC] =	sst s3  }
0x37: {  	s22 =	sadd.s32 s0, s4;
	s4 =	sadd.s32 $0x800, s12;
	[smem:$0x7F1] =	sst s8  }
0x38: {  	s12 =	sadd.s32 $0xC00, s9;
	[dreg:$0x16] =	wrdreg s4  }
0x39: {  	s5 =	sadd.s32 $0x1C00, s10;
	[dreg:$0x1b] =	wrdreg s12  }
0x3a: {  	s9 =	sadd.s32 $0xC00, s19;
	[smem:$0x7DD] =	sst s5  }
0x3b: {  	s17 =	sadd.s32 $0x1A00, s26;
	[smem:$0x7E1] =	sst s9  }
0x3c: {  	s26 =	sadd.s32 $0x3000, s20;
	[smem:$0x7E6] =	sst s17  }
0x3d: {  	s6 =	sadd.s32 $0x1C00, s21;
	[smem:$0x7EA] =	sst s26  }
0x3e: {  	s7 =	sadd.s32 $0x3000, s21;
	[smem:$0x7EF] =	sst s6  }
0x3f: {  	s18 =	sadd.s32 $0x800, s23;
	[smem:$0x7F0] =	sst s7  }
0x40: {  	s24 =	sadd.s32 $0x1C00, s23;
	[smem:$0x7FA] =	sst s18  }
0x41: {  	s25 =	sadd.s32 $0x3000, s23;
	[smem:$0x7FB] =	sst s24  }
0x42: {  	s4 =	sadd.s32 $0x800, s10;
	[smem:$0x7FC] =	sst s25  }
0x43: {  	s28 =	simm.s32 $0x16000;
	s10 =	sadd.s32 $0x800, s19;
	[smem:$0x7DC] =	sst s4  }
0x44: {  	s29 =	simm.s32 $0x5;
	s12 =	sadd.s32 $0x1C00, s19;
	[smem:$0x7E2] =	sst s10  }
0x45: {  	s30 =	simm.s32 $0x6;
	s5 =	sadd.s32 $0x800, s21;
	[smem:$0x7E3] =	sst s12  }
0x46: {  	s31 =	simm.s32 $0x0;
	s9 =	sadd.s32 $0x1A00, s16;
	[smem:$0x7EE] =	sst s5  }
0x47: {  	s13 =	sadd.s32 $0x1C00, s22;
	s14 =	sadd.s32 $0x3000, s22;
	[smem:$0x7F2] =	sst s9  }
0x48: {  	s15 =	sadd.s32 $0x2C00, s22;
	s16 =	sadd.s32 $0x1A00, s11;
	[smem:$0x7F5] =	sst s13  }
0x49: {  	s17 =	sadd.s32 $0xC00, s23;
	s26 =	sadd.s32 $0x2C00, s23;
	[smem:$0x7F6] =	sst s14  }
0x4a: {  	s6 =	simm.s32 $0x1;
	s24 =	simm.s32 $0x3;
	[smem:$0x7F7] =	sst s15  }
0x4b: {  	s7 =	simm.s32 $0x4;
	s25 =	simm.s32 $0x7;
	[smem:$0x7F8] =	sst s16  }
0x4c: {  	s11 =	simm.s32 $0x8;
	s4 =	sadd.s32 $0xC00, s21;
	[smem:$0x7F9] =	sst s17  }
0x4d: {  	v0 =	vlaneseq.u32;
	s10 =	sadd.s32 $0xC00, s22;
	s12 =	sadd.s32 $0x800, s22;
	[smem:$0x7FD] =	sst s26  }
0x4e: {  	v0 =	vmul.u32 $0x2, v0;
	s5 =	simm.s32 $0xD000;
	s9 =	simm.s32 $0x5000;
	[smem:$0x7ED] =	sst s4  }
0x4f: {  	s15 =	simm.s32 $0x1A000;
	s26 =	simm.s32 $0x2;
	[smem:$0x7F3] =	sst s10  }
0x50: {  	v0 =	vor.u32 $0x1, v0;
	[smem:$0x7F4] =	sst s12;
	s4 =	simm.s32 $0x9;
	s10 =	simm.s32 $0x1C000  }
.LBB2_1:
0x51: {  	s0 =	rddreg [dreg:$0x4]  }
0x52: {  	[tilespmem:s2], [sflag:$0x9] =	stream.linear.gather [hbm4b:s0+s2], $0x1000, $0x38;
	[tilespmem:$0x1E000] =	vst v63  }
0x53: {  	s1 =	simm.s32 $0x0;
	_ =	swait.ge [sflag:s4], $0x1000  }
0x54: {  	s0 =	sand.u32 $0x70, s2;
	s1 =	sand.u32 $0x3FFFFF80, s1;
	[sflag:s4] =	ssyncset.done $0x0  }
0x55: {  	s1 =	sor.u32 s0, s1;
	[sflag:s4] =	ssyncadd.s32 $0xFFFFF000  }
0x56: {  	s8 =	simm.s32 $0x1;
	s12 =	simm.s32 $0x0;
	v1 =	vld [tilespmem:s1+$0x0];
	s1 =	simm.s32 $0x0  }
.LBB2_2:
0x57: {  	s3 =	sshll.u32 s8, $0x4;
	s13 =	sshll.u32 s12, $0x5;
	p0 =	sne.s32 s8, $0xFF  }
.Ltmp0:
0x58: {  	s1 =	sadd.s32 $0x10, s1;
	s12 =	smov.u32 s8;
	(pc) =	sbr.rel @p0 .LBB2_2-.Ltmp0, $4  }
0x59: {  	s8 =	sadd.s32 $0x1, s8;
	s13 =	sand.u32 $0x3FFFFF00, s13  }
0x5a: {  	s3 =	sand.u32 $0x3FFFFF80, s3;
	s13 =	sor.u32 s0, s13;
	s0 =	sand.u32 $0x70, s1  }
0x5b: {  	s3 =	sor.u32 s0, s3;
	[tilespmem:s13+$0x1A000] =	vst v1  }
0x5c: {  	v1 =	vld [tilespmem:s3+$0x0]  }
0x5d: {  	_ = 	snop  }
0x5e: {  	s1 =	sshll.u32 s12, $0x5  }
0x5f: {  	s1 =	sand.u32 $0x3FFFFF00, s1  }
0x60: {  	s0 =	sor.u32 s0, s1  }
0x61: {  	s17 =	rddreg [dreg:$0x5];
	[tilespmem:s0+$0x1A000] =	vst v1;
	s0 =	simm.s32 $0x0  }
0x62: {  	[tilespmem:s0], [sflag:$0x9] =	stream.linear.gather [hbm4b:s17+s0], $0x1000, $0x38;
	[tilespmem:$0x1E000] =	vst v63  }
0x63: {  	s18 =	simm.s32 $0x0;
	_ =	swait.ge [sflag:s4], $0x1000  }
0x64: {  	s1 =	sand.u32 $0x3FFFFF80, s18;
	s8 =	sand.u32 $0x70, s0;
	[sflag:s4] =	ssyncset.done $0x0  }
0x65: {  	s1 =	sor.u32 s8, s1;
	[sflag:s4] =	ssyncadd.s32 $0xFFFFF000  }
0x66: {  	s12 =	simm.s32 $0x1;
	v1 =	vld [tilespmem:s1+$0x0];
	s1 =	simm.s32 $0x0  }
.LBB2_4:
0x67: {  	s3 =	sshll.u32 s12, $0x4;
	s13 =	sshll.u32 s0, $0x5;
	p0 =	sne.s32 s12, $0xFF  }
.Ltmp1:
0x68: {  	s1 =	sadd.s32 $0x10, s1;
	s0 =	smov.u32 s12;
	(pc) =	sbr.rel @p0 .LBB2_4-.Ltmp1, $4  }
0x69: {  	s12 =	sadd.s32 $0x1, s12;
	s13 =	sand.u32 $0x3FFFFF00, s13  }
0x6a: {  	s3 =	sand.u32 $0x3FFFFF80, s3;
	s13 =	sor.u32 s8, s13;
	s8 =	sand.u32 $0x70, s1  }
0x6b: {  	s3 =	sor.u32 s8, s3;
	[tilespmem:s13+$0x1A080] =	vst v1  }
0x6c: {  	v1 =	vld [tilespmem:s3+$0x0]  }
0x6d: {  	_ = 	snop  }
0x6e: {  	s0 =	sshll.u32 s0, $0x5  }
0x6f: {  	s0 =	sand.u32 $0x3FFFFF00, s0  }
0x70: {  	s0 =	sor.u32 s8, s0  }
0x71: {  	s1 =	rddreg [dreg:$0x6];
	[tilespmem:s0+$0x1A080] =	vst v1;
	s0 =	simm.s32 $0x0  }
0x72: {  	[tilespmem:s0], [sflag:$0x9] =	stream.linear.gather [hbm4b:s1+s0], $0x1000, $0x38;
	[tilespmem:$0x1E000] =	vst v63  }
0x73: {  	s18 =	simm.s32 $0x0;
	_ =	swait.ge [sflag:s4], $0x1000  }
0x74: {  	s8 =	sand.u32 $0x70, s0;
	s1 =	sand.u32 $0x3FFFFF80, s18;
	[sflag:s4] =	ssyncset.done $0x0  }
0x75: {  	s1 =	sor.u32 s8, s1;
	[sflag:s4] =	ssyncadd.s32 $0xFFFFF000  }
0x76: {  	s12 =	simm.s32 $0x1;
	v1 =	vld [tilespmem:s1+$0x0];
	s1 =	simm.s32 $0x0  }
.LBB2_6:
0x77: {  	s3 =	sshll.u32 s12, $0x4;
	s13 =	sshll.u32 s0, $0x5;
	p0 =	sne.s32 s12, $0xFF  }
.Ltmp2:
0x78: {  	s1 =	sadd.s32 $0x10, s1;
	s0 =	smov.u32 s12;
	(pc) =	sbr.rel @p0 .LBB2_6-.Ltmp2, $4  }
0x79: {  	s12 =	sadd.s32 $0x1, s12;
	s13 =	sand.u32 $0x3FFFFF00, s13  }
0x7a: {  	s3 =	sand.u32 $0x3FFFFF80, s3;
	s13 =	sor.u32 s8, s13;
	s8 =	sand.u32 $0x70, s1  }
0x7b: {  	s3 =	sor.u32 s8, s3;
	[tilespmem:s13+$0x1C000] =	vst v1  }
0x7c: {  	v1 =	vld [tilespmem:s3+$0x0]  }
0x7d: {  	_ = 	snop  }
0x7e: {  	s0 =	sshll.u32 s0, $0x5  }
0x7f: {  	s0 =	sand.u32 $0x3FFFFF00, s0  }
0x80: {  	s0 =	sor.u32 s8, s0  }
0x81: {  	s1 =	rddreg [dreg:$0x7];
	[tilespmem:s0+$0x1C000] =	vst v1;
	s0 =	simm.s32 $0x0  }
0x82: {  	[tilespmem:s0], [sflag:$0x9] =	stream.linear.gather [hbm4b:s1+s0], $0x1000, $0x38;
	[tilespmem:$0x1E000] =	vst v63  }
0x83: {  	s18 =	simm.s32 $0x0;
	_ =	swait.ge [sflag:s4], $0x1000  }
0x84: {  	s8 =	sand.u32 $0x70, s0;
	s1 =	sand.u32 $0x3FFFFF80, s18;
	[sflag:s4] =	ssyncset.done $0x0  }
0x85: {  	s1 =	sor.u32 s8, s1;
	[sflag:s4] =	ssyncadd.s32 $0xFFFFF000  }
0x86: {  	s12 =	simm.s32 $0x1;
	v1 =	vld [tilespmem:s1+$0x0];
	s1 =	simm.s32 $0x0  }
.LBB2_8:
0x87: {  	s3 =	sshll.u32 s12, $0x4;
	s13 =	sshll.u32 s0, $0x5;
	p0 =	sne.s32 s12, $0xFF  }
.Ltmp3:
0x88: {  	s1 =	sadd.s32 $0x10, s1;
	s0 =	smov.u32 s12;
	(pc) =	sbr.rel @p0 .LBB2_8-.Ltmp3, $4  }
0x89: {  	s12 =	sadd.s32 $0x1, s12;
	s13 =	sand.u32 $0x3FFFFF00, s13  }
0x8a: {  	s3 =	sand.u32 $0x3FFFFF80, s3;
	s13 =	sor.u32 s8, s13;
	s8 =	sand.u32 $0x70, s1  }
0x8b: {  	s3 =	sor.u32 s8, s3;
	[tilespmem:s13+$0x1C080] =	vst v1  }
0x8c: {  	v1 =	vld [tilespmem:s3+$0x0]  }
0x8d: {  	_ = 	snop  }
0x8e: {  	s0 =	sshll.u32 s0, $0x5  }
0x8f: {  	s0 =	sand.u32 $0x3FFFFF00, s0  }
0x90: {  	s0 =	sor.u32 s8, s0  }
0x91: {  	s1 =	rddreg [dreg:$0x8];
	s8 =	simm.s32 $0x0;
	[tilespmem:s0+$0x1C080] =	vst v1  }
0x92: {  	[tilespmem:s8], [sflag:$0x1] =	stream.linear.gather [hbm4b:s1+s8], $0xD000, $0x38;
	[tilespmem:$0x1E000] =	vst v63  }
0x93: {  	s13 =	rddreg [dreg:$0x10];
	s17 =	simm.s32 $0x0  }
0x94: {  	[tilespmem:s5], [sflag:$0x2] =	stream.linear.gather [hbm4b:s13+s8], $0xD000, $0x38;
	[tilespmem:$0x1E000] =	vst v63  }
0x95: {  	s18 =	simm.s32 $0x1;
	s3 =	sand.u32 $0x7, s8;
	_ =	swait.ge [sflag:s6], $0xD000  }
0x96: {  	s12 =	sshrl.u32 s3, $0x2;
	s0 =	sand.u32 $0x60, s8;
	[sflag:s6] =	ssyncset.done $0x0  }
0x97: {  	s1 =	sand.u32 $0x1E, s17;
	s14 =	rddreg [dreg:$0x11];
	[sflag:s6] =	ssyncadd.s32 $0xFFFF3000  }
0x98: {  	[hbm4b:s14+s8] =	stream.linear.scatter [tilespmem:s8], [sflag:$0x3], $0x4000, $0x38;
	[tilespmem:$0x1E000] =	vst v63  }
0x99: {  	s3 =	sshll.u32 s3, $0x4;
	s1 =	sor.u32 s12, s1;
	s14 =	simm.s32 $0x0  }
0x9a: {  	s1 =	sshll.u32 s1, $0x8;
	s16 =	rddreg [dreg:$0x14];
	s13 =	sand.u32 $0x80, s14  }
0x9b: {  	[hbm4b:s16+s8] =	stream.linear.scatter [tilespmem:s9], [sflag:$0x4], $0x8000, $0x38;
	[tilespmem:$0x1E000] =	vst v63  }
0x9c: {  	s12 =	sand.u32 $0x3FFFFF80, s14;
	s14 =	sand.u32 $0x7, s18;
	s1 =	sor.u32 s13, s1  }
0x9d: {  	s16 =	simm.s32 $0x0;
	s3 =	sor.u32 s3, s12;
	s1 =	sor.u32 s0, s1  }
0x9e: {  	s8 =	simm.s32 $0x2;
	s18 =	sshrl.u32 s14, $0x2;
	s17 =	sand.u32 $0x1E, s16;
	v1 =	vld [tilespmem:s3+$0x4000];
	v2 =	vor.u32 s1, v0  }
0x9f: {  	s16 =	simm.s32 $0x10;
	s0 =	simm.s32 $0x20;
	s13 =	sor.u32 s18, s17  }
0xa0: {  	s12 =	sand.u32 $0x60, s0;
	s18 =	sand.u32 $0x80, s16;
	s17 =	sshll.u32 s13, $0x8  }
0xa1: {  	s1 =	sand.u32 $0x3FFFFF80, s16;
	s13 =	sshll.u32 s14, $0x4;
	s3 =	sor.u32 s18, s17  }
.LBB2_10:
0xa2: {  	s14 =	sshrl.u32 s8, $0x3;
	s1 =	sor.u32 s13, s1  }
0xa3: {  	s3 =	sor.u32 s12, s3;
	[tilespmem:v2+s15+$0x0] =	vst.idx.msk $0xffff, v1;
	s12 =	smov.u32 s8;
	p0 =	sne.s32 s8, $0xFF  }
.Ltmp4:
0xa4: {  	s8 =	sadd.s32 $0x1, s8;
	s13 =	sand.u32 $0x7, s12;
	v1 =	vld [tilespmem:s1+$0x4000];
	v2 =	vor.u32 s3, v0;
	(pc) =	sbr.rel @p0 .LBB2_10-.Ltmp4, $4  }
0xa5: {  	s1 =	sand.u32 $0x1E, s14;
	s3 =	sshrl.u32 s13, $0x2  }
0xa6: {  	s0 =	sadd.s32 $0x20, s0;
	s1 =	sor.u32 s3, s1;
	s3 =	sshll.u32 s12, $0x4  }
0xa7: {  	s12 =	sand.u32 $0x60, s0;
	s14 =	sshll.u32 s1, $0x8;
	s16 =	sand.u32 $0x80, s3  }
0xa8: {  	s13 =	sshll.u32 s13, $0x4;
	s1 =	sand.u32 $0x3FFFFF80, s3;
	s3 =	sor.u32 s16, s14  }
0xa9: {  	_ =	sdelay $0x3  }
0xaa: {  	s0 =	sor.u32 s13, s1;
	s18 =	sor.u32 s12, s3;
	[tilespmem:v2+s15+$0x0] =	vst.idx.msk $0xffff, v1  }
0xab: {  	v1 =	vld [tilespmem:s0+$0x4000];
	v2 =	vor.u32 s18, v0;
	_ =	sdelay $0x4  }
0xac: {  	s3 =	simm.s32 $0x0;
	s8 =	rddreg [dreg:$0x16];
	[tilespmem:v2+s15+$0x0] =	vst.idx.msk $0xffff, v1  }
0xad: {  	[hbm4b:s8+s3] =	stream.linear.scatter [tilespmem:s15], [sflag:$0x7], $0x2000, $0x38;
	[tilespmem:$0x1E000] =	vst v63  }
0xae: {  	_ =	swait.ge [sflag:s24], $0x4000  }
0xaf: {  	[sflag:s24] =	ssyncset.done $0x0  }
0xb0: {  	[sflag:s24] =	ssyncadd.s32 $0xFFFFC000  }
0xb1: {  	_ =	swait.ge [sflag:s7], $0x8000  }
0xb2: {  	[sflag:s7] =	ssyncset.done $0x0  }
0xb3: {  	[sflag:s7] =	ssyncadd.s32 $0xFFFF8000  }
0xb4: {  	_ =	swait.ge [sflag:s25], $0x2000  }
0xb5: {  	[sflag:s25] =	ssyncset.done $0x0  }
0xb6: {  	s16 =	simm.s32 $0x0;
	s12 =	rddreg [dreg:$0x9];
	[sflag:s25] =	ssyncadd.s32 $0xFFFFE000  }
0xb7: {  	[tilespmem:s3], [sflag:$0x1] =	stream.linear.gather [hbm4b:s12+s3], $0xD000, $0x38;
	[tilespmem:$0x1E000] =	vst v63  }
0xb8: {  	s17 =	sand.u32 $0x7, s3;
	s1 =	sand.u32 $0x1E, s16;
	_ =	swait.ge [sflag:s26], $0xD000  }
0xb9: {  	s0 =	sand.u32 $0x60, s3;
	s16 =	simm.s32 $0x0;
	[sflag:s26] =	ssyncset.done $0x0  }
0xba: {  	s18 =	sshrl.u32 s17, $0x2;
	s13 =	rddreg [dreg:$0x17];
	[sflag:s26] =	ssyncadd.s32 $0xFFFF3000  }
0xbb: {  	[hbm4b:s13+s3] =	stream.linear.scatter [tilespmem:s5], [sflag:$0x5], $0x8000, $0x38;
	[tilespmem:$0x1E000] =	vst v63  }
0xbc: {  	s1 =	sor.u32 s18, s1;
	s14 =	rddreg [dreg:$0x18];
	s13 =	simm.s32 $0x0  }
0xbd: {  	[hbm4b:s14+s3] =	stream.linear.scatter [tilespmem:s28], [sflag:$0x6], $0x4000, $0x38;
	[tilespmem:$0x1E000] =	vst v63  }
0xbe: {  	s1 =	sshll.u32 s1, $0x8;
	s8 =	simm.s32 $0x1;
	s14 =	sand.u32 $0x80, s13  }
0xbf: {  	s12 =	sand.u32 $0x3FFFFF80, s13;
	s3 =	sshll.u32 s17, $0x4;
	s1 =	sor.u32 s14, s1  }
0xc0: {  	s3 =	sor.u32 s3, s12;
	s14 =	sand.u32 $0x7, s8;
	s1 =	sor.u32 s0, s1  }
0xc1: {  	s17 =	sand.u32 $0x1E, s16;
	s16 =	simm.s32 $0x10;
	s18 =	sshrl.u32 s14, $0x2;
	v1 =	vld [tilespmem:s3+$0x15000];
	v2 =	vor.u32 s1, v0  }
0xc2: {  	s8 =	simm.s32 $0x2;
	s0 =	simm.s32 $0x20;
	s13 =	sor.u32 s18, s17  }
0xc3: {  	s3 =	sshll.u32 s14, $0x4;
	s17 =	sand.u32 $0x80, s16;
	s13 =	sshll.u32 s13, $0x8  }
0xc4: {  	s12 =	sand.u32 $0x60, s0;
	s1 =	sand.u32 $0x3FFFFF80, s16;
	s13 =	sor.u32 s17, s13  }
.LBB2_12:
0xc5: {  	s14 =	sshrl.u32 s8, $0x3;
	s1 =	sor.u32 s3, s1  }
0xc6: {  	s3 =	sor.u32 s12, s13;
	[tilespmem:v2+s10+$0x0] =	vst.idx.msk $0xffff, v1;
	s12 =	smov.u32 s8;
	p0 =	sne.s32 s8, $0xFF  }
.Ltmp5:
0xc7: {  	s8 =	sadd.s32 $0x1, s8;
	s13 =	sand.u32 $0x7, s12;
	v1 =	vld [tilespmem:s1+$0x15000];
	v2 =	vor.u32 s3, v0;
	(pc) =	sbr.rel @p0 .LBB2_12-.Ltmp5, $4  }
0xc8: {  	s1 =	sand.u32 $0x1E, s14;
	s3 =	sshrl.u32 s13, $0x2  }
0xc9: {  	s0 =	sadd.s32 $0x20, s0;
	s1 =	sor.u32 s3, s1;
	s3 =	sshll.u32 s12, $0x4  }
0xca: {  	s12 =	sand.u32 $0x60, s0;
	s14 =	sshll.u32 s1, $0x8;
	s16 =	sand.u32 $0x80, s3  }
0xcb: {  	s1 =	sand.u32 $0x3FFFFF80, s3;
	s3 =	sshll.u32 s13, $0x4;
	s13 =	sor.u32 s16, s14  }
0xcc: {  	_ =	sdelay $0x3  }
0xcd: {  	s0 =	sor.u32 s3, s1;
	s18 =	sor.u32 s12, s13;
	[tilespmem:v2+s10+$0x0] =	vst.idx.msk $0xffff, v1  }
0xce: {  	v1 =	vld [tilespmem:s0+$0x15000];
	v2 =	vor.u32 s18, v0;
	_ =	sdelay $0x4  }
0xcf: {  	s3 =	simm.s32 $0x0;
	s8 =	rddreg [dreg:$0x19];
	[tilespmem:v2+s10+$0x0] =	vst.idx.msk $0xffff, v1  }
0xd0: {  	[hbm4b:s8+s3] =	stream.linear.scatter [tilespmem:s10], [sflag:$0x8], $0x2000, $0x38;
	[tilespmem:$0x1E000] =	vst v63  }
0xd1: {  	_ =	swait.ge [sflag:s29], $0x8000  }
0xd2: {  	[sflag:s29] =	ssyncset.done $0x0  }
0xd3: {  	[sflag:s29] =	ssyncadd.s32 $0xFFFF8000  }
0xd4: {  	_ =	swait.ge [sflag:s30], $0x4000  }
0xd5: {  	[sflag:s30] =	ssyncset.done $0x0  }
0xd6: {  	[sflag:s30] =	ssyncadd.s32 $0xFFFFC000  }
0xd7: {  	_ =	swait.ge [sflag:s11], $0x2000  }
0xd8: {  	[sflag:s11] =	ssyncset.done $0x0  }
0xd9: {  	s16 =	simm.s32 $0x0;
	s12 =	rddreg [dreg:$0x1a];
	[sflag:s11] =	ssyncadd.s32 $0xFFFFE000  }
0xda: {  	[tilespmem:s5], [sflag:$0x2] =	stream.linear.gather [hbm4b:s12+s3], $0xD000, $0x38;
	[tilespmem:$0x1E000] =	vst v63  }
0xdb: {  	s17 =	sand.u32 $0x7, s3;
	s1 =	sand.u32 $0x1E, s16;
	_ =	swait.ge [sflag:s6], $0xD000  }
0xdc: {  	s0 =	sand.u32 $0x60, s3;
	s16 =	simm.s32 $0x0;
	[sflag:s6] =	ssyncset.done $0x0  }
0xdd: {  	s18 =	sshrl.u32 s17, $0x2;
	s13 =	rddreg [dreg:$0x12];
	[sflag:s6] =	ssyncadd.s32 $0xFFFF3000  }
0xde: {  	[hbm4b:s13+s3] =	stream.linear.scatter [tilespmem:s3], [sflag:$0x3], $0x4000, $0x38;
	[tilespmem:$0x1E000] =	vst v63  }
0xdf: {  	s1 =	sor.u32 s18, s1;
	s14 =	rddreg [dreg:$0x1b];
	s13 =	simm.s32 $0x0  }
0xe0: {  	[hbm4b:s14+s3] =	stream.linear.scatter [tilespmem:s9], [sflag:$0x4], $0x8000, $0x38;
	[tilespmem:$0x1E000] =	vst v63  }
0xe1: {  	s1 =	sshll.u32 s1, $0x8;
	s8 =	simm.s32 $0x1;
	s14 =	sand.u32 $0x80, s13  }
0xe2: {  	s12 =	sand.u32 $0x3FFFFF80, s13;
	s3 =	sshll.u32 s17, $0x4;
	s1 =	sor.u32 s14, s1  }
0xe3: {  	s3 =	sor.u32 s3, s12;
	s14 =	sand.u32 $0x7, s8;
	s1 =	sor.u32 s0, s1  }
0xe4: {  	s17 =	sand.u32 $0x1E, s16;
	s16 =	simm.s32 $0x10;
	s18 =	sshrl.u32 s14, $0x2;
	v1 =	vld [tilespmem:s3+$0x4000];
	v2 =	vor.u32 s1, v0  }
0xe5: {  	s8 =	simm.s32 $0x2;
	s0 =	simm.s32 $0x20;
	s13 =	sor.u32 s18, s17  }
0xe6: {  	s3 =	sshll.u32 s14, $0x4;
	s17 =	sand.u32 $0x80, s16;
	s13 =	sshll.u32 s13, $0x8  }
0xe7: {  	s12 =	sand.u32 $0x60, s0;
	s1 =	sand.u32 $0x3FFFFF80, s16;
	s13 =	sor.u32 s17, s13  }
.LBB2_14:
0xe8: {  	s14 =	sshrl.u32 s8, $0x3;
	s1 =	sor.u32 s3, s1  }
0xe9: {  	s3 =	sor.u32 s12, s13;
	[tilespmem:v2+s15+$0x0] =	vst.idx.msk $0xffff, v1;
	s12 =	smov.u32 s8;
	p0 =	sne.s32 s8, $0xFF  }
.Ltmp6:
0xea: {  	s8 =	sadd.s32 $0x1, s8;
	s13 =	sand.u32 $0x7, s12;
	v1 =	vld [tilespmem:s1+$0x4000];
	v2 =	vor.u32 s3, v0;
	(pc) =	sbr.rel @p0 .LBB2_14-.Ltmp6, $4  }
0xeb: {  	s1 =	sand.u32 $0x1E, s14;
	s3 =	sshrl.u32 s13, $0x2  }
0xec: {  	s0 =	sadd.s32 $0x20, s0;
	s1 =	sor.u32 s3, s1;
	s3 =	sshll.u32 s12, $0x4  }
0xed: {  	s12 =	sand.u32 $0x60, s0;
	s14 =	sshll.u32 s1, $0x8;
	s16 =	sand.u32 $0x80, s3  }
0xee: {  	s1 =	sand.u32 $0x3FFFFF80, s3;
	s3 =	sshll.u32 s13, $0x4;
	s13 =	sor.u32 s16, s14  }
0xef: {  	_ =	sdelay $0x3  }
0xf0: {  	s0 =	sor.u32 s3, s1;
	s18 =	sor.u32 s12, s13;
	[tilespmem:v2+s15+$0x0] =	vst.idx.msk $0xffff, v1  }
0xf1: {  	v1 =	vld [tilespmem:s0+$0x4000];
	v2 =	vor.u32 s18, v0;
	_ =	sdelay $0x4  }
0xf2: {  	s3 =	simm.s32 $0x0;
	s8 =	rddreg [dreg:$0x1c];
	[tilespmem:v2+s15+$0x0] =	vst.idx.msk $0xffff, v1  }
0xf3: {  	[hbm4b:s8+s3] =	stream.linear.scatter [tilespmem:s15], [sflag:$0x7], $0x2000, $0x38;
	[tilespmem:$0x1E000] =	vst v63  }
0xf4: {  	_ =	swait.ge [sflag:s24], $0x4000  }
0xf5: {  	[sflag:s24] =	ssyncset.done $0x0  }
0xf6: {  	[sflag:s24] =	ssyncadd.s32 $0xFFFFC000  }
0xf7: {  	_ =	swait.ge [sflag:s7], $0x8000  }
0xf8: {  	[sflag:s7] =	ssyncset.done $0x0  }
0xf9: {  	[sflag:s7] =	ssyncadd.s32 $0xFFFF8000  }
0xfa: {  	_ =	swait.ge [sflag:s25], $0x2000  }
0xfb: {  	[sflag:s25] =	ssyncset.done $0x0  }
0xfc: {  	s16 =	simm.s32 $0x0;
	s12 =	rddreg [dreg:$0xa];
	[sflag:s25] =	ssyncadd.s32 $0xFFFFE000  }
0xfd: {  	[tilespmem:s3], [sflag:$0x1] =	stream.linear.gather [hbm4b:s12+s3], $0xD000, $0x38;
	[tilespmem:$0x1E000] =	vst v63  }
0xfe: {  	s17 =	sand.u32 $0x7, s3;
	s1 =	sand.u32 $0x1E, s16;
	_ =	swait.ge [sflag:s26], $0xD000  }
0xff: {  	s0 =	sand.u32 $0x60, s3;
	s16 =	simm.s32 $0x0;
	[sflag:s26] =	ssyncset.done $0x0  }
0x100: {  	s18 =	sshrl.u32 s17, $0x2;
	s13 =	rddreg [dreg:$0x1d];
	[sflag:s26] =	ssyncadd.s32 $0xFFFF3000  }
0x101: {  	[hbm4b:s13+s3] =	stream.linear.scatter [tilespmem:s5], [sflag:$0x5], $0x8000, $0x38;
	[tilespmem:$0x1E000] =	vst v63  }
0x102: {  	s1 =	sor.u32 s18, s1;
	s14 =	rddreg [dreg:$0x1e];
	s13 =	simm.s32 $0x0  }
0x103: {  	[hbm4b:s14+s3] =	stream.linear.scatter [tilespmem:s28], [sflag:$0x6], $0x4000, $0x38;
	[tilespmem:$0x1E000] =	vst v63  }
0x104: {  	s1 =	sshll.u32 s1, $0x8;
	s8 =	simm.s32 $0x1;
	s14 =	sand.u32 $0x80, s13  }
0x105: {  	s12 =	sand.u32 $0x3FFFFF80, s13;
	s3 =	sshll.u32 s17, $0x4;
	s1 =	sor.u32 s14, s1  }
0x106: {  	s3 =	sor.u32 s3, s12;
	s14 =	sand.u32 $0x7, s8;
	s1 =	sor.u32 s0, s1  }
0x107: {  	s17 =	sand.u32 $0x1E, s16;
	s16 =	simm.s32 $0x10;
	s18 =	sshrl.u32 s14, $0x2;
	v1 =	vld [tilespmem:s3+$0x15000];
	v2 =	vor.u32 s1, v0  }
0x108: {  	s8 =	simm.s32 $0x2;
	s0 =	simm.s32 $0x20;
	s13 =	sor.u32 s18, s17  }
0x109: {  	s3 =	sshll.u32 s14, $0x4;
	s17 =	sand.u32 $0x80, s16;
	s13 =	sshll.u32 s13, $0x8  }
0x10a: {  	s12 =	sand.u32 $0x60, s0;
	s1 =	sand.u32 $0x3FFFFF80, s16;
	s13 =	sor.u32 s17, s13  }
.LBB2_16:
0x10b: {  	s14 =	sshrl.u32 s8, $0x3;
	s1 =	sor.u32 s3, s1  }
0x10c: {  	s3 =	sor.u32 s12, s13;
	[tilespmem:v2+s10+$0x0] =	vst.idx.msk $0xffff, v1;
	s12 =	smov.u32 s8;
	p0 =	sne.s32 s8, $0xFF  }
.Ltmp7:
0x10d: {  	s8 =	sadd.s32 $0x1, s8;
	s13 =	sand.u32 $0x7, s12;
	v1 =	vld [tilespmem:s1+$0x15000];
	v2 =	vor.u32 s3, v0;
	(pc) =	sbr.rel @p0 .LBB2_16-.Ltmp7, $4  }
0x10e: {  	s1 =	sand.u32 $0x1E, s14;
	s3 =	sshrl.u32 s13, $0x2  }
0x10f: {  	s0 =	sadd.s32 $0x20, s0;
	s1 =	sor.u32 s3, s1;
	s3 =	sshll.u32 s12, $0x4  }
0x110: {  	s12 =	sand.u32 $0x60, s0;
	s14 =	sshll.u32 s1, $0x8;
	s16 =	sand.u32 $0x80, s3  }
0x111: {  	s1 =	sand.u32 $0x3FFFFF80, s3;
	s3 =	sshll.u32 s13, $0x4;
	s13 =	sor.u32 s16, s14  }
0x112: {  	_ =	sdelay $0x3  }
0x113: {  	s0 =	sor.u32 s3, s1;
	s18 =	sor.u32 s12, s13;
	[tilespmem:v2+s10+$0x0] =	vst.idx.msk $0xffff, v1  }
0x114: {  	v1 =	vld [tilespmem:s0+$0x15000];
	v2 =	vor.u32 s18, v0;
	_ =	sdelay $0x4  }
0x115: {  	s3 =	simm.s32 $0x0;
	s8 =	rddreg [dreg:$0x1f];
	[tilespmem:v2+s10+$0x0] =	vst.idx.msk $0xffff, v1  }
0x116: {  	[hbm4b:s8+s3] =	stream.linear.scatter [tilespmem:s10], [sflag:$0x8], $0x2000, $0x38;
	[tilespmem:$0x1E000] =	vst v63  }
0x117: {  	_ =	swait.ge [sflag:s29], $0x8000  }
0x118: {  	[sflag:s29] =	ssyncset.done $0x0  }
0x119: {  	[sflag:s29] =	ssyncadd.s32 $0xFFFF8000  }
0x11a: {  	_ =	swait.ge [sflag:s30], $0x4000  }
0x11b: {  	[sflag:s30] =	ssyncset.done $0x0  }
0x11c: {  	[sflag:s30] =	ssyncadd.s32 $0xFFFFC000  }
0x11d: {  	_ =	swait.ge [sflag:s11], $0x2000  }
0x11e: {  	s12 =	sld [smem:$0x7DA]  }
0x11f: {  	[sflag:s11] =	ssyncset.done $0x0  }
0x120: {  	s16 =	simm.s32 $0x0;
	[sflag:s11] =	ssyncadd.s32 $0xFFFFE000  }
0x121: {  	[tilespmem:s5], [sflag:$0x2] =	stream.linear.gather [hbm4b:s12+s3], $0xD000, $0x38;
	[tilespmem:$0x1E000] =	vst v63  }
0x122: {  	s17 =	sand.u32 $0x7, s3;
	s1 =	sand.u32 $0x1E, s16;
	_ =	swait.ge [sflag:s6], $0xD000  }
0x123: {  	s0 =	sand.u32 $0x60, s3;
	[sflag:s6] =	ssyncset.done $0x0;
	s13 =	rddreg [dreg:$0x13]  }
0x124: {  	s18 =	sshrl.u32 s17, $0x2;
	s14 =	sld [smem:$0x7DB];
	[sflag:s6] =	ssyncadd.s32 $0xFFFF3000  }
0x125: {  	[hbm4b:s13+s3] =	stream.linear.scatter [tilespmem:s3], [sflag:$0x3], $0x4000, $0x38;
	[tilespmem:$0x1E000] =	vst v63  }
0x126: {  	s16 =	simm.s32 $0x0;
	s1 =	sor.u32 s18, s1;
	s13 =	simm.s32 $0x0  }
0x127: {  	[hbm4b:s14+s3] =	stream.linear.scatter [tilespmem:s9], [sflag:$0x4], $0x8000, $0x38;
	[tilespmem:$0x1E000] =	vst v63  }
0x128: {  	s1 =	sshll.u32 s1, $0x8;
	s8 =	simm.s32 $0x1;
	s14 =	sand.u32 $0x80, s13  }
0x129: {  	s12 =	sand.u32 $0x3FFFFF80, s13;
	s3 =	sshll.u32 s17, $0x4;
	s1 =	sor.u32 s14, s1  }
0x12a: {  	s3 =	sor.u32 s3, s12;
	s14 =	sand.u32 $0x7, s8;
	s1 =	sor.u32 s0, s1  }
0x12b: {  	s17 =	sand.u32 $0x1E, s16;
	s16 =	simm.s32 $0x10;
	s18 =	sshrl.u32 s14, $0x2;
	v1 =	vld [tilespmem:s3+$0x4000];
	v2 =	vor.u32 s1, v0  }
0x12c: {  	s8 =	simm.s32 $0x2;
	s0 =	simm.s32 $0x20;
	s13 =	sor.u32 s18, s17  }
0x12d: {  	s3 =	sshll.u32 s14, $0x4;
	s17 =	sand.u32 $0x80, s16;
	s13 =	sshll.u32 s13, $0x8  }
0x12e: {  	s12 =	sand.u32 $0x60, s0;
	s1 =	sand.u32 $0x3FFFFF80, s16;
	s13 =	sor.u32 s17, s13  }
.LBB2_18:
0x12f: {  	s14 =	sshrl.u32 s8, $0x3;
	s1 =	sor.u32 s3, s1  }
0x130: {  	s3 =	sor.u32 s12, s13;
	[tilespmem:v2+s15+$0x0] =	vst.idx.msk $0xffff, v1;
	s12 =	smov.u32 s8;
	p0 =	sne.s32 s8, $0xFF  }
.Ltmp8:
0x131: {  	s8 =	sadd.s32 $0x1, s8;
	s13 =	sand.u32 $0x7, s12;
	v1 =	vld [tilespmem:s1+$0x4000];
	v2 =	vor.u32 s3, v0;
	(pc) =	sbr.rel @p0 .LBB2_18-.Ltmp8, $4  }
0x132: {  	s1 =	sand.u32 $0x1E, s14;
	s3 =	sshrl.u32 s13, $0x2  }
0x133: {  	s0 =	sadd.s32 $0x20, s0;
	s1 =	sor.u32 s3, s1;
	s3 =	sshll.u32 s12, $0x4  }
0x134: {  	s12 =	sand.u32 $0x60, s0;
	s14 =	sshll.u32 s1, $0x8;
	s16 =	sand.u32 $0x80, s3  }
0x135: {  	s1 =	sand.u32 $0x3FFFFF80, s3;
	s3 =	sshll.u32 s13, $0x4;
	s13 =	sor.u32 s16, s14  }
0x136: {  	_ =	sdelay $0x3  }
0x137: {  	s0 =	sor.u32 s3, s1;
	s18 =	sor.u32 s12, s13;
	[tilespmem:v2+s15+$0x0] =	vst.idx.msk $0xffff, v1  }
0x138: {  	v1 =	vld [tilespmem:s0+$0x4000];
	v2 =	vor.u32 s18, v0;
	_ =	sdelay $0x2  }
0x139: {  	s8 =	sld [smem:$0x7DC];
	_ =	sdelay $0x1  }
0x13a: {  	s3 =	simm.s32 $0x0;
	[tilespmem:v2+s15+$0x0] =	vst.idx.msk $0xffff, v1  }
0x13b: {  	[hbm4b:s8+s3] =	stream.linear.scatter [tilespmem:s15], [sflag:$0x7], $0x2000, $0x38;
	[tilespmem:$0x1E000] =	vst v63  }
0x13c: {  	_ =	swait.ge [sflag:s24], $0x4000  }
0x13d: {  	[sflag:s24] =	ssyncset.done $0x0  }
0x13e: {  	[sflag:s24] =	ssyncadd.s32 $0xFFFFC000  }
0x13f: {  	_ =	swait.ge [sflag:s7], $0x8000  }
0x140: {  	[sflag:s7] =	ssyncset.done $0x0  }
0x141: {  	[sflag:s7] =	ssyncadd.s32 $0xFFFF8000  }
0x142: {  	_ =	swait.ge [sflag:s25], $0x2000  }
0x143: {  	[sflag:s25] =	ssyncset.done $0x0  }
0x144: {  	s12 =	rddreg [dreg:$0xb];
	[sflag:s25] =	ssyncadd.s32 $0xFFFFE000  }
0x145: {  	[tilespmem:s3], [sflag:$0x1] =	stream.linear.gather [hbm4b:s12+s3], $0xD000, $0x38;
	[tilespmem:$0x1E000] =	vst v63  }
0x146: {  	_ =	swait.ge [sflag:s26], $0xD000  }
0x147: {  	s16 =	simm.s32 $0x0;
	s17 =	sand.u32 $0x7, s3;
	s13 =	sld [smem:$0x7DD]  }
0x148: {  	s1 =	sand.u32 $0x1E, s16;
	s0 =	sand.u32 $0x60, s3;
	[sflag:s26] =	ssyncset.done $0x0  }
0x149: {  	s18 =	sshrl.u32 s17, $0x2;
	s14 =	sld [smem:$0x7DE];
	[sflag:s26] =	ssyncadd.s32 $0xFFFF3000  }
0x14a: {  	[hbm4b:s13+s3] =	stream.linear.scatter [tilespmem:s5], [sflag:$0x5], $0x8000, $0x38;
	[tilespmem:$0x1E000] =	vst v63  }
0x14b: {  	s16 =	simm.s32 $0x0;
	s1 =	sor.u32 s18, s1;
	s13 =	simm.s32 $0x0  }
0x14c: {  	[hbm4b:s14+s3] =	stream.linear.scatter [tilespmem:s28], [sflag:$0x6], $0x4000, $0x38;
	[tilespmem:$0x1E000] =	vst v63  }
0x14d: {  	s1 =	sshll.u32 s1, $0x8;
	s8 =	simm.s32 $0x1;
	s14 =	sand.u32 $0x80, s13  }
0x14e: {  	s12 =	sand.u32 $0x3FFFFF80, s13;
	s3 =	sshll.u32 s17, $0x4;
	s1 =	sor.u32 s14, s1  }
0x14f: {  	s3 =	sor.u32 s3, s12;
	s14 =	sand.u32 $0x7, s8;
	s1 =	sor.u32 s0, s1  }
0x150: {  	s17 =	sand.u32 $0x1E, s16;
	s16 =	simm.s32 $0x10;
	s18 =	sshrl.u32 s14, $0x2;
	v1 =	vld [tilespmem:s3+$0x15000];
	v2 =	vor.u32 s1, v0  }
0x151: {  	s8 =	simm.s32 $0x2;
	s0 =	simm.s32 $0x20;
	s13 =	sor.u32 s18, s17  }
0x152: {  	s3 =	sshll.u32 s14, $0x4;
	s17 =	sand.u32 $0x80, s16;
	s13 =	sshll.u32 s13, $0x8  }
0x153: {  	s12 =	sand.u32 $0x60, s0;
	s1 =	sand.u32 $0x3FFFFF80, s16;
	s13 =	sor.u32 s17, s13  }
.LBB2_20:
0x154: {  	s14 =	sshrl.u32 s8, $0x3;
	s1 =	sor.u32 s3, s1  }
0x155: {  	s3 =	sor.u32 s12, s13;
	[tilespmem:v2+s10+$0x0] =	vst.idx.msk $0xffff, v1;
	s12 =	smov.u32 s8;
	p0 =	sne.s32 s8, $0xFF  }
.Ltmp9:
0x156: {  	s8 =	sadd.s32 $0x1, s8;
	s13 =	sand.u32 $0x7, s12;
	v1 =	vld [tilespmem:s1+$0x15000];
	v2 =	vor.u32 s3, v0;
	(pc) =	sbr.rel @p0 .LBB2_20-.Ltmp9, $4  }
0x157: {  	s1 =	sand.u32 $0x1E, s14;
	s3 =	sshrl.u32 s13, $0x2  }
0x158: {  	s0 =	sadd.s32 $0x20, s0;
	s1 =	sor.u32 s3, s1;
	s3 =	sshll.u32 s12, $0x4  }
0x159: {  	s12 =	sand.u32 $0x60, s0;
	s14 =	sshll.u32 s1, $0x8;
	s16 =	sand.u32 $0x80, s3  }
0x15a: {  	s1 =	sand.u32 $0x3FFFFF80, s3;
	s3 =	sshll.u32 s13, $0x4;
	s13 =	sor.u32 s16, s14  }
0x15b: {  	_ =	sdelay $0x3  }
0x15c: {  	s0 =	sor.u32 s3, s1;
	s18 =	sor.u32 s12, s13;
	[tilespmem:v2+s10+$0x0] =	vst.idx.msk $0xffff, v1  }
0x15d: {  	v1 =	vld [tilespmem:s0+$0x15000];
	v2 =	vor.u32 s18, v0;
	_ =	sdelay $0x2  }
0x15e: {  	s12 =	sld [smem:$0x7DF];
	_ =	sdelay $0x1  }
0x15f: {  	s3 =	simm.s32 $0x0;
	[tilespmem:v2+s10+$0x0] =	vst.idx.msk $0xffff, v1  }
0x160: {  	[hbm4b:s12+s3] =	stream.linear.scatter [tilespmem:s10], [sflag:$0x8], $0x2000, $0x38;
	[tilespmem:$0x1E000] =	vst v63  }
0x161: {  	_ =	swait.ge [sflag:s29], $0x8000  }
0x162: {  	[sflag:s29] =	ssyncset.done $0x0  }
0x163: {  	[sflag:s29] =	ssyncadd.s32 $0xFFFF8000  }
0x164: {  	_ =	swait.ge [sflag:s30], $0x4000  }
0x165: {  	[sflag:s30] =	ssyncset.done $0x0  }
0x166: {  	[sflag:s30] =	ssyncadd.s32 $0xFFFFC000  }
0x167: {  	_ =	swait.ge [sflag:s11], $0x2000  }
0x168: {  	s13 =	sld [smem:$0x7E0]  }
0x169: {  	[sflag:s11] =	ssyncset.done $0x0  }
0x16a: {  	[sflag:s11] =	ssyncadd.s32 $0xFFFFE000  }
0x16b: {  	[tilespmem:s5], [sflag:$0x2] =	stream.linear.gather [hbm4b:s13+s3], $0xD000, $0x38;
	[tilespmem:$0x1E000] =	vst v63  }
0x16c: {  	s16 =	simm.s32 $0x0;
	s8 =	simm.s32 $0x1;
	_ =	swait.ge [sflag:s6], $0xD000  }
0x16d: {  	s17 =	sand.u32 $0x7, s3;
	s1 =	sand.u32 $0x1E, s16;
	[sflag:s6] =	ssyncset.done $0x0  }
0x16e: {  	s18 =	sshrl.u32 s17, $0x2;
	s14 =	sld [smem:$0x7E1];
	[sflag:s6] =	ssyncadd.s32 $0xFFFF3000  }
0x16f: {  	[hbm4b:s19+s3] =	stream.linear.scatter [tilespmem:s3], [sflag:$0x3], $0x4000, $0x38;
	[tilespmem:$0x1E000] =	vst v63  }
0x170: {  	s0 =	sand.u32 $0x60, s3;
	s1 =	sor.u32 s18, s1;
	s13 =	simm.s32 $0x0  }
0x171: {  	[hbm4b:s14+s3] =	stream.linear.scatter [tilespmem:s9], [sflag:$0x4], $0x8000, $0x38;
	[tilespmem:$0x1E000] =	vst v63  }
0x172: {  	s16 =	simm.s32 $0x0;
	s1 =	sshll.u32 s1, $0x8;
	s14 =	sand.u32 $0x80, s13  }
0x173: {  	s12 =	sand.u32 $0x3FFFFF80, s13;
	s3 =	sshll.u32 s17, $0x4;
	s1 =	sor.u32 s14, s1  }
0x174: {  	s3 =	sor.u32 s3, s12;
	s14 =	sand.u32 $0x7, s8;
	s1 =	sor.u32 s0, s1  }
0x175: {  	s17 =	sand.u32 $0x1E, s16;
	s16 =	simm.s32 $0x10;
	s18 =	sshrl.u32 s14, $0x2;
	v1 =	vld [tilespmem:s3+$0x4000];
	v2 =	vor.u32 s1, v0  }
0x176: {  	s8 =	simm.s32 $0x2;
	s0 =	simm.s32 $0x20;
	s13 =	sor.u32 s18, s17  }
0x177: {  	s3 =	sshll.u32 s14, $0x4;
	s17 =	sand.u32 $0x80, s16;
	s13 =	sshll.u32 s13, $0x8  }
0x178: {  	s12 =	sand.u32 $0x60, s0;
	s1 =	sand.u32 $0x3FFFFF80, s16;
	s13 =	sor.u32 s17, s13  }
.LBB2_22:
0x179: {  	s14 =	sshrl.u32 s8, $0x3;
	s1 =	sor.u32 s3, s1  }
0x17a: {  	s3 =	sor.u32 s12, s13;
	[tilespmem:v2+s15+$0x0] =	vst.idx.msk $0xffff, v1;
	s12 =	smov.u32 s8;
	p0 =	sne.s32 s8, $0xFF  }
.Ltmp10:
0x17b: {  	s8 =	sadd.s32 $0x1, s8;
	s13 =	sand.u32 $0x7, s12;
	v1 =	vld [tilespmem:s1+$0x4000];
	v2 =	vor.u32 s3, v0;
	(pc) =	sbr.rel @p0 .LBB2_22-.Ltmp10, $4  }
0x17c: {  	s1 =	sand.u32 $0x1E, s14;
	s3 =	sshrl.u32 s13, $0x2  }
0x17d: {  	s0 =	sadd.s32 $0x20, s0;
	s1 =	sor.u32 s3, s1;
	s3 =	sshll.u32 s12, $0x4  }
0x17e: {  	s12 =	sand.u32 $0x60, s0;
	s14 =	sshll.u32 s1, $0x8;
	s16 =	sand.u32 $0x80, s3  }
0x17f: {  	s1 =	sand.u32 $0x3FFFFF80, s3;
	s3 =	sshll.u32 s13, $0x4;
	s13 =	sor.u32 s16, s14  }
0x180: {  	_ =	sdelay $0x3  }
0x181: {  	s0 =	sor.u32 s3, s1;
	s18 =	sor.u32 s12, s13;
	[tilespmem:v2+s15+$0x0] =	vst.idx.msk $0xffff, v1  }
0x182: {  	v1 =	vld [tilespmem:s0+$0x4000];
	v2 =	vor.u32 s18, v0;
	_ =	sdelay $0x2  }
0x183: {  	s8 =	sld [smem:$0x7E2];
	_ =	sdelay $0x1  }
0x184: {  	s3 =	simm.s32 $0x0;
	[tilespmem:v2+s15+$0x0] =	vst.idx.msk $0xffff, v1  }
0x185: {  	[hbm4b:s8+s3] =	stream.linear.scatter [tilespmem:s15], [sflag:$0x7], $0x2000, $0x38;
	[tilespmem:$0x1E000] =	vst v63  }
0x186: {  	_ =	swait.ge [sflag:s24], $0x4000  }
0x187: {  	[sflag:s24] =	ssyncset.done $0x0  }
0x188: {  	[sflag:s24] =	ssyncadd.s32 $0xFFFFC000  }
0x189: {  	_ =	swait.ge [sflag:s7], $0x8000  }
0x18a: {  	[sflag:s7] =	ssyncset.done $0x0  }
0x18b: {  	[sflag:s7] =	ssyncadd.s32 $0xFFFF8000  }
0x18c: {  	_ =	swait.ge [sflag:s25], $0x2000  }
0x18d: {  	[sflag:s25] =	ssyncset.done $0x0  }
0x18e: {  	s12 =	rddreg [dreg:$0xc];
	[sflag:s25] =	ssyncadd.s32 $0xFFFFE000  }
0x18f: {  	[tilespmem:s3], [sflag:$0x1] =	stream.linear.gather [hbm4b:s12+s3], $0xD000, $0x38;
	[tilespmem:$0x1E000] =	vst v63  }
0x190: {  	_ =	swait.ge [sflag:s26], $0xD000  }
0x191: {  	s16 =	simm.s32 $0x0;
	s17 =	sand.u32 $0x7, s3;
	s13 =	sld [smem:$0x7E3]  }
0x192: {  	s1 =	sand.u32 $0x1E, s16;
	s0 =	sand.u32 $0x60, s3;
	[sflag:s26] =	ssyncset.done $0x0  }
0x193: {  	s18 =	sshrl.u32 s17, $0x2;
	s14 =	sld [smem:$0x7E4];
	[sflag:s26] =	ssyncadd.s32 $0xFFFF3000  }
0x194: {  	[hbm4b:s13+s3] =	stream.linear.scatter [tilespmem:s5], [sflag:$0x5], $0x8000, $0x38;
	[tilespmem:$0x1E000] =	vst v63  }
0x195: {  	s16 =	simm.s32 $0x0;
	s1 =	sor.u32 s18, s1;
	s13 =	simm.s32 $0x0  }
0x196: {  	[hbm4b:s14+s3] =	stream.linear.scatter [tilespmem:s28], [sflag:$0x6], $0x4000, $0x38;
	[tilespmem:$0x1E000] =	vst v63  }
0x197: {  	s1 =	sshll.u32 s1, $0x8;
	s8 =	simm.s32 $0x1;
	s14 =	sand.u32 $0x80, s13  }
0x198: {  	s12 =	sand.u32 $0x3FFFFF80, s13;
	s3 =	sshll.u32 s17, $0x4;
	s1 =	sor.u32 s14, s1  }
0x199: {  	s3 =	sor.u32 s3, s12;
	s14 =	sand.u32 $0x7, s8;
	s1 =	sor.u32 s0, s1  }
0x19a: {  	s17 =	sand.u32 $0x1E, s16;
	s16 =	simm.s32 $0x10;
	s18 =	sshrl.u32 s14, $0x2;
	v1 =	vld [tilespmem:s3+$0x15000];
	v2 =	vor.u32 s1, v0  }
0x19b: {  	s8 =	simm.s32 $0x2;
	s0 =	simm.s32 $0x20;
	s13 =	sor.u32 s18, s17  }
0x19c: {  	s3 =	sshll.u32 s14, $0x4;
	s17 =	sand.u32 $0x80, s16;
	s13 =	sshll.u32 s13, $0x8  }
0x19d: {  	s12 =	sand.u32 $0x60, s0;
	s1 =	sand.u32 $0x3FFFFF80, s16;
	s13 =	sor.u32 s17, s13  }
.LBB2_24:
0x19e: {  	s14 =	sshrl.u32 s8, $0x3;
	s1 =	sor.u32 s3, s1  }
0x19f: {  	s3 =	sor.u32 s12, s13;
	[tilespmem:v2+s10+$0x0] =	vst.idx.msk $0xffff, v1;
	s12 =	smov.u32 s8;
	p0 =	sne.s32 s8, $0xFF  }
.Ltmp11:
0x1a0: {  	s8 =	sadd.s32 $0x1, s8;
	s13 =	sand.u32 $0x7, s12;
	v1 =	vld [tilespmem:s1+$0x15000];
	v2 =	vor.u32 s3, v0;
	(pc) =	sbr.rel @p0 .LBB2_24-.Ltmp11, $4  }
0x1a1: {  	s1 =	sand.u32 $0x1E, s14;
	s3 =	sshrl.u32 s13, $0x2  }
0x1a2: {  	s0 =	sadd.s32 $0x20, s0;
	s1 =	sor.u32 s3, s1;
	s3 =	sshll.u32 s12, $0x4  }
0x1a3: {  	s12 =	sand.u32 $0x60, s0;
	s14 =	sshll.u32 s1, $0x8;
	s16 =	sand.u32 $0x80, s3  }
0x1a4: {  	s1 =	sand.u32 $0x3FFFFF80, s3;
	s3 =	sshll.u32 s13, $0x4;
	s13 =	sor.u32 s16, s14  }
0x1a5: {  	_ =	sdelay $0x3  }
0x1a6: {  	s0 =	sor.u32 s3, s1;
	s18 =	sor.u32 s12, s13;
	[tilespmem:v2+s10+$0x0] =	vst.idx.msk $0xffff, v1  }
0x1a7: {  	v1 =	vld [tilespmem:s0+$0x15000];
	v2 =	vor.u32 s18, v0;
	_ =	sdelay $0x2  }
0x1a8: {  	s12 =	sld [smem:$0x7E5];
	_ =	sdelay $0x1  }
0x1a9: {  	s3 =	simm.s32 $0x0;
	[tilespmem:v2+s10+$0x0] =	vst.idx.msk $0xffff, v1  }
0x1aa: {  	[hbm4b:s12+s3] =	stream.linear.scatter [tilespmem:s10], [sflag:$0x8], $0x2000, $0x38;
	[tilespmem:$0x1E000] =	vst v63  }
0x1ab: {  	_ =	swait.ge [sflag:s29], $0x8000  }
0x1ac: {  	[sflag:s29] =	ssyncset.done $0x0  }
0x1ad: {  	[sflag:s29] =	ssyncadd.s32 $0xFFFF8000  }
0x1ae: {  	_ =	swait.ge [sflag:s30], $0x4000  }
0x1af: {  	[sflag:s30] =	ssyncset.done $0x0  }
0x1b0: {  	[sflag:s30] =	ssyncadd.s32 $0xFFFFC000  }
0x1b1: {  	_ =	swait.ge [sflag:s11], $0x2000  }
0x1b2: {  	s13 =	sld [smem:$0x7E6]  }
0x1b3: {  	[sflag:s11] =	ssyncset.done $0x0  }
0x1b4: {  	[sflag:s11] =	ssyncadd.s32 $0xFFFFE000  }
0x1b5: {  	[tilespmem:s5], [sflag:$0x2] =	stream.linear.gather [hbm4b:s13+s3], $0xD000, $0x38;
	[tilespmem:$0x1E000] =	vst v63  }
0x1b6: {  	s16 =	simm.s32 $0x0;
	s8 =	simm.s32 $0x1;
	_ =	swait.ge [sflag:s6], $0xD000  }
0x1b7: {  	s17 =	sand.u32 $0x7, s3;
	s1 =	sand.u32 $0x1E, s16;
	[sflag:s6] =	ssyncset.done $0x0  }
0x1b8: {  	s18 =	sshrl.u32 s17, $0x2;
	s14 =	sld [smem:$0x7E7];
	[sflag:s6] =	ssyncadd.s32 $0xFFFF3000  }
0x1b9: {  	[hbm4b:s20+s3] =	stream.linear.scatter [tilespmem:s3], [sflag:$0x3], $0x4000, $0x38;
	[tilespmem:$0x1E000] =	vst v63  }
0x1ba: {  	s0 =	sand.u32 $0x60, s3;
	s1 =	sor.u32 s18, s1;
	s13 =	simm.s32 $0x0  }
0x1bb: {  	[hbm4b:s14+s3] =	stream.linear.scatter [tilespmem:s9], [sflag:$0x4], $0x8000, $0x38;
	[tilespmem:$0x1E000] =	vst v63  }
0x1bc: {  	s16 =	simm.s32 $0x0;
	s1 =	sshll.u32 s1, $0x8;
	s14 =	sand.u32 $0x80, s13  }
0x1bd: {  	s12 =	sand.u32 $0x3FFFFF80, s13;
	s3 =	sshll.u32 s17, $0x4;
	s1 =	sor.u32 s14, s1  }
0x1be: {  	s3 =	sor.u32 s3, s12;
	s14 =	sand.u32 $0x7, s8;
	s1 =	sor.u32 s0, s1  }
0x1bf: {  	s17 =	sand.u32 $0x1E, s16;
	s16 =	simm.s32 $0x10;
	s18 =	sshrl.u32 s14, $0x2;
	v1 =	vld [tilespmem:s3+$0x4000];
	v2 =	vor.u32 s1, v0  }
0x1c0: {  	s8 =	simm.s32 $0x2;
	s0 =	simm.s32 $0x20;
	s13 =	sor.u32 s18, s17  }
0x1c1: {  	s3 =	sshll.u32 s14, $0x4;
	s17 =	sand.u32 $0x80, s16;
	s13 =	sshll.u32 s13, $0x8  }
0x1c2: {  	s12 =	sand.u32 $0x60, s0;
	s1 =	sand.u32 $0x3FFFFF80, s16;
	s13 =	sor.u32 s17, s13  }
.LBB2_26:
0x1c3: {  	s14 =	sshrl.u32 s8, $0x3;
	s1 =	sor.u32 s3, s1  }
0x1c4: {  	s3 =	sor.u32 s12, s13;
	[tilespmem:v2+s15+$0x0] =	vst.idx.msk $0xffff, v1;
	s12 =	smov.u32 s8;
	p0 =	sne.s32 s8, $0xFF  }
.Ltmp12:
0x1c5: {  	s8 =	sadd.s32 $0x1, s8;
	s13 =	sand.u32 $0x7, s12;
	v1 =	vld [tilespmem:s1+$0x4000];
	v2 =	vor.u32 s3, v0;
	(pc) =	sbr.rel @p0 .LBB2_26-.Ltmp12, $4  }
0x1c6: {  	s1 =	sand.u32 $0x1E, s14;
	s3 =	sshrl.u32 s13, $0x2  }
0x1c7: {  	s0 =	sadd.s32 $0x20, s0;
	s1 =	sor.u32 s3, s1;
	s3 =	sshll.u32 s12, $0x4  }
0x1c8: {  	s12 =	sand.u32 $0x60, s0;
	s14 =	sshll.u32 s1, $0x8;
	s16 =	sand.u32 $0x80, s3  }
0x1c9: {  	s1 =	sand.u32 $0x3FFFFF80, s3;
	s3 =	sshll.u32 s13, $0x4;
	s13 =	sor.u32 s16, s14  }
0x1ca: {  	_ =	sdelay $0x3  }
0x1cb: {  	s0 =	sor.u32 s3, s1;
	s18 =	sor.u32 s12, s13;
	[tilespmem:v2+s15+$0x0] =	vst.idx.msk $0xffff, v1  }
0x1cc: {  	v1 =	vld [tilespmem:s0+$0x4000];
	v2 =	vor.u32 s18, v0;
	_ =	sdelay $0x2  }
0x1cd: {  	s8 =	sld [smem:$0x7E8];
	_ =	sdelay $0x1  }
0x1ce: {  	s3 =	simm.s32 $0x0;
	[tilespmem:v2+s15+$0x0] =	vst.idx.msk $0xffff, v1  }
0x1cf: {  	[hbm4b:s8+s3] =	stream.linear.scatter [tilespmem:s15], [sflag:$0x7], $0x2000, $0x38;
	[tilespmem:$0x1E000] =	vst v63  }
0x1d0: {  	_ =	swait.ge [sflag:s24], $0x4000  }
0x1d1: {  	[sflag:s24] =	ssyncset.done $0x0  }
0x1d2: {  	[sflag:s24] =	ssyncadd.s32 $0xFFFFC000  }
0x1d3: {  	_ =	swait.ge [sflag:s7], $0x8000  }
0x1d4: {  	[sflag:s7] =	ssyncset.done $0x0  }
0x1d5: {  	[sflag:s7] =	ssyncadd.s32 $0xFFFF8000  }
0x1d6: {  	_ =	swait.ge [sflag:s25], $0x2000  }
0x1d7: {  	[sflag:s25] =	ssyncset.done $0x0  }
0x1d8: {  	s12 =	rddreg [dreg:$0xd];
	[sflag:s25] =	ssyncadd.s32 $0xFFFFE000  }
0x1d9: {  	[tilespmem:s3], [sflag:$0x1] =	stream.linear.gather [hbm4b:s12+s3], $0xD000, $0x38;
	[tilespmem:$0x1E000] =	vst v63  }
0x1da: {  	_ =	swait.ge [sflag:s26], $0xD000  }
0x1db: {  	s16 =	simm.s32 $0x0;
	s17 =	sand.u32 $0x7, s3;
	s13 =	sld [smem:$0x7E9]  }
0x1dc: {  	s1 =	sand.u32 $0x1E, s16;
	s0 =	sand.u32 $0x60, s3;
	[sflag:s26] =	ssyncset.done $0x0  }
0x1dd: {  	s18 =	sshrl.u32 s17, $0x2;
	s14 =	sld [smem:$0x7EA];
	[sflag:s26] =	ssyncadd.s32 $0xFFFF3000  }
0x1de: {  	[hbm4b:s13+s3] =	stream.linear.scatter [tilespmem:s5], [sflag:$0x5], $0x8000, $0x38;
	[tilespmem:$0x1E000] =	vst v63  }
0x1df: {  	s16 =	simm.s32 $0x0;
	s1 =	sor.u32 s18, s1;
	s13 =	simm.s32 $0x0  }
0x1e0: {  	[hbm4b:s14+s3] =	stream.linear.scatter [tilespmem:s28], [sflag:$0x6], $0x4000, $0x38;
	[tilespmem:$0x1E000] =	vst v63  }
0x1e1: {  	s1 =	sshll.u32 s1, $0x8;
	s8 =	simm.s32 $0x1;
	s14 =	sand.u32 $0x80, s13  }
0x1e2: {  	s12 =	sand.u32 $0x3FFFFF80, s13;
	s3 =	sshll.u32 s17, $0x4;
	s1 =	sor.u32 s14, s1  }
0x1e3: {  	s3 =	sor.u32 s3, s12;
	s14 =	sand.u32 $0x7, s8;
	s1 =	sor.u32 s0, s1  }
0x1e4: {  	s17 =	sand.u32 $0x1E, s16;
	s16 =	simm.s32 $0x10;
	s18 =	sshrl.u32 s14, $0x2;
	v1 =	vld [tilespmem:s3+$0x15000];
	v2 =	vor.u32 s1, v0  }
0x1e5: {  	s8 =	simm.s32 $0x2;
	s0 =	simm.s32 $0x20;
	s13 =	sor.u32 s18, s17  }
0x1e6: {  	s3 =	sshll.u32 s14, $0x4;
	s17 =	sand.u32 $0x80, s16;
	s13 =	sshll.u32 s13, $0x8  }
0x1e7: {  	s12 =	sand.u32 $0x60, s0;
	s1 =	sand.u32 $0x3FFFFF80, s16;
	s13 =	sor.u32 s17, s13  }
.LBB2_28:
0x1e8: {  	s14 =	sshrl.u32 s8, $0x3;
	s1 =	sor.u32 s3, s1  }
0x1e9: {  	s3 =	sor.u32 s12, s13;
	[tilespmem:v2+s10+$0x0] =	vst.idx.msk $0xffff, v1;
	s12 =	smov.u32 s8;
	p0 =	sne.s32 s8, $0xFF  }
.Ltmp13:
0x1ea: {  	s8 =	sadd.s32 $0x1, s8;
	s13 =	sand.u32 $0x7, s12;
	v1 =	vld [tilespmem:s1+$0x15000];
	v2 =	vor.u32 s3, v0;
	(pc) =	sbr.rel @p0 .LBB2_28-.Ltmp13, $4  }
0x1eb: {  	s1 =	sand.u32 $0x1E, s14;
	s3 =	sshrl.u32 s13, $0x2  }
0x1ec: {  	s0 =	sadd.s32 $0x20, s0;
	s1 =	sor.u32 s3, s1;
	s3 =	sshll.u32 s12, $0x4  }
0x1ed: {  	s12 =	sand.u32 $0x60, s0;
	s14 =	sshll.u32 s1, $0x8;
	s16 =	sand.u32 $0x80, s3  }
0x1ee: {  	s1 =	sand.u32 $0x3FFFFF80, s3;
	s3 =	sshll.u32 s13, $0x4;
	s13 =	sor.u32 s16, s14  }
0x1ef: {  	_ =	sdelay $0x3  }
0x1f0: {  	s0 =	sor.u32 s3, s1;
	s18 =	sor.u32 s12, s13;
	[tilespmem:v2+s10+$0x0] =	vst.idx.msk $0xffff, v1  }
0x1f1: {  	v1 =	vld [tilespmem:s0+$0x15000];
	v2 =	vor.u32 s18, v0;
	_ =	sdelay $0x2  }
0x1f2: {  	s12 =	sld [smem:$0x7EB];
	_ =	sdelay $0x1  }
0x1f3: {  	s3 =	simm.s32 $0x0;
	[tilespmem:v2+s10+$0x0] =	vst.idx.msk $0xffff, v1  }
0x1f4: {  	[hbm4b:s12+s3] =	stream.linear.scatter [tilespmem:s10], [sflag:$0x8], $0x2000, $0x38;
	[tilespmem:$0x1E000] =	vst v63  }
0x1f5: {  	_ =	swait.ge [sflag:s29], $0x8000  }
0x1f6: {  	[sflag:s29] =	ssyncset.done $0x0  }
0x1f7: {  	[sflag:s29] =	ssyncadd.s32 $0xFFFF8000  }
0x1f8: {  	_ =	swait.ge [sflag:s30], $0x4000  }
0x1f9: {  	[sflag:s30] =	ssyncset.done $0x0  }
0x1fa: {  	[sflag:s30] =	ssyncadd.s32 $0xFFFFC000  }
0x1fb: {  	_ =	swait.ge [sflag:s11], $0x2000  }
0x1fc: {  	s13 =	sld [smem:$0x7EC]  }
0x1fd: {  	[sflag:s11] =	ssyncset.done $0x0  }
0x1fe: {  	[sflag:s11] =	ssyncadd.s32 $0xFFFFE000  }
0x1ff: {  	[tilespmem:s5], [sflag:$0x2] =	stream.linear.gather [hbm4b:s13+s3], $0xD000, $0x38;
	[tilespmem:$0x1E000] =	vst v63  }
0x200: {  	s16 =	simm.s32 $0x0;
	s8 =	simm.s32 $0x1;
	_ =	swait.ge [sflag:s6], $0xD000  }
0x201: {  	s17 =	sand.u32 $0x7, s3;
	s1 =	sand.u32 $0x1E, s16;
	[sflag:s6] =	ssyncset.done $0x0  }
0x202: {  	s18 =	sshrl.u32 s17, $0x2;
	s14 =	sld [smem:$0x7ED];
	[sflag:s6] =	ssyncadd.s32 $0xFFFF3000  }
0x203: {  	[hbm4b:s21+s3] =	stream.linear.scatter [tilespmem:s3], [sflag:$0x3], $0x4000, $0x38;
	[tilespmem:$0x1E000] =	vst v63  }
0x204: {  	s0 =	sand.u32 $0x60, s3;
	s1 =	sor.u32 s18, s1;
	s13 =	simm.s32 $0x0  }
0x205: {  	[hbm4b:s14+s3] =	stream.linear.scatter [tilespmem:s9], [sflag:$0x4], $0x8000, $0x38;
	[tilespmem:$0x1E000] =	vst v63  }
0x206: {  	s16 =	simm.s32 $0x0;
	s1 =	sshll.u32 s1, $0x8;
	s14 =	sand.u32 $0x80, s13  }
0x207: {  	s12 =	sand.u32 $0x3FFFFF80, s13;
	s3 =	sshll.u32 s17, $0x4;
	s1 =	sor.u32 s14, s1  }
0x208: {  	s3 =	sor.u32 s3, s12;
	s14 =	sand.u32 $0x7, s8;
	s1 =	sor.u32 s0, s1  }
0x209: {  	s17 =	sand.u32 $0x1E, s16;
	s16 =	simm.s32 $0x10;
	s18 =	sshrl.u32 s14, $0x2;
	v1 =	vld [tilespmem:s3+$0x4000];
	v2 =	vor.u32 s1, v0  }
0x20a: {  	s8 =	simm.s32 $0x2;
	s0 =	simm.s32 $0x20;
	s13 =	sor.u32 s18, s17  }
0x20b: {  	s3 =	sshll.u32 s14, $0x4;
	s17 =	sand.u32 $0x80, s16;
	s13 =	sshll.u32 s13, $0x8  }
0x20c: {  	s12 =	sand.u32 $0x60, s0;
	s1 =	sand.u32 $0x3FFFFF80, s16;
	s13 =	sor.u32 s17, s13  }
.LBB2_30:
0x20d: {  	s14 =	sshrl.u32 s8, $0x3;
	s1 =	sor.u32 s3, s1  }
0x20e: {  	s3 =	sor.u32 s12, s13;
	[tilespmem:v2+s15+$0x0] =	vst.idx.msk $0xffff, v1;
	s12 =	smov.u32 s8;
	p0 =	sne.s32 s8, $0xFF  }
.Ltmp14:
0x20f: {  	s8 =	sadd.s32 $0x1, s8;
	s13 =	sand.u32 $0x7, s12;
	v1 =	vld [tilespmem:s1+$0x4000];
	v2 =	vor.u32 s3, v0;
	(pc) =	sbr.rel @p0 .LBB2_30-.Ltmp14, $4  }
0x210: {  	s1 =	sand.u32 $0x1E, s14;
	s3 =	sshrl.u32 s13, $0x2  }
0x211: {  	s0 =	sadd.s32 $0x20, s0;
	s1 =	sor.u32 s3, s1;
	s3 =	sshll.u32 s12, $0x4  }
0x212: {  	s12 =	sand.u32 $0x60, s0;
	s14 =	sshll.u32 s1, $0x8;
	s16 =	sand.u32 $0x80, s3  }
0x213: {  	s1 =	sand.u32 $0x3FFFFF80, s3;
	s3 =	sshll.u32 s13, $0x4;
	s13 =	sor.u32 s16, s14  }
0x214: {  	_ =	sdelay $0x3  }
0x215: {  	s0 =	sor.u32 s3, s1;
	s18 =	sor.u32 s12, s13;
	[tilespmem:v2+s15+$0x0] =	vst.idx.msk $0xffff, v1  }
0x216: {  	v1 =	vld [tilespmem:s0+$0x4000];
	v2 =	vor.u32 s18, v0;
	_ =	sdelay $0x2  }
0x217: {  	s8 =	sld [smem:$0x7EE];
	_ =	sdelay $0x1  }
0x218: {  	s3 =	simm.s32 $0x0;
	[tilespmem:v2+s15+$0x0] =	vst.idx.msk $0xffff, v1  }
0x219: {  	[hbm4b:s8+s3] =	stream.linear.scatter [tilespmem:s15], [sflag:$0x7], $0x2000, $0x38;
	[tilespmem:$0x1E000] =	vst v63  }
0x21a: {  	_ =	swait.ge [sflag:s24], $0x4000  }
0x21b: {  	[sflag:s24] =	ssyncset.done $0x0  }
0x21c: {  	[sflag:s24] =	ssyncadd.s32 $0xFFFFC000  }
0x21d: {  	_ =	swait.ge [sflag:s7], $0x8000  }
0x21e: {  	[sflag:s7] =	ssyncset.done $0x0  }
0x21f: {  	[sflag:s7] =	ssyncadd.s32 $0xFFFF8000  }
0x220: {  	_ =	swait.ge [sflag:s25], $0x2000  }
0x221: {  	[sflag:s25] =	ssyncset.done $0x0  }
0x222: {  	s12 =	rddreg [dreg:$0xe];
	[sflag:s25] =	ssyncadd.s32 $0xFFFFE000  }
0x223: {  	[tilespmem:s3], [sflag:$0x1] =	stream.linear.gather [hbm4b:s12+s3], $0xD000, $0x38;
	[tilespmem:$0x1E000] =	vst v63  }
0x224: {  	_ =	swait.ge [sflag:s26], $0xD000  }
0x225: {  	s16 =	simm.s32 $0x0;
	s17 =	sand.u32 $0x7, s3;
	s13 =	sld [smem:$0x7EF]  }
0x226: {  	s1 =	sand.u32 $0x1E, s16;
	s0 =	sand.u32 $0x60, s3;
	[sflag:s26] =	ssyncset.done $0x0  }
0x227: {  	s18 =	sshrl.u32 s17, $0x2;
	s14 =	sld [smem:$0x7F0];
	[sflag:s26] =	ssyncadd.s32 $0xFFFF3000  }
0x228: {  	[hbm4b:s13+s3] =	stream.linear.scatter [tilespmem:s5], [sflag:$0x5], $0x8000, $0x38;
	[tilespmem:$0x1E000] =	vst v63  }
0x229: {  	s16 =	simm.s32 $0x0;
	s1 =	sor.u32 s18, s1;
	s13 =	simm.s32 $0x0  }
0x22a: {  	[hbm4b:s14+s3] =	stream.linear.scatter [tilespmem:s28], [sflag:$0x6], $0x4000, $0x38;
	[tilespmem:$0x1E000] =	vst v63  }
0x22b: {  	s1 =	sshll.u32 s1, $0x8;
	s8 =	simm.s32 $0x1;
	s14 =	sand.u32 $0x80, s13  }
0x22c: {  	s12 =	sand.u32 $0x3FFFFF80, s13;
	s3 =	sshll.u32 s17, $0x4;
	s1 =	sor.u32 s14, s1  }
0x22d: {  	s3 =	sor.u32 s3, s12;
	s14 =	sand.u32 $0x7, s8;
	s1 =	sor.u32 s0, s1  }
0x22e: {  	s17 =	sand.u32 $0x1E, s16;
	s16 =	simm.s32 $0x10;
	s18 =	sshrl.u32 s14, $0x2;
	v1 =	vld [tilespmem:s3+$0x15000];
	v2 =	vor.u32 s1, v0  }
0x22f: {  	s8 =	simm.s32 $0x2;
	s0 =	simm.s32 $0x20;
	s13 =	sor.u32 s18, s17  }
0x230: {  	s3 =	sshll.u32 s14, $0x4;
	s17 =	sand.u32 $0x80, s16;
	s13 =	sshll.u32 s13, $0x8  }
0x231: {  	s12 =	sand.u32 $0x60, s0;
	s1 =	sand.u32 $0x3FFFFF80, s16;
	s13 =	sor.u32 s17, s13  }
.LBB2_32:
0x232: {  	s14 =	sshrl.u32 s8, $0x3;
	s1 =	sor.u32 s3, s1  }
0x233: {  	s3 =	sor.u32 s12, s13;
	[tilespmem:v2+s10+$0x0] =	vst.idx.msk $0xffff, v1;
	s12 =	smov.u32 s8;
	p0 =	sne.s32 s8, $0xFF  }
.Ltmp15:
0x234: {  	s8 =	sadd.s32 $0x1, s8;
	s13 =	sand.u32 $0x7, s12;
	v1 =	vld [tilespmem:s1+$0x15000];
	v2 =	vor.u32 s3, v0;
	(pc) =	sbr.rel @p0 .LBB2_32-.Ltmp15, $4  }
0x235: {  	s1 =	sand.u32 $0x1E, s14;
	s3 =	sshrl.u32 s13, $0x2  }
0x236: {  	s0 =	sadd.s32 $0x20, s0;
	s1 =	sor.u32 s3, s1;
	s3 =	sshll.u32 s12, $0x4  }
0x237: {  	s12 =	sand.u32 $0x60, s0;
	s14 =	sshll.u32 s1, $0x8;
	s16 =	sand.u32 $0x80, s3  }
0x238: {  	s1 =	sand.u32 $0x3FFFFF80, s3;
	s3 =	sshll.u32 s13, $0x4;
	s13 =	sor.u32 s16, s14  }
0x239: {  	_ =	sdelay $0x3  }
0x23a: {  	s0 =	sor.u32 s3, s1;
	s18 =	sor.u32 s12, s13;
	[tilespmem:v2+s10+$0x0] =	vst.idx.msk $0xffff, v1  }
0x23b: {  	v1 =	vld [tilespmem:s0+$0x15000];
	v2 =	vor.u32 s18, v0;
	_ =	sdelay $0x2  }
0x23c: {  	s12 =	sld [smem:$0x7F1];
	_ =	sdelay $0x1  }
0x23d: {  	s3 =	simm.s32 $0x0;
	[tilespmem:v2+s10+$0x0] =	vst.idx.msk $0xffff, v1  }
0x23e: {  	[hbm4b:s12+s3] =	stream.linear.scatter [tilespmem:s10], [sflag:$0x8], $0x2000, $0x38;
	[tilespmem:$0x1E000] =	vst v63  }
0x23f: {  	_ =	swait.ge [sflag:s29], $0x8000  }
0x240: {  	[sflag:s29] =	ssyncset.done $0x0  }
0x241: {  	[sflag:s29] =	ssyncadd.s32 $0xFFFF8000  }
0x242: {  	_ =	swait.ge [sflag:s30], $0x4000  }
0x243: {  	[sflag:s30] =	ssyncset.done $0x0  }
0x244: {  	[sflag:s30] =	ssyncadd.s32 $0xFFFFC000  }
0x245: {  	_ =	swait.ge [sflag:s11], $0x2000  }
0x246: {  	s13 =	sld [smem:$0x7F2]  }
0x247: {  	[sflag:s11] =	ssyncset.done $0x0  }
0x248: {  	[sflag:s11] =	ssyncadd.s32 $0xFFFFE000  }
0x249: {  	[tilespmem:s5], [sflag:$0x2] =	stream.linear.gather [hbm4b:s13+s3], $0xD000, $0x38;
	[tilespmem:$0x1E000] =	vst v63  }
0x24a: {  	s16 =	simm.s32 $0x0;
	s8 =	simm.s32 $0x1;
	_ =	swait.ge [sflag:s6], $0xD000  }
0x24b: {  	s17 =	sand.u32 $0x7, s3;
	s1 =	sand.u32 $0x1E, s16;
	[sflag:s6] =	ssyncset.done $0x0  }
0x24c: {  	s18 =	sshrl.u32 s17, $0x2;
	s14 =	sld [smem:$0x7F3];
	[sflag:s6] =	ssyncadd.s32 $0xFFFF3000  }
0x24d: {  	[hbm4b:s22+s3] =	stream.linear.scatter [tilespmem:s3], [sflag:$0x3], $0x4000, $0x38;
	[tilespmem:$0x1E000] =	vst v63  }
0x24e: {  	s0 =	sand.u32 $0x60, s3;
	s1 =	sor.u32 s18, s1;
	s13 =	simm.s32 $0x0  }
0x24f: {  	[hbm4b:s14+s3] =	stream.linear.scatter [tilespmem:s9], [sflag:$0x4], $0x8000, $0x38;
	[tilespmem:$0x1E000] =	vst v63  }
0x250: {  	s16 =	simm.s32 $0x0;
	s1 =	sshll.u32 s1, $0x8;
	s14 =	sand.u32 $0x80, s13  }
0x251: {  	s12 =	sand.u32 $0x3FFFFF80, s13;
	s3 =	sshll.u32 s17, $0x4;
	s1 =	sor.u32 s14, s1  }
0x252: {  	s3 =	sor.u32 s3, s12;
	s14 =	sand.u32 $0x7, s8;
	s1 =	sor.u32 s0, s1  }
0x253: {  	s17 =	sand.u32 $0x1E, s16;
	s16 =	simm.s32 $0x10;
	s18 =	sshrl.u32 s14, $0x2;
	v1 =	vld [tilespmem:s3+$0x4000];
	v2 =	vor.u32 s1, v0  }
0x254: {  	s8 =	simm.s32 $0x2;
	s0 =	simm.s32 $0x20;
	s13 =	sor.u32 s18, s17  }
0x255: {  	s3 =	sshll.u32 s14, $0x4;
	s17 =	sand.u32 $0x80, s16;
	s13 =	sshll.u32 s13, $0x8  }
0x256: {  	s12 =	sand.u32 $0x60, s0;
	s1 =	sand.u32 $0x3FFFFF80, s16;
	s13 =	sor.u32 s17, s13  }
.LBB2_34:
0x257: {  	s14 =	sshrl.u32 s8, $0x3;
	s1 =	sor.u32 s3, s1  }
0x258: {  	s3 =	sor.u32 s12, s13;
	[tilespmem:v2+s15+$0x0] =	vst.idx.msk $0xffff, v1;
	s12 =	smov.u32 s8;
	p0 =	sne.s32 s8, $0xFF  }
.Ltmp16:
0x259: {  	s8 =	sadd.s32 $0x1, s8;
	s13 =	sand.u32 $0x7, s12;
	v1 =	vld [tilespmem:s1+$0x4000];
	v2 =	vor.u32 s3, v0;
	(pc) =	sbr.rel @p0 .LBB2_34-.Ltmp16, $4  }
0x25a: {  	s1 =	sand.u32 $0x1E, s14;
	s3 =	sshrl.u32 s13, $0x2  }
0x25b: {  	s0 =	sadd.s32 $0x20, s0;
	s1 =	sor.u32 s3, s1;
	s3 =	sshll.u32 s12, $0x4  }
0x25c: {  	s12 =	sand.u32 $0x60, s0;
	s14 =	sshll.u32 s1, $0x8;
	s16 =	sand.u32 $0x80, s3  }
0x25d: {  	s1 =	sand.u32 $0x3FFFFF80, s3;
	s3 =	sshll.u32 s13, $0x4;
	s13 =	sor.u32 s16, s14  }
0x25e: {  	_ =	sdelay $0x3  }
0x25f: {  	s0 =	sor.u32 s3, s1;
	s18 =	sor.u32 s12, s13;
	[tilespmem:v2+s15+$0x0] =	vst.idx.msk $0xffff, v1  }
0x260: {  	v1 =	vld [tilespmem:s0+$0x4000];
	v2 =	vor.u32 s18, v0;
	_ =	sdelay $0x2  }
0x261: {  	s8 =	sld [smem:$0x7F4];
	_ =	sdelay $0x1  }
0x262: {  	s3 =	simm.s32 $0x0;
	[tilespmem:v2+s15+$0x0] =	vst.idx.msk $0xffff, v1  }
0x263: {  	[hbm4b:s8+s3] =	stream.linear.scatter [tilespmem:s15], [sflag:$0x7], $0x2000, $0x38;
	[tilespmem:$0x1E000] =	vst v63  }
0x264: {  	_ =	swait.ge [sflag:s24], $0x4000  }
0x265: {  	[sflag:s24] =	ssyncset.done $0x0  }
0x266: {  	[sflag:s24] =	ssyncadd.s32 $0xFFFFC000  }
0x267: {  	_ =	swait.ge [sflag:s7], $0x8000  }
0x268: {  	[sflag:s7] =	ssyncset.done $0x0  }
0x269: {  	[sflag:s7] =	ssyncadd.s32 $0xFFFF8000  }
0x26a: {  	_ =	swait.ge [sflag:s25], $0x2000  }
0x26b: {  	[sflag:s25] =	ssyncset.done $0x0  }
0x26c: {  	s12 =	rddreg [dreg:$0xf];
	[sflag:s25] =	ssyncadd.s32 $0xFFFFE000  }
0x26d: {  	[tilespmem:s3], [sflag:$0x1] =	stream.linear.gather [hbm4b:s12+s3], $0xD000, $0x38;
	[tilespmem:$0x1E000] =	vst v63  }
0x26e: {  	_ =	swait.ge [sflag:s26], $0xD000  }
0x26f: {  	s16 =	simm.s32 $0x0;
	s17 =	sand.u32 $0x7, s3;
	s13 =	sld [smem:$0x7F5]  }
0x270: {  	s1 =	sand.u32 $0x1E, s16;
	s0 =	sand.u32 $0x60, s3;
	[sflag:s26] =	ssyncset.done $0x0  }
0x271: {  	s18 =	sshrl.u32 s17, $0x2;
	s14 =	sld [smem:$0x7F6];
	[sflag:s26] =	ssyncadd.s32 $0xFFFF3000  }
0x272: {  	[hbm4b:s13+s3] =	stream.linear.scatter [tilespmem:s5], [sflag:$0x5], $0x8000, $0x38;
	[tilespmem:$0x1E000] =	vst v63  }
0x273: {  	s16 =	simm.s32 $0x0;
	s1 =	sor.u32 s18, s1;
	s13 =	simm.s32 $0x0  }
0x274: {  	[hbm4b:s14+s3] =	stream.linear.scatter [tilespmem:s28], [sflag:$0x6], $0x4000, $0x38;
	[tilespmem:$0x1E000] =	vst v63  }
0x275: {  	s1 =	sshll.u32 s1, $0x8;
	s8 =	simm.s32 $0x1;
	s14 =	sand.u32 $0x80, s13  }
0x276: {  	s12 =	sand.u32 $0x3FFFFF80, s13;
	s3 =	sshll.u32 s17, $0x4;
	s1 =	sor.u32 s14, s1  }
0x277: {  	s3 =	sor.u32 s3, s12;
	s14 =	sand.u32 $0x7, s8;
	s1 =	sor.u32 s0, s1  }
0x278: {  	s17 =	sand.u32 $0x1E, s16;
	s16 =	simm.s32 $0x10;
	s18 =	sshrl.u32 s14, $0x2;
	v1 =	vld [tilespmem:s3+$0x15000];
	v2 =	vor.u32 s1, v0  }
0x279: {  	s8 =	simm.s32 $0x2;
	s0 =	simm.s32 $0x20;
	s13 =	sor.u32 s18, s17  }
0x27a: {  	s3 =	sshll.u32 s14, $0x4;
	s17 =	sand.u32 $0x80, s16;
	s13 =	sshll.u32 s13, $0x8  }
0x27b: {  	s12 =	sand.u32 $0x60, s0;
	s1 =	sand.u32 $0x3FFFFF80, s16;
	s13 =	sor.u32 s17, s13  }
.LBB2_36:
0x27c: {  	s14 =	sshrl.u32 s8, $0x3;
	s1 =	sor.u32 s3, s1  }
0x27d: {  	s3 =	sor.u32 s12, s13;
	[tilespmem:v2+s10+$0x0] =	vst.idx.msk $0xffff, v1;
	s12 =	smov.u32 s8;
	p0 =	sne.s32 s8, $0xFF  }
.Ltmp17:
0x27e: {  	s8 =	sadd.s32 $0x1, s8;
	s13 =	sand.u32 $0x7, s12;
	v1 =	vld [tilespmem:s1+$0x15000];
	v2 =	vor.u32 s3, v0;
	(pc) =	sbr.rel @p0 .LBB2_36-.Ltmp17, $4  }
0x27f: {  	s1 =	sand.u32 $0x1E, s14;
	s3 =	sshrl.u32 s13, $0x2  }
0x280: {  	s0 =	sadd.s32 $0x20, s0;
	s1 =	sor.u32 s3, s1;
	s3 =	sshll.u32 s12, $0x4  }
0x281: {  	s12 =	sand.u32 $0x60, s0;
	s14 =	sshll.u32 s1, $0x8;
	s16 =	sand.u32 $0x80, s3  }
0x282: {  	s1 =	sand.u32 $0x3FFFFF80, s3;
	s3 =	sshll.u32 s13, $0x4;
	s13 =	sor.u32 s16, s14  }
0x283: {  	_ =	sdelay $0x3  }
0x284: {  	s0 =	sor.u32 s3, s1;
	s18 =	sor.u32 s12, s13;
	[tilespmem:v2+s10+$0x0] =	vst.idx.msk $0xffff, v1  }
0x285: {  	v1 =	vld [tilespmem:s0+$0x15000];
	v2 =	vor.u32 s18, v0;
	_ =	sdelay $0x2  }
0x286: {  	s12 =	sld [smem:$0x7F7];
	_ =	sdelay $0x1  }
0x287: {  	s3 =	simm.s32 $0x0;
	[tilespmem:v2+s10+$0x0] =	vst.idx.msk $0xffff, v1  }
0x288: {  	[hbm4b:s12+s3] =	stream.linear.scatter [tilespmem:s10], [sflag:$0x8], $0x2000, $0x38;
	[tilespmem:$0x1E000] =	vst v63  }
0x289: {  	_ =	swait.ge [sflag:s29], $0x8000  }
0x28a: {  	[sflag:s29] =	ssyncset.done $0x0  }
0x28b: {  	[sflag:s29] =	ssyncadd.s32 $0xFFFF8000  }
0x28c: {  	_ =	swait.ge [sflag:s30], $0x4000  }
0x28d: {  	[sflag:s30] =	ssyncset.done $0x0  }
0x28e: {  	[sflag:s30] =	ssyncadd.s32 $0xFFFFC000  }
0x28f: {  	_ =	swait.ge [sflag:s11], $0x2000  }
0x290: {  	s13 =	sld [smem:$0x7F8]  }
0x291: {  	[sflag:s11] =	ssyncset.done $0x0  }
0x292: {  	[sflag:s11] =	ssyncadd.s32 $0xFFFFE000  }
0x293: {  	[tilespmem:s5], [sflag:$0x2] =	stream.linear.gather [hbm4b:s13+s3], $0xD000, $0x38;
	[tilespmem:$0x1E000] =	vst v63  }
0x294: {  	s16 =	simm.s32 $0x0;
	s8 =	simm.s32 $0x1;
	_ =	swait.ge [sflag:s6], $0xD000  }
0x295: {  	s17 =	sand.u32 $0x7, s3;
	s1 =	sand.u32 $0x1E, s16;
	[sflag:s6] =	ssyncset.done $0x0  }
0x296: {  	s18 =	sshrl.u32 s17, $0x2;
	s14 =	sld [smem:$0x7F9];
	[sflag:s6] =	ssyncadd.s32 $0xFFFF3000  }
0x297: {  	[hbm4b:s23+s3] =	stream.linear.scatter [tilespmem:s3], [sflag:$0x3], $0x4000, $0x38;
	[tilespmem:$0x1E000] =	vst v63  }
0x298: {  	s0 =	sand.u32 $0x60, s3;
	s1 =	sor.u32 s18, s1;
	s13 =	simm.s32 $0x0  }
0x299: {  	[hbm4b:s14+s3] =	stream.linear.scatter [tilespmem:s9], [sflag:$0x4], $0x8000, $0x38;
	[tilespmem:$0x1E000] =	vst v63  }
0x29a: {  	s16 =	simm.s32 $0x0;
	s1 =	sshll.u32 s1, $0x8;
	s14 =	sand.u32 $0x80, s13  }
0x29b: {  	s12 =	sand.u32 $0x3FFFFF80, s13;
	s3 =	sshll.u32 s17, $0x4;
	s1 =	sor.u32 s14, s1  }
0x29c: {  	s3 =	sor.u32 s3, s12;
	s14 =	sand.u32 $0x7, s8;
	s1 =	sor.u32 s0, s1  }
0x29d: {  	s17 =	sand.u32 $0x1E, s16;
	s16 =	simm.s32 $0x10;
	s18 =	sshrl.u32 s14, $0x2;
	v1 =	vld [tilespmem:s3+$0x4000];
	v2 =	vor.u32 s1, v0  }
0x29e: {  	s8 =	simm.s32 $0x2;
	s0 =	simm.s32 $0x20;
	s13 =	sor.u32 s18, s17  }
0x29f: {  	s3 =	sshll.u32 s14, $0x4;
	s17 =	sand.u32 $0x80, s16;
	s13 =	sshll.u32 s13, $0x8  }
0x2a0: {  	s12 =	sand.u32 $0x60, s0;
	s1 =	sand.u32 $0x3FFFFF80, s16;
	s13 =	sor.u32 s17, s13  }
.LBB2_38:
0x2a1: {  	s14 =	sshrl.u32 s8, $0x3;
	s1 =	sor.u32 s3, s1  }
0x2a2: {  	s3 =	sor.u32 s12, s13;
	[tilespmem:v2+s15+$0x0] =	vst.idx.msk $0xffff, v1;
	s12 =	smov.u32 s8;
	p0 =	sne.s32 s8, $0xFF  }
.Ltmp18:
0x2a3: {  	s8 =	sadd.s32 $0x1, s8;
	s13 =	sand.u32 $0x7, s12;
	v1 =	vld [tilespmem:s1+$0x4000];
	v2 =	vor.u32 s3, v0;
	(pc) =	sbr.rel @p0 .LBB2_38-.Ltmp18, $4  }
0x2a4: {  	s1 =	sand.u32 $0x1E, s14;
	s3 =	sshrl.u32 s13, $0x2  }
0x2a5: {  	s0 =	sadd.s32 $0x20, s0;
	s1 =	sor.u32 s3, s1;
	s3 =	sshll.u32 s12, $0x4  }
0x2a6: {  	s12 =	sand.u32 $0x60, s0;
	s14 =	sshll.u32 s1, $0x8;
	s16 =	sand.u32 $0x80, s3  }
0x2a7: {  	s1 =	sand.u32 $0x3FFFFF80, s3;
	s3 =	sshll.u32 s13, $0x4;
	s13 =	sor.u32 s16, s14  }
0x2a8: {  	_ =	sdelay $0x3  }
0x2a9: {  	s0 =	sor.u32 s3, s1;
	s18 =	sor.u32 s12, s13;
	[tilespmem:v2+s15+$0x0] =	vst.idx.msk $0xffff, v1  }
0x2aa: {  	v1 =	vld [tilespmem:s0+$0x4000];
	v2 =	vor.u32 s18, v0;
	_ =	sdelay $0x2  }
0x2ab: {  	s12 =	sld [smem:$0x7FA];
	_ =	sdelay $0x1  }
0x2ac: {  	s3 =	simm.s32 $0x0;
	[tilespmem:v2+s15+$0x0] =	vst.idx.msk $0xffff, v1  }
0x2ad: {  	[hbm4b:s12+s3] =	stream.linear.scatter [tilespmem:s15], [sflag:$0x7], $0x2000, $0x38;
	[tilespmem:$0x1E000] =	vst v63  }
0x2ae: {  	_ =	swait.ge [sflag:s26], $0xD000  }
0x2af: {  	s16 =	simm.s32 $0x0;
	s8 =	simm.s32 $0x1;
	s13 =	sld [smem:$0x7FB]  }
0x2b0: {  	s17 =	sand.u32 $0x7, s3;
	s1 =	sand.u32 $0x1E, s16;
	[sflag:s26] =	ssyncset.done $0x0  }
0x2b1: {  	s18 =	sshrl.u32 s17, $0x2;
	s14 =	sld [smem:$0x7FC];
	[sflag:s26] =	ssyncadd.s32 $0xFFFF3000  }
0x2b2: {  	[hbm4b:s13+s3] =	stream.linear.scatter [tilespmem:s5], [sflag:$0x5], $0x8000, $0x38;
	[tilespmem:$0x1E000] =	vst v63  }
0x2b3: {  	s0 =	sand.u32 $0x60, s3;
	s1 =	sor.u32 s18, s1;
	s13 =	simm.s32 $0x0  }
0x2b4: {  	[hbm4b:s14+s3] =	stream.linear.scatter [tilespmem:s28], [sflag:$0x6], $0x4000, $0x38;
	[tilespmem:$0x1E000] =	vst v63  }
0x2b5: {  	s16 =	simm.s32 $0x0;
	s1 =	sshll.u32 s1, $0x8;
	s14 =	sand.u32 $0x80, s13  }
0x2b6: {  	s12 =	sand.u32 $0x3FFFFF80, s13;
	s3 =	sshll.u32 s17, $0x4;
	s1 =	sor.u32 s14, s1  }
0x2b7: {  	s3 =	sor.u32 s3, s12;
	s14 =	sand.u32 $0x7, s8;
	s1 =	sor.u32 s0, s1  }
0x2b8: {  	s17 =	sand.u32 $0x1E, s16;
	s16 =	simm.s32 $0x10;
	s18 =	sshrl.u32 s14, $0x2;
	v1 =	vld [tilespmem:s3+$0x15000];
	v2 =	vor.u32 s1, v0  }
0x2b9: {  	s8 =	simm.s32 $0x2;
	s0 =	simm.s32 $0x20;
	s13 =	sor.u32 s18, s17  }
0x2ba: {  	s3 =	sshll.u32 s14, $0x4;
	s17 =	sand.u32 $0x80, s16;
	s13 =	sshll.u32 s13, $0x8  }
0x2bb: {  	s12 =	sand.u32 $0x60, s0;
	s1 =	sand.u32 $0x3FFFFF80, s16;
	s13 =	sor.u32 s17, s13  }
.LBB2_40:
0x2bc: {  	s14 =	sshrl.u32 s8, $0x3;
	s1 =	sor.u32 s3, s1  }
0x2bd: {  	s3 =	sor.u32 s12, s13;
	[tilespmem:v2+s10+$0x0] =	vst.idx.msk $0xffff, v1;
	s12 =	smov.u32 s8;
	p0 =	sne.s32 s8, $0xFF  }
.Ltmp19:
0x2be: {  	s8 =	sadd.s32 $0x1, s8;
	s13 =	sand.u32 $0x7, s12;
	v1 =	vld [tilespmem:s1+$0x15000];
	v2 =	vor.u32 s3, v0;
	(pc) =	sbr.rel @p0 .LBB2_40-.Ltmp19, $4  }
0x2bf: {  	s1 =	sand.u32 $0x1E, s14;
	s3 =	sshrl.u32 s13, $0x2  }
0x2c0: {  	s0 =	sadd.s32 $0x20, s0;
	s1 =	sor.u32 s3, s1;
	s3 =	sshll.u32 s12, $0x4  }
0x2c1: {  	s12 =	sand.u32 $0x60, s0;
	s14 =	sshll.u32 s1, $0x8;
	s16 =	sand.u32 $0x80, s3  }
0x2c2: {  	s1 =	sand.u32 $0x3FFFFF80, s3;
	s3 =	sshll.u32 s13, $0x4;
	s13 =	sor.u32 s16, s14  }
0x2c3: {  	_ =	sdelay $0x3  }
0x2c4: {  	s0 =	sor.u32 s3, s1;
	s16 =	sor.u32 s12, s13;
	[tilespmem:v2+s10+$0x0] =	vst.idx.msk $0xffff, v1  }
0x2c5: {  	v1 =	vld [tilespmem:s0+$0x15000];
	v2 =	vor.u32 s16, v0;
	_ =	sdelay $0x2  }
0x2c6: {  	s17 =	sld [smem:$0x7FD];
	_ =	sdelay $0x1  }
0x2c7: {  	[tilespmem:v2+s10+$0x0] =	vst.idx.msk $0xffff, v1  }
0x2c8: {  	[hbm4b:s17+s2] =	stream.linear.scatter [tilespmem:s10], [sflag:$0x8], $0x2000, $0x38;
	[tilespmem:$0x1E000] =	vst v63  }
0x2c9: {  	_ =	swait.ge [sflag:s24], $0x4000  }
0x2ca: {  	[sflag:s24] =	ssyncset.done $0x0  }
0x2cb: {  	[sflag:s24] =	ssyncadd.s32 $0xFFFFC000  }
0x2cc: {  	_ =	swait.ge [sflag:s7], $0x8000  }
0x2cd: {  	[sflag:s7] =	ssyncset.done $0x0  }
0x2ce: {  	[sflag:s7] =	ssyncadd.s32 $0xFFFF8000  }
0x2cf: {  	_ =	swait.ge [sflag:s25], $0x2000  }
0x2d0: {  	[sflag:s25] =	ssyncset.done $0x0  }
0x2d1: {  	[sflag:s25] =	ssyncadd.s32 $0xFFFFE000  }
0x2d2: {  	_ =	swait.ge [sflag:s29], $0x8000  }
0x2d3: {  	[sflag:s29] =	ssyncset.done $0x0  }
0x2d4: {  	[sflag:s29] =	ssyncadd.s32 $0xFFFF8000  }
0x2d5: {  	_ =	swait.ge [sflag:s30], $0x4000  }
0x2d6: {  	[sflag:s30] =	ssyncset.done $0x0  }
0x2d7: {  	[sflag:s30] =	ssyncadd.s32 $0xFFFFC000  }
0x2d8: {  	_ =	swait.ge [sflag:s11], $0x2000  }
0x2d9: {  	s31 =	sadd.s32 $0x1, s31;
	s18 =	rddreg [dreg:$0x15]  }
0x2da: {  	p0 =	sne.s32 s31, s18  }
.Ltmp20:
0x2db: {  	_ = 	snop;
	(pc) =	sbr.rel @p0 .LBB2_1-.Ltmp20, $3  }
0x2dc: {  	_ =	sdelay $0x1  }
0x2dd: {  	[sflag:s11] =	ssyncset.done $0x0  }
0x2de: {  	[sflag:s11] =	ssyncadd.s32 $0xFFFFE000  }
0x2df: {  	_ =	sfence.sel $0x180000  }
0x2e0: {  	[bflag:$0x0] =	sbarrier.arrive $0xFFFF  }
0x2e1: {  	_ =	strace $0x90000047  }
0x2e2: {  	s0 =	stileid.u32;
	[bflag:$0x2] =	sbarrier.arrive $0xFFFF  }
0x2e3: {  	p0 =	sne.s32 s0, $0x0;
	s0 =	rddreg [dreg:$0x3]  }
0x2e4: {  	s0 =	sadd.s32 @!p0 $0x100000, s0  }
0x2e5: {  	[sflag:s0] =	ssyncadd.tile.s32 @!p0 $0x1;
	_ =	shalt  }
.Lfunc_end2:
_tile_overlayer_lowered:
.L_overlay_start_2:
0x2e6: {  	(tag) =	ssettag $0x2  }
0x2e7: {  	s0 =	rddreg [dreg:$0x0];
	s2 =	stileid.u32  }
0x2e8: {  	s1 =	rddreg [dreg:$0x1];
	p0 =	sne.s32 s2, $0x0  }
0x2e9: {  	s3 =	rddreg [dreg:$0x2];
	[bflag:$0x3] =	sbarrier.arrive $0xFFFF;
	s2 =	simm.s32 @!p0 $0x1C09  }
0x2ea: {  	[timem:s3], [sflag:s2] =	dma.local @!p0 [hbm:s0], s1  }
0x2eb: {  	s0 =	simm.s32 @!p0 $0x9  }
0x2ec: {  	_ =	swait.ge @!p0 [sflag:s0], s1  }
0x2ed: {  	s1 =	ssub.s32 @!p0 $0x0, s1;
	[sflag:s0] =	ssyncset.done @!p0 $0x0  }
0x2ee: {  	[sflag:s0] =	ssyncadd.s32 @!p0 s1  }
0x2ef: {  	[bflag:$0x3] =	sbarrier.arrive $0xFFFF  }
0x2f0: {  	_ =	shalt  }

</sc_bundles>
